<compile_context>
chip_gen: v7x
topology: tpu7x:2x2x1
jax: 0.10.2.dev20260603
libtpu: 0.0.44.dev20260713+nightly
codegen_flags: <defaults>
</compile_context>

<pallas_src>
import functools

import jax
import jax.numpy as jnp
from jax import lax
from jax.experimental import pallas as pl
from jax.experimental.pallas import tpu as pltpu
from jax.experimental.pallas import tpu_sc as plsc


def _sc_add_kernel(total, pe_total, ch):
    info = plsc.get_sparse_core_info()
    nw = info.num_cores * info.num_subcores
    span = total // nw
    chunks = span // ch
    nbuf = 2
    unroll = 16

    mesh = plsc.VectorSubcoreMesh(core_axis_name="c", subcore_axis_name="s")

    @functools.partial(
        pl.kernel,
        mesh=mesh,
        out_type=jax.ShapeDtypeStruct((total,), jnp.float32),
        scratch_types=[
            pltpu.VMEM((nbuf, ch), jnp.float32),
            pltpu.VMEM((nbuf, ch), jnp.float32),
            pltpu.VMEM((nbuf, ch), jnp.float32),
            pltpu.SemaphoreType.DMA,
            pltpu.SemaphoreType.DMA,
            pltpu.SemaphoreType.DMA,
            pltpu.SemaphoreType.DMA,
            pltpu.SemaphoreType.DMA,
            pltpu.SemaphoreType.DMA,
        ],
    )
    def k(x_hbm, pe_hbm, out_hbm, xv, pv, ov, sx0, sx1, sp0, sp1, so0, so1):
        sx = (sx0, sx1)
        sp = (sp0, sp1)
        so = (so0, so1)
        wid = lax.axis_index("s") * info.num_cores + lax.axis_index("c")
        base = wid * span
        pe_base = lax.rem(base, pe_total)

        def start_loads(cc, b):
            off = cc * ch
            pltpu.make_async_copy(
                x_hbm.at[pl.ds(base + off, ch)], xv.at[b], sx[b]).start()
            pltpu.make_async_copy(
                pe_hbm.at[pl.ds(pe_base + off, ch)], pv.at[b], sp[b]).start()

        def wait_loads(b):
            pltpu.make_async_copy(x_hbm.at[pl.ds(0, ch)], xv.at[b], sx[b]).wait()
            pltpu.make_async_copy(pe_hbm.at[pl.ds(0, ch)], pv.at[b], sp[b]).wait()

        def start_store(cc, b):
            pltpu.make_async_copy(
                ov.at[b], out_hbm.at[pl.ds(base + cc * ch, ch)], so[b]).start()

        def wait_store(b):
            pltpu.make_async_copy(ov.at[b], out_hbm.at[pl.ds(0, ch)], so[b]).wait()

        def compute(b):
            xvb, pvb, ovb = xv.at[b], pv.at[b], ov.at[b]

            def add_body(j, carry):
                o = j * (16 * unroll)
                for u in range(unroll):
                    s = pl.ds(o + u * 16, 16)
                    ovb[s] = xvb[s] + pvb[s]
                return carry

            lax.fori_loop(0, ch // (16 * unroll), add_body, 0)

        for b in range(nbuf):
            start_loads(b, b)
        for b in range(nbuf):
            wait_loads(b)
            compute(b)
            start_store(b, b)
            start_loads(b + nbuf, b)

        def body(kk, carry):
            for b in range(nbuf):
                cc = kk * nbuf + b
                wait_loads(b)
                wait_store(b)
                compute(b)
                start_store(cc, b)

                @pl.when(cc + nbuf < chunks)
                def _():
                    start_loads(cc + nbuf, b)

            return carry

        lax.fori_loop(1, chunks // nbuf, body, 0)

        for b in range(nbuf):
            wait_store(b)

    return k


def kernel(x, pe):
    B, S, D = x.shape
    total = B * S * D
    pe_total = S * D
    out_flat = _sc_add_kernel(total, pe_total, 16384)(
        x.reshape(total), pe.reshape(pe_total))
    return out_flat.reshape(B, S, D)

# --- scband reference (transcript-rebuilt; emitter-appended) ---
"""Pipeline reference for scband-learned-positional-embedding-36026185679198 (READ-ONLY COPY).

The authoritative reference and input builder live on the scoring server;
editing this copy changes nothing except your own understanding.
"""

import jax, jax.numpy as jnp
import numpy as np

MAX_LEN = 8192
D_MODEL = 1024
BATCH = 4
SEQ_LEN = 8192

def setup_inputs(seed: int = 0) -> dict:
    key = jax.random.key(seed)
    kx, kpe = jax.random.split(key)
    x = jax.random.normal(kx, (BATCH, SEQ_LEN, D_MODEL), dtype=jnp.float32)
    # nn.Embedding default init: N(0, 1)
    pe = jax.random.normal(kpe, (MAX_LEN, D_MODEL), dtype=jnp.float32)
    return {"x": x, "pe": pe}

def reference(x, pe):
    batch_size, seq_len, _ = x.shape
    positions = jnp.arange(0, seq_len)[None, :]
    positions = jnp.broadcast_to(positions, (batch_size, seq_len))
    pos_emb = jnp.take(pe, positions, axis=0)  # [B, S, d_model]
    out = x + pos_emb
    # dropout p=0.0 (eval / identity)
    return out

if __name__ == "__main__":
    import jax
    _d = setup_inputs()
    print(jax.jit(kernel)(*tuple(_d.values())))

</pallas_src>

<mosaic_0001>
#map = affine_map<(d0, d1) -> (0)>
module attributes {stable_mosaic.version = 14 : i64} {
  func.func @k(%arg0: i32, %arg1: i32, %arg2: memref<33554432xf32, #tpu.memory_space<hbm>>, %arg3: memref<8388608xf32, #tpu.memory_space<hbm>>, %arg4: memref<33554432xf32, #tpu.memory_space<hbm>>, %arg5: memref<2x16384xf32, #tpu.memory_space<vmem>>, %arg6: memref<2x16384xf32, #tpu.memory_space<vmem>>, %arg7: memref<2x16384xf32, #tpu.memory_space<vmem>>, %arg8: memref<!tpu.dma_semaphore, #tpu.memory_space<semaphore_mem>>, %arg9: memref<!tpu.dma_semaphore, #tpu.memory_space<semaphore_mem>>, %arg10: memref<!tpu.dma_semaphore, #tpu.memory_space<semaphore_mem>>, %arg11: memref<!tpu.dma_semaphore, #tpu.memory_space<semaphore_mem>>, %arg12: memref<!tpu.dma_semaphore, #tpu.memory_space<semaphore_mem>>, %arg13: memref<!tpu.dma_semaphore, #tpu.memory_space<semaphore_mem>>) attributes {dimension_semantics = [#tpu.dimension_semantics<core_parallel>, #tpu.dimension_semantics<subcore_parallel>], iteration_bounds = array<i64: 2, 16>, scalar_prefetch = 0 : i64, scratch_operands = 9 : i64, tpu.core_type = #tpu.core_type<sc_vector_subcore>, window_params = [{transform_indices = #map}, {transform_indices = #map}, {transform_indices = #map}]} {
    %mul3A = arith.constant 2 : i32
    %mul3A_0 = arith.muli %arg1, %mul3A : i32
    %add3A = arith.addi %mul3A_0, %arg0 : i32
    %mul3A_1 = arith.constant 1048576 : i32
    %mul3A_2 = arith.muli %add3A, %mul3A_1 : i32
    %rem3A = arith.constant 8388608 : i32
    %rem3A_3 = arith.remsi %mul3A_2, %rem3A : i32
    %add3A_4 = arith.constant 0 : i32
    %add3A_5 = arith.addi %mul3A_2, %add3A_4 : i32
    %dma_start3A = arith.constant 0 : i32
    %dma_start3A_6 = arith.constant 0 : i32
    %dma_start3A_7 = tpu.memref_slice %arg5[%dma_start3A, %dma_start3A_6] : memref<2x16384xf32, #tpu.memory_space<vmem>> -> memref<1x16384xf32, #tpu.memory_space<vmem>>
    %dma_start3A_8 = tpu.memref_squeeze %dma_start3A_7 : memref<1x16384xf32, #tpu.memory_space<vmem>> -> memref<16384xf32, #tpu.memory_space<vmem>>
    %dma_start3A_9 = tpu.memref_slice %arg2[%add3A_5] : memref<33554432xf32, #tpu.memory_space<hbm>> -> memref<16384xf32, #tpu.memory_space<hbm>>
    %dma_start3A_10 = arith.constant 0 : i32
    %dma_start3A_11 = tpu.memref_slice %arg5[%dma_start3A, %dma_start3A_10] : memref<2x16384xf32, #tpu.memory_space<vmem>> -> memref<1x16384xf32, #tpu.memory_space<vmem>>
    %dma_start3A_12 = tpu.memref_squeeze %dma_start3A_11 : memref<1x16384xf32, #tpu.memory_space<vmem>> -> memref<16384xf32, #tpu.memory_space<vmem>>
    %dma_start3A_13 = tpu.memref_slice %arg2[%add3A_5] : memref<33554432xf32, #tpu.memory_space<hbm>> -> memref<16384xf32, #tpu.memory_space<hbm>>
    tpu.enqueue_dma source(%dma_start3A_13 : memref<16384xf32, #tpu.memory_space<hbm>>) target(%dma_start3A_12 : memref<16384xf32, #tpu.memory_space<vmem>>) target_semaphore(%arg8 : memref<!tpu.dma_semaphore, #tpu.memory_space<semaphore_mem>>)
    %add3A_14 = arith.constant 0 : i32
    %add3A_15 = arith.addi %rem3A_3, %add3A_14 : i32
    %dma_start3A_16 = arith.constant 0 : i32
    %dma_start3A_17 = arith.constant 0 : i32
    %dma_start3A_18 = tpu.memref_slice %arg6[%dma_start3A_16, %dma_start3A_17] : memref<2x16384xf32, #tpu.memory_space<vmem>> -> memref<1x16384xf32, #tpu.memory_space<vmem>>
    %dma_start3A_19 = tpu.memref_squeeze %dma_start3A_18 : memref<1x16384xf32, #tpu.memory_space<vmem>> -> memref<16384xf32, #tpu.memory_space<vmem>>
    %dma_start3A_20 = tpu.memref_slice %arg3[%add3A_15] : memref<8388608xf32, #tpu.memory_space<hbm>> -> memref<16384xf32, #tpu.memory_space<hbm>>
    %dma_start3A_21 = arith.constant 0 : i32
    %dma_start3A_22 = tpu.memref_slice %arg6[%dma_start3A_16, %dma_start3A_21] : memref<2x16384xf32, #tpu.memory_space<vmem>> -> memref<1x16384xf32, #tpu.memory_space<vmem>>
    %dma_start3A_23 = tpu.memref_squeeze %dma_start3A_22 : memref<1x16384xf32, #tpu.memory_space<vmem>> -> memref<16384xf32, #tpu.memory_space<vmem>>
    %dma_start3A_24 = tpu.memref_slice %arg3[%add3A_15] : memref<8388608xf32, #tpu.memory_space<hbm>> -> memref<16384xf32, #tpu.memory_space<hbm>>
    tpu.enqueue_dma source(%dma_start3A_24 : memref<16384xf32, #tpu.memory_space<hbm>>) target(%dma_start3A_23 : memref<16384xf32, #tpu.memory_space<vmem>>) target_semaphore(%arg10 : memref<!tpu.dma_semaphore, #tpu.memory_space<semaphore_mem>>)
    %add3A_25 = arith.constant 16384 : i32
    %add3A_26 = arith.addi %mul3A_2, %add3A_25 : i32
    %dma_start3A_27 = arith.constant 1 : i32
    %dma_start3A_28 = arith.constant 0 : i32
    %dma_start3A_29 = tpu.memref_slice %arg5[%dma_start3A_27, %dma_start3A_28] : memref<2x16384xf32, #tpu.memory_space<vmem>> -> memref<1x16384xf32, #tpu.memory_space<vmem>>
    %dma_start3A_30 = tpu.memref_squeeze %dma_start3A_29 : memref<1x16384xf32, #tpu.memory_space<vmem>> -> memref<16384xf32, #tpu.memory_space<vmem>>
    %dma_start3A_31 = tpu.memref_slice %arg2[%add3A_26] : memref<33554432xf32, #tpu.memory_space<hbm>> -> memref<16384xf32, #tpu.memory_space<hbm>>
    %dma_start3A_32 = arith.constant 0 : i32
    %dma_start3A_33 = tpu.memref_slice %arg5[%dma_start3A_27, %dma_start3A_32] : memref<2x16384xf32, #tpu.memory_space<vmem>> -> memref<1x16384xf32, #tpu.memory_space<vmem>>
    %dma_start3A_34 = tpu.memref_squeeze %dma_start3A_33 : memref<1x16384xf32, #tpu.memory_space<vmem>> -> memref<16384xf32, #tpu.memory_space<vmem>>
    %dma_start3A_35 = tpu.memref_slice %arg2[%add3A_26] : memref<33554432xf32, #tpu.memory_space<hbm>> -> memref<16384xf32, #tpu.memory_space<hbm>>
    tpu.enqueue_dma source(%dma_start3A_35 : memref<16384xf32, #tpu.memory_space<hbm>>) target(%dma_start3A_34 : memref<16384xf32, #tpu.memory_space<vmem>>) target_semaphore(%arg9 : memref<!tpu.dma_semaphore, #tpu.memory_space<semaphore_mem>>)
    %add3A_36 = arith.constant 16384 : i32
    %add3A_37 = arith.addi %rem3A_3, %add3A_36 : i32
    %dma_start3A_38 = arith.constant 1 : i32
    %dma_start3A_39 = arith.constant 0 : i32
    %dma_start3A_40 = tpu.memref_slice %arg6[%dma_start3A_38, %dma_start3A_39] : memref<2x16384xf32, #tpu.memory_space<vmem>> -> memref<1x16384xf32, #tpu.memory_space<vmem>>
    %dma_start3A_41 = tpu.memref_squeeze %dma_start3A_40 : memref<1x16384xf32, #tpu.memory_space<vmem>> -> memref<16384xf32, #tpu.memory_space<vmem>>
    %dma_start3A_42 = tpu.memref_slice %arg3[%add3A_37] : memref<8388608xf32, #tpu.memory_space<hbm>> -> memref<16384xf32, #tpu.memory_space<hbm>>
    %dma_start3A_43 = arith.constant 0 : i32
    %dma_start3A_44 = tpu.memref_slice %arg6[%dma_start3A_38, %dma_start3A_43] : memref<2x16384xf32, #tpu.memory_space<vmem>> -> memref<1x16384xf32, #tpu.memory_space<vmem>>
    %dma_start3A_45 = tpu.memref_squeeze %dma_start3A_44 : memref<1x16384xf32, #tpu.memory_space<vmem>> -> memref<16384xf32, #tpu.memory_space<vmem>>
    %dma_start3A_46 = tpu.memref_slice %arg3[%add3A_37] : memref<8388608xf32, #tpu.memory_space<hbm>> -> memref<16384xf32, #tpu.memory_space<hbm>>
    tpu.enqueue_dma source(%dma_start3A_46 : memref<16384xf32, #tpu.memory_space<hbm>>) target(%dma_start3A_45 : memref<16384xf32, #tpu.memory_space<vmem>>) target_semaphore(%arg11 : memref<!tpu.dma_semaphore, #tpu.memory_space<semaphore_mem>>)
    %dma_wait3A = arith.constant 0 : i32
    %dma_wait3A_47 = arith.constant 0 : i32
    %dma_wait3A_48 = tpu.memref_slice %arg5[%dma_wait3A, %dma_wait3A_47] : memref<2x16384xf32, #tpu.memory_space<vmem>> -> memref<1x16384xf32, #tpu.memory_space<vmem>>
    %dma_wait3A_49 = tpu.memref_squeeze %dma_wait3A_48 : memref<1x16384xf32, #tpu.memory_space<vmem>> -> memref<16384xf32, #tpu.memory_space<vmem>>
    %dma_wait3A_50 = arith.constant 0 : i32
    %dma_wait3A_51 = tpu.memref_slice %arg2[%dma_wait3A_50] : memref<33554432xf32, #tpu.memory_space<hbm>> -> memref<16384xf32, #tpu.memory_space<hbm>>
    %dma_wait3A_52 = arith.constant 0 : i32
    %dma_wait3A_53 = tpu.memref_slice %arg5[%dma_wait3A, %dma_wait3A_52] : memref<2x16384xf32, #tpu.memory_space<vmem>> -> memref<1x16384xf32, #tpu.memory_space<vmem>>
    %dma_wait3A_54 = tpu.memref_squeeze %dma_wait3A_53 : memref<1x16384xf32, #tpu.memory_space<vmem>> -> memref<16384xf32, #tpu.memory_space<vmem>>
    %dma_wait3A_55 = arith.constant 0 : i32
    %dma_wait3A_56 = tpu.memref_slice %arg2[%dma_wait3A_55] : memref<33554432xf32, #tpu.memory_space<hbm>> -> memref<16384xf32, #tpu.memory_space<hbm>>
    tpu.wait_dma2 semaphore(%arg8 : memref<!tpu.dma_semaphore, #tpu.memory_space<semaphore_mem>>) src(%dma_wait3A_56 : memref<16384xf32, #tpu.memory_space<hbm>>) dst(%dma_wait3A_54 : memref<16384xf32, #tpu.memory_space<vmem>>)
    %dma_wait3A_57 = arith.constant 0 : i32
    %dma_wait3A_58 = arith.constant 0 : i32
    %dma_wait3A_59 = tpu.memref_slice %arg6[%dma_wait3A_57, %dma_wait3A_58] : memref<2x16384xf32, #tpu.memory_space<vmem>> -> memref<1x16384xf32, #tpu.memory_space<vmem>>
    %dma_wait3A_60 = tpu.memref_squeeze %dma_wait3A_59 : memref<1x16384xf32, #tpu.memory_space<vmem>> -> memref<16384xf32, #tpu.memory_space<vmem>>
    %dma_wait3A_61 = arith.constant 0 : i32
    %dma_wait3A_62 = tpu.memref_slice %arg3[%dma_wait3A_61] : memref<8388608xf32, #tpu.memory_space<hbm>> -> memref<16384xf32, #tpu.memory_space<hbm>>
    %dma_wait3A_63 = arith.constant 0 : i32
    %dma_wait3A_64 = tpu.memref_slice %arg6[%dma_wait3A_57, %dma_wait3A_63] : memref<2x16384xf32, #tpu.memory_space<vmem>> -> memref<1x16384xf32, #tpu.memory_space<vmem>>
    %dma_wait3A_65 = tpu.memref_squeeze %dma_wait3A_64 : memref<1x16384xf32, #tpu.memory_space<vmem>> -> memref<16384xf32, #tpu.memory_space<vmem>>
    %dma_wait3A_66 = arith.constant 0 : i32
    %dma_wait3A_67 = tpu.memref_slice %arg3[%dma_wait3A_66] : memref<8388608xf32, #tpu.memory_space<hbm>> -> memref<16384xf32, #tpu.memory_space<hbm>>
    tpu.wait_dma2 semaphore(%arg10 : memref<!tpu.dma_semaphore, #tpu.memory_space<semaphore_mem>>) src(%dma_wait3A_67 : memref<16384xf32, #tpu.memory_space<hbm>>) dst(%dma_wait3A_65 : memref<16384xf32, #tpu.memory_space<vmem>>)
    %scan3A = arith.constant 0 : i32
    %scan3A_68 = arith.constant 0 : i32
    %scan3A_69 = arith.constant 0 : i32
    %scan3A_70 = arith.constant 0 : i32
    %scan3A_71 = arith.constant 0 : i32
    %scan3A_72 = arith.constant 64 : i32
    %scan3A_73 = arith.addi %scan3A_71, %scan3A_72 : i32
    %scan3A_74 = arith.constant 1 : i32
    scf.for %scan3A_201 = %scan3A_71 to %scan3A_73 step %scan3A_74  : i32 {
      %mul3A_202 = arith.constant 256 : i32
      %mul3A_203 = arith.muli %scan3A_201, %mul3A_202 : i32
      %add3A_204 = arith.constant 0 : i32
      %add3A_205 = arith.addi %mul3A_203, %add3A_204 : i32
      %get3A = arith.constant 0 : i32
      %get3A_206 = tpu.memref_slice %arg5[%scan3A_68, %get3A] : memref<2x16384xf32, #tpu.memory_space<vmem>> -> memref<1x16384xf32, #tpu.memory_space<vmem>>
      %get3A_207 = tpu.memref_squeeze %get3A_206 : memref<1x16384xf32, #tpu.memory_space<vmem>> -> memref<16384xf32, #tpu.memory_space<vmem>>
      %get3A_208 = arith.index_cast %add3A_205 : i32 to index
      %get3A_209 = tpu.vector_load %get3A_207[%get3A_208] {strides = array<i32>} : memref<16384xf32, #tpu.memory_space<vmem>>, vector<16xf32>,
      %get3A_210 = vector.shape_cast %get3A_209 : vector<16xf32> to vector<16xf32>
      %get3A_211 = arith.constant 0 : i32
      %get3A_212 = tpu.memref_slice %arg6[%scan3A_69, %get3A_211] : memref<2x16384xf32, #tpu.memory_space<vmem>> -> memref<1x16384xf32, #tpu.memory_space<vmem>>
      %get3A_213 = tpu.memref_squeeze %get3A_212 : memref<1x16384xf32, #tpu.memory_space<vmem>> -> memref<16384xf32, #tpu.memory_space<vmem>>
      %get3A_214 = arith.index_cast %add3A_205 : i32 to index
      %get3A_215 = tpu.vector_load %get3A_213[%get3A_214] {strides = array<i32>} : memref<16384xf32, #tpu.memory_space<vmem>>, vector<16xf32>,
      %get3A_216 = vector.shape_cast %get3A_215 : vector<16xf32> to vector<16xf32>
      %add3A_217 = arith.addf %get3A_210, %get3A_216 : vector<16xf32>
      %swap3A = arith.constant 0 : i32
      %swap3A_218 = tpu.memref_slice %arg7[%scan3A_70, %swap3A] : memref<2x16384xf32, #tpu.memory_space<vmem>> -> memref<1x16384xf32, #tpu.memory_space<vmem>>
      %swap3A_219 = tpu.memref_squeeze %swap3A_218 : memref<1x16384xf32, #tpu.memory_space<vmem>> -> memref<16384xf32, #tpu.memory_space<vmem>>
      %swap3A_220 = arith.index_cast %add3A_205 : i32 to index
      %swap3A_221 = tpu.vector_load %swap3A_219[%swap3A_220] {strides = array<i32>} : memref<16384xf32, #tpu.memory_space<vmem>>, vector<16xf32>,
      %swap3A_222 = vector.shape_cast %swap3A_221 : vector<16xf32> to vector<16xf32>
      %swap3A_223 = vector.shape_cast %add3A_217 : vector<16xf32> to vector<16xf32>
      tpu.vector_store %swap3A_219[%swap3A_220], %swap3A_223 {strides = array<i32>} : memref<16384xf32, #tpu.memory_space<vmem>>, vector<16xf32>,
      %add3A_224 = arith.constant 16 : i32
      %add3A_225 = arith.addi %mul3A_203, %add3A_224 : i32
      %get3A_226 = arith.constant 0 : i32
      %get3A_227 = tpu.memref_slice %arg5[%scan3A_68, %get3A_226] : memref<2x16384xf32, #tpu.memory_space<vmem>> -> memref<1x16384xf32, #tpu.memory_space<vmem>>
      %get3A_228 = tpu.memref_squeeze %get3A_227 : memref<1x16384xf32, #tpu.memory_space<vmem>> -> memref<16384xf32, #tpu.memory_space<vmem>>
      %get3A_229 = arith.index_cast %add3A_225 : i32 to index
      %get3A_230 = tpu.vector_load %get3A_228[%get3A_229] {strides = array<i32>} : memref<16384xf32, #tpu.memory_space<vmem>>, vector<16xf32>,
      %get3A_231 = vector.shape_cast %get3A_230 : vector<16xf32> to vector<16xf32>
      %get3A_232 = arith.constant 0 : i32
      %get3A_233 = tpu.memref_slice %arg6[%scan3A_69, %get3A_232] : memref<2x16384xf32, #tpu.memory_space<vmem>> -> memref<1x16384xf32, #tpu.memory_space<vmem>>
      %get3A_234 = tpu.memref_squeeze %get3A_233 : memref<1x16384xf32, #tpu.memory_space<vmem>> -> memref<16384xf32, #tpu.memory_space<vmem>>
      %get3A_235 = arith.index_cast %add3A_225 : i32 to index
      %get3A_236 = tpu.vector_load %get3A_234[%get3A_235] {strides = array<i32>} : memref<16384xf32, #tpu.memory_space<vmem>>, vector<16xf32>,
      %get3A_237 = vector.shape_cast %get3A_236 : vector<16xf32> to vector<16xf32>
      %add3A_238 = arith.addf %get3A_231, %get3A_237 : vector<16xf32>
      %swap3A_239 = arith.constant 0 : i32
      %swap3A_240 = tpu.memref_slice %arg7[%scan3A_70, %swap3A_239] : memref<2x16384xf32, #tpu.memory_space<vmem>> -> memref<1x16384xf32, #tpu.memory_space<vmem>>
      %swap3A_241 = tpu.memref_squeeze %swap3A_240 : memref<1x16384xf32, #tpu.memory_space<vmem>> -> memref<16384xf32, #tpu.memory_space<vmem>>
      %swap3A_242 = arith.index_cast %add3A_225 : i32 to index
      %swap3A_243 = tpu.vector_load %swap3A_241[%swap3A_242] {strides = array<i32>} : memref<16384xf32, #tpu.memory_space<vmem>>, vector<16xf32>,
      %swap3A_244 = vector.shape_cast %swap3A_243 : vector<16xf32> to vector<16xf32>
      %swap3A_245 = vector.shape_cast %add3A_238 : vector<16xf32> to vector<16xf32>
      tpu.vector_store %swap3A_241[%swap3A_242], %swap3A_245 {strides = array<i32>} : memref<16384xf32, #tpu.memory_space<vmem>>, vector<16xf32>,
      %add3A_246 = arith.constant 32 : i32
      %add3A_247 = arith.addi %mul3A_203, %add3A_246 : i32
      %get3A_248 = arith.constant 0 : i32
      %get3A_249 = tpu.memref_slice %arg5[%scan3A_68, %get3A_248] : memref<2x16384xf32, #tpu.memory_space<vmem>> -> memref<1x16384xf32, #tpu.memory_space<vmem>>
      %get3A_250 = tpu.memref_squeeze %get3A_249 : memref<1x16384xf32, #tpu.memory_space<vmem>> -> memref<16384xf32, #tpu.memory_space<vmem>>
      %get3A_251 = arith.index_cast %add3A_247 : i32 to index
      %get3A_252 = tpu.vector_load %get3A_250[%get3A_251] {strides = array<i32>} : memref<16384xf32, #tpu.memory_space<vmem>>, vector<16xf32>,
      %get3A_253 = vector.shape_cast %get3A_252 : vector<16xf32> to vector<16xf32>
      %get3A_254 = arith.constant 0 : i32
      %get3A_255 = tpu.memref_slice %arg6[%scan3A_69, %get3A_254] : memref<2x16384xf32, #tpu.memory_space<vmem>> -> memref<1x16384xf32, #tpu.memory_space<vmem>>
      %get3A_256 = tpu.memref_squeeze %get3A_255 : memref<1x16384xf32, #tpu.memory_space<vmem>> -> memref<16384xf32, #tpu.memory_space<vmem>>
      %get3A_257 = arith.index_cast %add3A_247 : i32 to index
      %get3A_258 = tpu.vector_load %get3A_256[%get3A_257] {strides = array<i32>} : memref<16384xf32, #tpu.memory_space<vmem>>, vector<16xf32>,
      %get3A_259 = vector.shape_cast %get3A_258 : vector<16xf32> to vector<16xf32>
      %add3A_260 = arith.addf %get3A_253, %get3A_259 : vector<16xf32>
      %swap3A_261 = arith.constant 0 : i32
      %swap3A_262 = tpu.memref_slice %arg7[%scan3A_70, %swap3A_261] : memref<2x16384xf32, #tpu.memory_space<vmem>> -> memref<1x16384xf32, #tpu.memory_space<vmem>>
      %swap3A_263 = tpu.memref_squeeze %swap3A_262 : memref<1x16384xf32, #tpu.memory_space<vmem>> -> memref<16384xf32, #tpu.memory_space<vmem>>
      %swap3A_264 = arith.index_cast %add3A_247 : i32 to index
      %swap3A_265 = tpu.vector_load %swap3A_263[%swap3A_264] {strides = array<i32>} : memref<16384xf32, #tpu.memory_space<vmem>>, vector<16xf32>,
      %swap3A_266 = vector.shape_cast %swap3A_265 : vector<16xf32> to vector<16xf32>
      %swap3A_267 = vector.shape_cast %add3A_260 : vector<16xf32> to vector<16xf32>
      tpu.vector_store %swap3A_263[%swap3A_264], %swap3A_267 {strides = array<i32>} : memref<16384xf32, #tpu.memory_space<vmem>>, vector<16xf32>,
      %add3A_268 = arith.constant 48 : i32
      %add3A_269 = arith.addi %mul3A_203, %add3A_268 : i32
      %get3A_270 = arith.constant 0 : i32
      %get3A_271 = tpu.memref_slice %arg5[%scan3A_68, %get3A_270] : memref<2x16384xf32, #tpu.memory_space<vmem>> -> memref<1x16384xf32, #tpu.memory_space<vmem>>
      %get3A_272 = tpu.memref_squeeze %get3A_271 : memref<1x16384xf32, #tpu.memory_space<vmem>> -> memref<16384xf32, #tpu.memory_space<vmem>>
      %get3A_273 = arith.index_cast %add3A_269 : i32 to index
      %get3A_274 = tpu.vector_load %get3A_272[%get3A_273] {strides = array<i32>} : memref<16384xf32, #tpu.memory_space<vmem>>, vector<16xf32>,
      %get3A_275 = vector.shape_cast %get3A_274 : vector<16xf32> to vector<16xf32>
      %get3A_276 = arith.constant 0 : i32
      %get3A_277 = tpu.memref_slice %arg6[%scan3A_69, %get3A_276] : memref<2x16384xf32, #tpu.memory_space<vmem>> -> memref<1x16384xf32, #tpu.memory_space<vmem>>
      %get3A_278 = tpu.memref_squeeze %get3A_277 : memref<1x16384xf32, #tpu.memory_space<vmem>> -> memref<16384xf32, #tpu.memory_space<vmem>>
      %get3A_279 = arith.index_cast %add3A_269 : i32 to index
      %get3A_280 = tpu.vector_load %get3A_278[%get3A_279] {strides = array<i32>} : memref<16384xf32, #tpu.memory_space<vmem>>, vector<16xf32>,
      %get3A_281 = vector.shape_cast %get3A_280 : vector<16xf32> to vector<16xf32>
      %add3A_282 = arith.addf %get3A_275, %get3A_281 : vector<16xf32>
      %swap3A_283 = arith.constant 0 : i32
      %swap3A_284 = tpu.memref_slice %arg7[%scan3A_70, %swap3A_283] : memref<2x16384xf32, #tpu.memory_space<vmem>> -> memref<1x16384xf32, #tpu.memory_space<vmem>>
      %swap3A_285 = tpu.memref_squeeze %swap3A_284 : memref<1x16384xf32, #tpu.memory_space<vmem>> -> memref<16384xf32, #tpu.memory_space<vmem>>
      %swap3A_286 = arith.index_cast %add3A_269 : i32 to index
      %swap3A_287 = tpu.vector_load %swap3A_285[%swap3A_286] {strides = array<i32>} : memref<16384xf32, #tpu.memory_space<vmem>>, vector<16xf32>,
      %swap3A_288 = vector.shape_cast %swap3A_287 : vector<16xf32> to vector<16xf32>
      %swap3A_289 = vector.shape_cast %add3A_282 : vector<16xf32> to vector<16xf32>
      tpu.vector_store %swap3A_285[%swap3A_286], %swap3A_289 {strides = array<i32>} : memref<16384xf32, #tpu.memory_space<vmem>>, vector<16xf32>,
      %add3A_290 = arith.constant 64 : i32
      %add3A_291 = arith.addi %mul3A_203, %add3A_290 : i32
      %get3A_292 = arith.constant 0 : i32
      %get3A_293 = tpu.memref_slice %arg5[%scan3A_68, %get3A_292] : memref<2x16384xf32, #tpu.memory_space<vmem>> -> memref<1x16384xf32, #tpu.memory_space<vmem>>
      %get3A_294 = tpu.memref_squeeze %get3A_293 : memref<1x16384xf32, #tpu.memory_space<vmem>> -> memref<16384xf32, #tpu.memory_space<vmem>>
      %get3A_295 = arith.index_cast %add3A_291 : i32 to index
      %get3A_296 = tpu.vector_load %get3A_294[%get3A_295] {strides = array<i32>} : memref<16384xf32, #tpu.memory_space<vmem>>, vector<16xf32>,
      %get3A_297 = vector.shape_cast %get3A_296 : vector<16xf32> to vector<16xf32>
      %get3A_298 = arith.constant 0 : i32
      %get3A_299 = tpu.memref_slice %arg6[%scan3A_69, %get3A_298] : memref<2x16384xf32, #tpu.memory_space<vmem>> -> memref<1x16384xf32, #tpu.memory_space<vmem>>
      %get3A_300 = tpu.memref_squeeze %get3A_299 : memref<1x16384xf32, #tpu.memory_space<vmem>> -> memref<16384xf32, #tpu.memory_space<vmem>>
      %get3A_301 = arith.index_cast %add3A_291 : i32 to index
      %get3A_302 = tpu.vector_load %get3A_300[%get3A_301] {strides = array<i32>} : memref<16384xf32, #tpu.memory_space<vmem>>, vector<16xf32>,
      %get3A_303 = vector.shape_cast %get3A_302 : vector<16xf32> to vector<16xf32>
      %add3A_304 = arith.addf %get3A_297, %get3A_303 : vector<16xf32>
      %swap3A_305 = arith.constant 0 : i32
      %swap3A_306 = tpu.memref_slice %arg7[%scan3A_70, %swap3A_305] : memref<2x16384xf32, #tpu.memory_space<vmem>> -> memref<1x16384xf32, #tpu.memory_space<vmem>>
      %swap3A_307 = tpu.memref_squeeze %swap3A_306 : memref<1x16384xf32, #tpu.memory_space<vmem>> -> memref<16384xf32, #tpu.memory_space<vmem>>
      %swap3A_308 = arith.index_cast %add3A_291 : i32 to index
      %swap3A_309 = tpu.vector_load %swap3A_307[%swap3A_308] {strides = array<i32>} : memref<16384xf32, #tpu.memory_space<vmem>>, vector<16xf32>,
      %swap3A_310 = vector.shape_cast %swap3A_309 : vector<16xf32> to vector<16xf32>
      %swap3A_311 = vector.shape_cast %add3A_304 : vector<16xf32> to vector<16xf32>
      tpu.vector_store %swap3A_307[%swap3A_308], %swap3A_311 {strides = array<i32>} : memref<16384xf32, #tpu.memory_space<vmem>>, vector<16xf32>,
      %add3A_312 = arith.constant 80 : i32
      %add3A_313 = arith.addi %mul3A_203, %add3A_312 : i32
      %get3A_314 = arith.constant 0 : i32
      %get3A_315 = tpu.memref_slice %arg5[%scan3A_68, %get3A_314] : memref<2x16384xf32, #tpu.memory_space<vmem>> -> memref<1x16384xf32, #tpu.memory_space<vmem>>
      %get3A_316 = tpu.memref_squeeze %get3A_315 : memref<1x16384xf32, #tpu.memory_space<vmem>> -> memref<16384xf32, #tpu.memory_space<vmem>>
      %get3A_317 = arith.index_cast %add3A_313 : i32 to index
      %get3A_318 = tpu.vector_load %get3A_316[%get3A_317] {strides = array<i32>} : memref<16384xf32, #tpu.memory_space<vmem>>, vector<16xf32>,
      %get3A_319 = vector.shape_cast %get3A_318 : vector<16xf32> to vector<16xf32>
      %get3A_320 = arith.constant 0 : i32
      %get3A_321 = tpu.memref_slice %arg6[%scan3A_69, %get3A_320] : memref<2x16384xf32, #tpu.memory_space<vmem>> -> memref<1x16384xf32, #tpu.memory_space<vmem>>
      %get3A_322 = tpu.memref_squeeze %get3A_321 : memref<1x16384xf32, #tpu.memory_space<vmem>> -> memref<16384xf32, #tpu.memory_space<vmem>>
      %get3A_323 = arith.index_cast %add3A_313 : i32 to index
      %get3A_324 = tpu.vector_load %get3A_322[%get3A_323] {strides = array<i32>} : memref<16384xf32, #tpu.memory_space<vmem>>, vector<16xf32>,
      %get3A_325 = vector.shape_cast %get3A_324 : vector<16xf32> to vector<16xf32>
      %add3A_326 = arith.addf %get3A_319, %get3A_325 : vector<16xf32>
      %swap3A_327 = arith.constant 0 : i32
      %swap3A_328 = tpu.memref_slice %arg7[%scan3A_70, %swap3A_327] : memref<2x16384xf32, #tpu.memory_space<vmem>> -> memref<1x16384xf32, #tpu.memory_space<vmem>>
      %swap3A_329 = tpu.memref_squeeze %swap3A_328 : memref<1x16384xf32, #tpu.memory_space<vmem>> -> memref<16384xf32, #tpu.memory_space<vmem>>
      %swap3A_330 = arith.index_cast %add3A_313 : i32 to index
      %swap3A_331 = tpu.vector_load %swap3A_329[%swap3A_330] {strides = array<i32>} : memref<16384xf32, #tpu.memory_space<vmem>>, vector<16xf32>,
      %swap3A_332 = vector.shape_cast %swap3A_331 : vector<16xf32> to vector<16xf32>
      %swap3A_333 = vector.shape_cast %add3A_326 : vector<16xf32> to vector<16xf32>
      tpu.vector_store %swap3A_329[%swap3A_330], %swap3A_333 {strides = array<i32>} : memref<16384xf32, #tpu.memory_space<vmem>>, vector<16xf32>,
      %add3A_334 = arith.constant 96 : i32
      %add3A_335 = arith.addi %mul3A_203, %add3A_334 : i32
      %get3A_336 = arith.constant 0 : i32
      %get3A_337 = tpu.memref_slice %arg5[%scan3A_68, %get3A_336] : memref<2x16384xf32, #tpu.memory_space<vmem>> -> memref<1x16384xf32, #tpu.memory_space<vmem>>
      %get3A_338 = tpu.memref_squeeze %get3A_337 : memref<1x16384xf32, #tpu.memory_space<vmem>> -> memref<16384xf32, #tpu.memory_space<vmem>>
      %get3A_339 = arith.index_cast %add3A_335 : i32 to index
      %get3A_340 = tpu.vector_load %get3A_338[%get3A_339] {strides = array<i32>} : memref<16384xf32, #tpu.memory_space<vmem>>, vector<16xf32>,
      %get3A_341 = vector.shape_cast %get3A_340 : vector<16xf32> to vector<16xf32>
      %get3A_342 = arith.constant 0 : i32
      %get3A_343 = tpu.memref_slice %arg6[%scan3A_69, %get3A_342] : memref<2x16384xf32, #tpu.memory_space<vmem>> -> memref<1x16384xf32, #tpu.memory_space<vmem>>
      %get3A_344 = tpu.memref_squeeze %get3A_343 : memref<1x16384xf32, #tpu.memory_space<vmem>> -> memref<16384xf32, #tpu.memory_space<vmem>>
      %get3A_345 = arith.index_cast %add3A_335 : i32 to index
      %get3A_346 = tpu.vector_load %get3A_344[%get3A_345] {strides = array<i32>} : memref<16384xf32, #tpu.memory_space<vmem>>, vector<16xf32>,
      %get3A_347 = vector.shape_cast %get3A_346 : vector<16xf32> to vector<16xf32>
      %add3A_348 = arith.addf %get3A_341, %get3A_347 : vector<16xf32>
      %swap3A_349 = arith.constant 0 : i32
      %swap3A_350 = tpu.memref_slice %arg7[%scan3A_70, %swap3A_349] : memref<2x16384xf32, #tpu.memory_space<vmem>> -> memref<1x16384xf32, #tpu.memory_space<vmem>>
      %swap3A_351 = tpu.memref_squeeze %swap3A_350 : memref<1x16384xf32, #tpu.memory_space<vmem>> -> memref<16384xf32, #tpu.memory_space<vmem>>
      %swap3A_352 = arith.index_cast %add3A_335 : i32 to index
      %swap3A_353 = tpu.vector_load %swap3A_351[%swap3A_352] {strides = array<i32>} : memref<16384xf32, #tpu.memory_space<vmem>>, vector<16xf32>,
      %swap3A_354 = vector.shape_cast %swap3A_353 : vector<16xf32> to vector<16xf32>
      %swap3A_355 = vector.shape_cast %add3A_348 : vector<16xf32> to vector<16xf32>
      tpu.vector_store %swap3A_351[%swap3A_352], %swap3A_355 {strides = array<i32>} : memref<16384xf32, #tpu.memory_space<vmem>>, vector<16xf32>,
      %add3A_356 = arith.constant 112 : i32
      %add3A_357 = arith.addi %mul3A_203, %add3A_356 : i32
      %get3A_358 = arith.constant 0 : i32
      %get3A_359 = tpu.memref_slice %arg5[%scan3A_68, %get3A_358] : memref<2x16384xf32, #tpu.memory_space<vmem>> -> memref<1x16384xf32, #tpu.memory_space<vmem>>
      %get3A_360 = tpu.memref_squeeze %get3A_359 : memref<1x16384xf32, #tpu.memory_space<vmem>> -> memref<16384xf32, #tpu.memory_space<vmem>>
      %get3A_361 = arith.index_cast %add3A_357 : i32 to index
      %get3A_362 = tpu.vector_load %get3A_360[%get3A_361] {strides = array<i32>} : memref<16384xf32, #tpu.memory_space<vmem>>, vector<16xf32>,
      %get3A_363 = vector.shape_cast %get3A_362 : vector<16xf32> to vector<16xf32>
      %get3A_364 = arith.constant 0 : i32
      %get3A_365 = tpu.memref_slice %arg6[%scan3A_69, %get3A_364] : memref<2x16384xf32, #tpu.memory_space<vmem>> -> memref<1x16384xf32, #tpu.memory_space<vmem>>
      %get3A_366 = tpu.memref_squeeze %get3A_365 : memref<1x16384xf32, #tpu.memory_space<vmem>> -> memref<16384xf32, #tpu.memory_space<vmem>>
      %get3A_367 = arith.index_cast %add3A_357 : i32 to index
      %get3A_368 = tpu.vector_load %get3A_366[%get3A_367] {strides = array<i32>} : memref<16384xf32, #tpu.memory_space<vmem>>, vector<16xf32>,
      %get3A_369 = vector.shape_cast %get3A_368 : vector<16xf32> to vector<16xf32>
      %add3A_370 = arith.addf %get3A_363, %get3A_369 : vector<16xf32>
      %swap3A_371 = arith.constant 0 : i32
      %swap3A_372 = tpu.memref_slice %arg7[%scan3A_70, %swap3A_371] : memref<2x16384xf32, #tpu.memory_space<vmem>> -> memref<1x16384xf32, #tpu.memory_space<vmem>>
      %swap3A_373 = tpu.memref_squeeze %swap3A_372 : memref<1x16384xf32, #tpu.memory_space<vmem>> -> memref<16384xf32, #tpu.memory_space<vmem>>
      %swap3A_374 = arith.index_cast %add3A_357 : i32 to index
      %swap3A_375 = tpu.vector_load %swap3A_373[%swap3A_374] {strides = array<i32>} : memref<16384xf32, #tpu.memory_space<vmem>>, vector<16xf32>,
      %swap3A_376 = vector.shape_cast %swap3A_375 : vector<16xf32> to vector<16xf32>
      %swap3A_377 = vector.shape_cast %add3A_370 : vector<16xf32> to vector<16xf32>
      tpu.vector_store %swap3A_373[%swap3A_374], %swap3A_377 {strides = array<i32>} : memref<16384xf32, #tpu.memory_space<vmem>>, vector<16xf32>,
      %add3A_378 = arith.constant 128 : i32
      %add3A_379 = arith.addi %mul3A_203, %add3A_378 : i32
      %get3A_380 = arith.constant 0 : i32
      %get3A_381 = tpu.memref_slice %arg5[%scan3A_68, %get3A_380] : memref<2x16384xf32, #tpu.memory_space<vmem>> -> memref<1x16384xf32, #tpu.memory_space<vmem>>
      %get3A_382 = tpu.memref_squeeze %get3A_381 : memref<1x16384xf32, #tpu.memory_space<vmem>> -> memref<16384xf32, #tpu.memory_space<vmem>>
      %get3A_383 = arith.index_cast %add3A_379 : i32 to index
      %get3A_384 = tpu.vector_load %get3A_382[%get3A_383] {strides = array<i32>} : memref<16384xf32, #tpu.memory_space<vmem>>, vector<16xf32>,
      %get3A_385 = vector.shape_cast %get3A_384 : vector<16xf32> to vector<16xf32>
      %get3A_386 = arith.constant 0 : i32
      %get3A_387 = tpu.memref_slice %arg6[%scan3A_69, %get3A_386] : memref<2x16384xf32, #tpu.memory_space<vmem>> -> memref<1x16384xf32, #tpu.memory_space<vmem>>
      %get3A_388 = tpu.memref_squeeze %get3A_387 : memref<1x16384xf32, #tpu.memory_space<vmem>> -> memref<16384xf32, #tpu.memory_space<vmem>>
      %get3A_389 = arith.index_cast %add3A_379 : i32 to index
      %get3A_390 = tpu.vector_load %get3A_388[%get3A_389] {strides = array<i32>} : memref<16384xf32, #tpu.memory_space<vmem>>, vector<16xf32>,
      %get3A_391 = vector.shape_cast %get3A_390 : vector<16xf32> to vector<16xf32>
      %add3A_392 = arith.addf %get3A_385, %get3A_391 : vector<16xf32>
      %swap3A_393 = arith.constant 0 : i32
      %swap3A_394 = tpu.memref_slice %arg7[%scan3A_70, %swap3A_393] : memref<2x16384xf32, #tpu.memory_space<vmem>> -> memref<1x16384xf32, #tpu.memory_space<vmem>>
      %swap3A_395 = tpu.memref_squeeze %swap3A_394 : memref<1x16384xf32, #tpu.memory_space<vmem>> -> memref<16384xf32, #tpu.memory_space<vmem>>
      %swap3A_396 = arith.index_cast %add3A_379 : i32 to index
      %swap3A_397 = tpu.vector_load %swap3A_395[%swap3A_396] {strides = array<i32>} : memref<16384xf32, #tpu.memory_space<vmem>>, vector<16xf32>,
      %swap3A_398 = vector.shape_cast %swap3A_397 : vector<16xf32> to vector<16xf32>
      %swap3A_399 = vector.shape_cast %add3A_392 : vector<16xf32> to vector<16xf32>
      tpu.vector_store %swap3A_395[%swap3A_396], %swap3A_399 {strides = array<i32>} : memref<16384xf32, #tpu.memory_space<vmem>>, vector<16xf32>,
      %add3A_400 = arith.constant 144 : i32
      %add3A_401 = arith.addi %mul3A_203, %add3A_400 : i32
      %get3A_402 = arith.constant 0 : i32
      %get3A_403 = tpu.memref_slice %arg5[%scan3A_68, %get3A_402] : memref<2x16384xf32, #tpu.memory_space<vmem>> -> memref<1x16384xf32, #tpu.memory_space<vmem>>
      %get3A_404 = tpu.memref_squeeze %get3A_403 : memref<1x16384xf32, #tpu.memory_space<vmem>> -> memref<16384xf32, #tpu.memory_space<vmem>>
      %get3A_405 = arith.index_cast %add3A_401 : i32 to index
      %get3A_406 = tpu.vector_load %get3A_404[%get3A_405] {strides = array<i32>} : memref<16384xf32, #tpu.memory_space<vmem>>, vector<16xf32>,
      %get3A_407 = vector.shape_cast %get3A_406 : vector<16xf32> to vector<16xf32>
      %get3A_408 = arith.constant 0 : i32
      %get3A_409 = tpu.memref_slice %arg6[%scan3A_69, %get3A_408] : memref<2x16384xf32, #tpu.memory_space<vmem>> -> memref<1x16384xf32, #tpu.memory_space<vmem>>
      %get3A_410 = tpu.memref_squeeze %get3A_409 : memref<1x16384xf32, #tpu.memory_space<vmem>> -> memref<16384xf32, #tpu.memory_space<vmem>>
      %get3A_411 = arith.index_cast %add3A_401 : i32 to index
      %get3A_412 = tpu.vector_load %get3A_410[%get3A_411] {strides = array<i32>} : memref<16384xf32, #tpu.memory_space<vmem>>, vector<16xf32>,
      %get3A_413 = vector.shape_cast %get3A_412 : vector<16xf32> to vector<16xf32>
      %add3A_414 = arith.addf %get3A_407, %get3A_413 : vector<16xf32>
      %swap3A_415 = arith.constant 0 : i32
      %swap3A_416 = tpu.memref_slice %arg7[%scan3A_70, %swap3A_415] : memref<2x16384xf32, #tpu.memory_space<vmem>> -> memref<1x16384xf32, #tpu.memory_space<vmem>>
      %swap3A_417 = tpu.memref_squeeze %swap3A_416 : memref<1x16384xf32, #tpu.memory_space<vmem>> -> memref<16384xf32, #tpu.memory_space<vmem>>
      %swap3A_418 = arith.index_cast %add3A_401 : i32 to index
      %swap3A_419 = tpu.vector_load %swap3A_417[%swap3A_418] {strides = array<i32>} : memref<16384xf32, #tpu.memory_space<vmem>>, vector<16xf32>,
      %swap3A_420 = vector.shape_cast %swap3A_419 : vector<16xf32> to vector<16xf32>
      %swap3A_421 = vector.shape_cast %add3A_414 : vector<16xf32> to vector<16xf32>
      tpu.vector_store %swap3A_417[%swap3A_418], %swap3A_421 {strides = array<i32>} : memref<16384xf32, #tpu.memory_space<vmem>>, vector<16xf32>,
      %add3A_422 = arith.constant 160 : i32
      %add3A_423 = arith.addi %mul3A_203, %add3A_422 : i32
      %get3A_424 = arith.constant 0 : i32
      %get3A_425 = tpu.memref_slice %arg5[%scan3A_68, %get3A_424] : memref<2x16384xf32, #tpu.memory_space<vmem>> -> memref<1x16384xf32, #tpu.memory_space<vmem>>
      %get3A_426 = tpu.memref_squeeze %get3A_425 : memref<1x16384xf32, #tpu.memory_space<vmem>> -> memref<16384xf32, #tpu.memory_space<vmem>>
      %get3A_427 = arith.index_cast %add3A_423 : i32 to index
      %get3A_428 = tpu.vector_load %get3A_426[%get3A_427] {strides = array<i32>} : memref<16384xf32, #tpu.memory_space<vmem>>, vector<16xf32>,
      %get3A_429 = vector.shape_cast %get3A_428 : vector<16xf32> to vector<16xf32>
      %get3A_430 = arith.constant 0 : i32
      %get3A_431 = tpu.memref_slice %arg6[%scan3A_69, %get3A_430] : memref<2x16384xf32, #tpu.memory_space<vmem>> -> memref<1x16384xf32, #tpu.memory_space<vmem>>
      %get3A_432 = tpu.memref_squeeze %get3A_431 : memref<1x16384xf32, #tpu.memory_space<vmem>> -> memref<16384xf32, #tpu.memory_space<vmem>>
      %get3A_433 = arith.index_cast %add3A_423 : i32 to index
      %get3A_434 = tpu.vector_load %get3A_432[%get3A_433] {strides = array<i32>} : memref<16384xf32, #tpu.memory_space<vmem>>, vector<16xf32>,
      %get3A_435 = vector.shape_cast %get3A_434 : vector<16xf32> to vector<16xf32>
      %add3A_436 = arith.addf %get3A_429, %get3A_435 : vector<16xf32>
      %swap3A_437 = arith.constant 0 : i32
      %swap3A_438 = tpu.memref_slice %arg7[%scan3A_70, %swap3A_437] : memref<2x16384xf32, #tpu.memory_space<vmem>> -> memref<1x16384xf32, #tpu.memory_space<vmem>>
      %swap3A_439 = tpu.memref_squeeze %swap3A_438 : memref<1x16384xf32, #tpu.memory_space<vmem>> -> memref<16384xf32, #tpu.memory_space<vmem>>
      %swap3A_440 = arith.index_cast %add3A_423 : i32 to index
      %swap3A_441 = tpu.vector_load %swap3A_439[%swap3A_440] {strides = array<i32>} : memref<16384xf32, #tpu.memory_space<vmem>>, vector<16xf32>,
      %swap3A_442 = vector.shape_cast %swap3A_441 : vector<16xf32> to vector<16xf32>
      %swap3A_443 = vector.shape_cast %add3A_436 : vector<16xf32> to vector<16xf32>
      tpu.vector_store %swap3A_439[%swap3A_440], %swap3A_443 {strides = array<i32>} : memref<16384xf32, #tpu.memory_space<vmem>>, vector<16xf32>,
      %add3A_444 = arith.constant 176 : i32
      %add3A_445 = arith.addi %mul3A_203, %add3A_444 : i32
      %get3A_446 = arith.constant 0 : i32
      %get3A_447 = tpu.memref_slice %arg5[%scan3A_68, %get3A_446] : memref<2x16384xf32, #tpu.memory_space<vmem>> -> memref<1x16384xf32, #tpu.memory_space<vmem>>
      %get3A_448 = tpu.memref_squeeze %get3A_447 : memref<1x16384xf32, #tpu.memory_space<vmem>> -> memref<16384xf32, #tpu.memory_space<vmem>>
      %get3A_449 = arith.index_cast %add3A_445 : i32 to index
      %get3A_450 = tpu.vector_load %get3A_448[%get3A_449] {strides = array<i32>} : memref<16384xf32, #tpu.memory_space<vmem>>, vector<16xf32>,
      %get3A_451 = vector.shape_cast %get3A_450 : vector<16xf32> to vector<16xf32>
      %get3A_452 = arith.constant 0 : i32
      %get3A_453 = tpu.memref_slice %arg6[%scan3A_69, %get3A_452] : memref<2x16384xf32, #tpu.memory_space<vmem>> -> memref<1x16384xf32, #tpu.memory_space<vmem>>
      %get3A_454 = tpu.memref_squeeze %get3A_453 : memref<1x16384xf32, #tpu.memory_space<vmem>> -> memref<16384xf32, #tpu.memory_space<vmem>>
      %get3A_455 = arith.index_cast %add3A_445 : i32 to index
      %get3A_456 = tpu.vector_load %get3A_454[%get3A_455] {strides = array<i32>} : memref<16384xf32, #tpu.memory_space<vmem>>, vector<16xf32>,
      %get3A_457 = vector.shape_cast %get3A_456 : vector<16xf32> to vector<16xf32>
      %add3A_458 = arith.addf %get3A_451, %get3A_457 : vector<16xf32>
      %swap3A_459 = arith.constant 0 : i32
      %swap3A_460 = tpu.memref_slice %arg7[%scan3A_70, %swap3A_459] : memref<2x16384xf32, #tpu.memory_space<vmem>> -> memref<1x16384xf32, #tpu.memory_space<vmem>>
      %swap3A_461 = tpu.memref_squeeze %swap3A_460 : memref<1x16384xf32, #tpu.memory_space<vmem>> -> memref<16384xf32, #tpu.memory_space<vmem>>
      %swap3A_462 = arith.index_cast %add3A_445 : i32 to index
      %swap3A_463 = tpu.vector_load %swap3A_461[%swap3A_462] {strides = array<i32>} : memref<16384xf32, #tpu.memory_space<vmem>>, vector<16xf32>,
      %swap3A_464 = vector.shape_cast %swap3A_463 : vector<16xf32> to vector<16xf32>
      %swap3A_465 = vector.shape_cast %add3A_458 : vector<16xf32> to vector<16xf32>
      tpu.vector_store %swap3A_461[%swap3A_462], %swap3A_465 {strides = array<i32>} : memref<16384xf32, #tpu.memory_space<vmem>>, vector<16xf32>,
      %add3A_466 = arith.constant 192 : i32
      %add3A_467 = arith.addi %mul3A_203, %add3A_466 : i32
      %get3A_468 = arith.constant 0 : i32
      %get3A_469 = tpu.memref_slice %arg5[%scan3A_68, %get3A_468] : memref<2x16384xf32, #tpu.memory_space<vmem>> -> memref<1x16384xf32, #tpu.memory_space<vmem>>
      %get3A_470 = tpu.memref_squeeze %get3A_469 : memref<1x16384xf32, #tpu.memory_space<vmem>> -> memref<16384xf32, #tpu.memory_space<vmem>>
      %get3A_471 = arith.index_cast %add3A_467 : i32 to index
      %get3A_472 = tpu.vector_load %get3A_470[%get3A_471] {strides = array<i32>} : memref<16384xf32, #tpu.memory_space<vmem>>, vector<16xf32>,
      %get3A_473 = vector.shape_cast %get3A_472 : vector<16xf32> to vector<16xf32>
      %get3A_474 = arith.constant 0 : i32
      %get3A_475 = tpu.memref_slice %arg6[%scan3A_69, %get3A_474] : memref<2x16384xf32, #tpu.memory_space<vmem>> -> memref<1x16384xf32, #tpu.memory_space<vmem>>
      %get3A_476 = tpu.memref_squeeze %get3A_475 : memref<1x16384xf32, #tpu.memory_space<vmem>> -> memref<16384xf32, #tpu.memory_space<vmem>>
      %get3A_477 = arith.index_cast %add3A_467 : i32 to index
      %get3A_478 = tpu.vector_load %get3A_476[%get3A_477] {strides = array<i32>} : memref<16384xf32, #tpu.memory_space<vmem>>, vector<16xf32>,
      %get3A_479 = vector.shape_cast %get3A_478 : vector<16xf32> to vector<16xf32>
      %add3A_480 = arith.addf %get3A_473, %get3A_479 : vector<16xf32>
      %swap3A_481 = arith.constant 0 : i32
      %swap3A_482 = tpu.memref_slice %arg7[%scan3A_70, %swap3A_481] : memref<2x16384xf32, #tpu.memory_space<vmem>> -> memref<1x16384xf32, #tpu.memory_space<vmem>>
      %swap3A_483 = tpu.memref_squeeze %swap3A_482 : memref<1x16384xf32, #tpu.memory_space<vmem>> -> memref<16384xf32, #tpu.memory_space<vmem>>
      %swap3A_484 = arith.index_cast %add3A_467 : i32 to index
      %swap3A_485 = tpu.vector_load %swap3A_483[%swap3A_484] {strides = array<i32>} : memref<16384xf32, #tpu.memory_space<vmem>>, vector<16xf32>,
      %swap3A_486 = vector.shape_cast %swap3A_485 : vector<16xf32> to vector<16xf32>
      %swap3A_487 = vector.shape_cast %add3A_480 : vector<16xf32> to vector<16xf32>
      tpu.vector_store %swap3A_483[%swap3A_484], %swap3A_487 {strides = array<i32>} : memref<16384xf32, #tpu.memory_space<vmem>>, vector<16xf32>,
      %add3A_488 = arith.constant 208 : i32
      %add3A_489 = arith.addi %mul3A_203, %add3A_488 : i32
      %get3A_490 = arith.constant 0 : i32
      %get3A_491 = tpu.memref_slice %arg5[%scan3A_68, %get3A_490] : memref<2x16384xf32, #tpu.memory_space<vmem>> -> memref<1x16384xf32, #tpu.memory_space<vmem>>
      %get3A_492 = tpu.memref_squeeze %get3A_491 : memref<1x16384xf32, #tpu.memory_space<vmem>> -> memref<16384xf32, #tpu.memory_space<vmem>>
      %get3A_493 = arith.index_cast %add3A_489 : i32 to index
      %get3A_494 = tpu.vector_load %get3A_492[%get3A_493] {strides = array<i32>} : memref<16384xf32, #tpu.memory_space<vmem>>, vector<16xf32>,
      %get3A_495 = vector.shape_cast %get3A_494 : vector<16xf32> to vector<16xf32>
      %get3A_496 = arith.constant 0 : i32
      %get3A_497 = tpu.memref_slice %arg6[%scan3A_69, %get3A_496] : memref<2x16384xf32, #tpu.memory_space<vmem>> -> memref<1x16384xf32, #tpu.memory_space<vmem>>
      %get3A_498 = tpu.memref_squeeze %get3A_497 : memref<1x16384xf32, #tpu.memory_space<vmem>> -> memref<16384xf32, #tpu.memory_space<vmem>>
      %get3A_499 = arith.index_cast %add3A_489 : i32 to index
      %get3A_500 = tpu.vector_load %get3A_498[%get3A_499] {strides = array<i32>} : memref<16384xf32, #tpu.memory_space<vmem>>, vector<16xf32>,
      %get3A_501 = vector.shape_cast %get3A_500 : vector<16xf32> to vector<16xf32>
      %add3A_502 = arith.addf %get3A_495, %get3A_501 : vector<16xf32>
      %swap3A_503 = arith.constant 0 : i32
      %swap3A_504 = tpu.memref_slice %arg7[%scan3A_70, %swap3A_503] : memref<2x16384xf32, #tpu.memory_space<vmem>> -> memref<1x16384xf32, #tpu.memory_space<vmem>>
      %swap3A_505 = tpu.memref_squeeze %swap3A_504 : memref<1x16384xf32, #tpu.memory_space<vmem>> -> memref<16384xf32, #tpu.memory_space<vmem>>
      %swap3A_506 = arith.index_cast %add3A_489 : i32 to index
      %swap3A_507 = tpu.vector_load %swap3A_505[%swap3A_506] {strides = array<i32>} : memref<16384xf32, #tpu.memory_space<vmem>>, vector<16xf32>,
      %swap3A_508 = vector.shape_cast %swap3A_507 : vector<16xf32> to vector<16xf32>
      %swap3A_509 = vector.shape_cast %add3A_502 : vector<16xf32> to vector<16xf32>
      tpu.vector_store %swap3A_505[%swap3A_506], %swap3A_509 {strides = array<i32>} : memref<16384xf32, #tpu.memory_space<vmem>>, vector<16xf32>,
      %add3A_510 = arith.constant 224 : i32
      %add3A_511 = arith.addi %mul3A_203, %add3A_510 : i32
      %get3A_512 = arith.constant 0 : i32
      %get3A_513 = tpu.memref_slice %arg5[%scan3A_68, %get3A_512] : memref<2x16384xf32, #tpu.memory_space<vmem>> -> memref<1x16384xf32, #tpu.memory_space<vmem>>
      %get3A_514 = tpu.memref_squeeze %get3A_513 : memref<1x16384xf32, #tpu.memory_space<vmem>> -> memref<16384xf32, #tpu.memory_space<vmem>>
      %get3A_515 = arith.index_cast %add3A_511 : i32 to index
      %get3A_516 = tpu.vector_load %get3A_514[%get3A_515] {strides = array<i32>} : memref<16384xf32, #tpu.memory_space<vmem>>, vector<16xf32>,
      %get3A_517 = vector.shape_cast %get3A_516 : vector<16xf32> to vector<16xf32>
      %get3A_518 = arith.constant 0 : i32
      %get3A_519 = tpu.memref_slice %arg6[%scan3A_69, %get3A_518] : memref<2x16384xf32, #tpu.memory_space<vmem>> -> memref<1x16384xf32, #tpu.memory_space<vmem>>
      %get3A_520 = tpu.memref_squeeze %get3A_519 : memref<1x16384xf32, #tpu.memory_space<vmem>> -> memref<16384xf32, #tpu.memory_space<vmem>>
      %get3A_521 = arith.index_cast %add3A_511 : i32 to index
      %get3A_522 = tpu.vector_load %get3A_520[%get3A_521] {strides = array<i32>} : memref<16384xf32, #tpu.memory_space<vmem>>, vector<16xf32>,
      %get3A_523 = vector.shape_cast %get3A_522 : vector<16xf32> to vector<16xf32>
      %add3A_524 = arith.addf %get3A_517, %get3A_523 : vector<16xf32>
      %swap3A_525 = arith.constant 0 : i32
      %swap3A_526 = tpu.memref_slice %arg7[%scan3A_70, %swap3A_525] : memref<2x16384xf32, #tpu.memory_space<vmem>> -> memref<1x16384xf32, #tpu.memory_space<vmem>>
      %swap3A_527 = tpu.memref_squeeze %swap3A_526 : memref<1x16384xf32, #tpu.memory_space<vmem>> -> memref<16384xf32, #tpu.memory_space<vmem>>
      %swap3A_528 = arith.index_cast %add3A_511 : i32 to index
      %swap3A_529 = tpu.vector_load %swap3A_527[%swap3A_528] {strides = array<i32>} : memref<16384xf32, #tpu.memory_space<vmem>>, vector<16xf32>,
      %swap3A_530 = vector.shape_cast %swap3A_529 : vector<16xf32> to vector<16xf32>
      %swap3A_531 = vector.shape_cast %add3A_524 : vector<16xf32> to vector<16xf32>
      tpu.vector_store %swap3A_527[%swap3A_528], %swap3A_531 {strides = array<i32>} : memref<16384xf32, #tpu.memory_space<vmem>>, vector<16xf32>,
      %add3A_532 = arith.constant 240 : i32
      %add3A_533 = arith.addi %mul3A_203, %add3A_532 : i32
      %get3A_534 = arith.constant 0 : i32
      %get3A_535 = tpu.memref_slice %arg5[%scan3A_68, %get3A_534] : memref<2x16384xf32, #tpu.memory_space<vmem>> -> memref<1x16384xf32, #tpu.memory_space<vmem>>
      %get3A_536 = tpu.memref_squeeze %get3A_535 : memref<1x16384xf32, #tpu.memory_space<vmem>> -> memref<16384xf32, #tpu.memory_space<vmem>>
      %get3A_537 = arith.index_cast %add3A_533 : i32 to index
      %get3A_538 = tpu.vector_load %get3A_536[%get3A_537] {strides = array<i32>} : memref<16384xf32, #tpu.memory_space<vmem>>, vector<16xf32>,
      %get3A_539 = vector.shape_cast %get3A_538 : vector<16xf32> to vector<16xf32>
      %get3A_540 = arith.constant 0 : i32
      %get3A_541 = tpu.memref_slice %arg6[%scan3A_69, %get3A_540] : memref<2x16384xf32, #tpu.memory_space<vmem>> -> memref<1x16384xf32, #tpu.memory_space<vmem>>
      %get3A_542 = tpu.memref_squeeze %get3A_541 : memref<1x16384xf32, #tpu.memory_space<vmem>> -> memref<16384xf32, #tpu.memory_space<vmem>>
      %get3A_543 = arith.index_cast %add3A_533 : i32 to index
      %get3A_544 = tpu.vector_load %get3A_542[%get3A_543] {strides = array<i32>} : memref<16384xf32, #tpu.memory_space<vmem>>, vector<16xf32>,
      %get3A_545 = vector.shape_cast %get3A_544 : vector<16xf32> to vector<16xf32>
      %add3A_546 = arith.addf %get3A_539, %get3A_545 : vector<16xf32>
      %swap3A_547 = arith.constant 0 : i32
      %swap3A_548 = tpu.memref_slice %arg7[%scan3A_70, %swap3A_547] : memref<2x16384xf32, #tpu.memory_space<vmem>> -> memref<1x16384xf32, #tpu.memory_space<vmem>>
      %swap3A_549 = tpu.memref_squeeze %swap3A_548 : memref<1x16384xf32, #tpu.memory_space<vmem>> -> memref<16384xf32, #tpu.memory_space<vmem>>
      %swap3A_550 = arith.index_cast %add3A_533 : i32 to index
      %swap3A_551 = tpu.vector_load %swap3A_549[%swap3A_550] {strides = array<i32>} : memref<16384xf32, #tpu.memory_space<vmem>>, vector<16xf32>,
      %swap3A_552 = vector.shape_cast %swap3A_551 : vector<16xf32> to vector<16xf32>
      %swap3A_553 = vector.shape_cast %add3A_546 : vector<16xf32> to vector<16xf32>
      tpu.vector_store %swap3A_549[%swap3A_550], %swap3A_553 {strides = array<i32>} : memref<16384xf32, #tpu.memory_space<vmem>>, vector<16xf32>,
    }
    %scan3A_75 = arith.constant 64 : i32
    %add3A_76 = arith.constant 0 : i32
    %add3A_77 = arith.addi %mul3A_2, %add3A_76 : i32
    %dma_start3A_78 = arith.constant 0 : i32
    %dma_start3A_79 = arith.constant 0 : i32
    %dma_start3A_80 = tpu.memref_slice %arg7[%dma_start3A_78, %dma_start3A_79] : memref<2x16384xf32, #tpu.memory_space<vmem>> -> memref<1x16384xf32, #tpu.memory_space<vmem>>
    %dma_start3A_81 = tpu.memref_squeeze %dma_start3A_80 : memref<1x16384xf32, #tpu.memory_space<vmem>> -> memref<16384xf32, #tpu.memory_space<vmem>>
    %dma_start3A_82 = tpu.memref_slice %arg4[%add3A_77] : memref<33554432xf32, #tpu.memory_space<hbm>> -> memref<16384xf32, #tpu.memory_space<hbm>>
    %dma_start3A_83 = tpu.memref_slice %arg4[%add3A_77] : memref<33554432xf32, #tpu.memory_space<hbm>> -> memref<16384xf32, #tpu.memory_space<hbm>>
    %dma_start3A_84 = arith.constant 0 : i32
    %dma_start3A_85 = tpu.memref_slice %arg7[%dma_start3A_78, %dma_start3A_84] : memref<2x16384xf32, #tpu.memory_space<vmem>> -> memref<1x16384xf32, #tpu.memory_space<vmem>>
    %dma_start3A_86 = tpu.memref_squeeze %dma_start3A_85 : memref<1x16384xf32, #tpu.memory_space<vmem>> -> memref<16384xf32, #tpu.memory_space<vmem>>
    tpu.enqueue_dma source(%dma_start3A_86 : memref<16384xf32, #tpu.memory_space<vmem>>) target(%dma_start3A_83 : memref<16384xf32, #tpu.memory_space<hbm>>) target_semaphore(%arg12 : memref<!tpu.dma_semaphore, #tpu.memory_space<semaphore_mem>>)
    %add3A_87 = arith.constant 32768 : i32
    %add3A_88 = arith.addi %mul3A_2, %add3A_87 : i32
    %dma_start3A_89 = arith.constant 0 : i32
    %dma_start3A_90 = arith.constant 0 : i32
    %dma_start3A_91 = tpu.memref_slice %arg5[%dma_start3A_89, %dma_start3A_90] : memref<2x16384xf32, #tpu.memory_space<vmem>> -> memref<1x16384xf32, #tpu.memory_space<vmem>>
    %dma_start3A_92 = tpu.memref_squeeze %dma_start3A_91 : memref<1x16384xf32, #tpu.memory_space<vmem>> -> memref<16384xf32, #tpu.memory_space<vmem>>
    %dma_start3A_93 = tpu.memref_slice %arg2[%add3A_88] : memref<33554432xf32, #tpu.memory_space<hbm>> -> memref<16384xf32, #tpu.memory_space<hbm>>
    %dma_start3A_94 = arith.constant 0 : i32
    %dma_start3A_95 = tpu.memref_slice %arg5[%dma_start3A_89, %dma_start3A_94] : memref<2x16384xf32, #tpu.memory_space<vmem>> -> memref<1x16384xf32, #tpu.memory_space<vmem>>
    %dma_start3A_96 = tpu.memref_squeeze %dma_start3A_95 : memref<1x16384xf32, #tpu.memory_space<vmem>> -> memref<16384xf32, #tpu.memory_space<vmem>>
    %dma_start3A_97 = tpu.memref_slice %arg2[%add3A_88] : memref<33554432xf32, #tpu.memory_space<hbm>> -> memref<16384xf32, #tpu.memory_space<hbm>>
    tpu.enqueue_dma source(%dma_start3A_97 : memref<16384xf32, #tpu.memory_space<hbm>>) target(%dma_start3A_96 : memref<16384xf32, #tpu.memory_space<vmem>>) target_semaphore(%arg8 : memref<!tpu.dma_semaphore, #tpu.memory_space<semaphore_mem>>)
    %add3A_98 = arith.constant 32768 : i32
    %add3A_99 = arith.addi %rem3A_3, %add3A_98 : i32
    %dma_start3A_100 = arith.constant 0 : i32
    %dma_start3A_101 = arith.constant 0 : i32
    %dma_start3A_102 = tpu.memref_slice %arg6[%dma_start3A_100, %dma_start3A_101] : memref<2x16384xf32, #tpu.memory_space<vmem>> -> memref<1x16384xf32, #tpu.memory_space<vmem>>
    %dma_start3A_103 = tpu.memref_squeeze %dma_start3A_102 : memref<1x16384xf32, #tpu.memory_space<vmem>> -> memref<16384xf32, #tpu.memory_space<vmem>>
    %dma_start3A_104 = tpu.memref_slice %arg3[%add3A_99] : memref<8388608xf32, #tpu.memory_space<hbm>> -> memref<16384xf32, #tpu.memory_space<hbm>>
    %dma_start3A_105 = arith.constant 0 : i32
    %dma_start3A_106 = tpu.memref_slice %arg6[%dma_start3A_100, %dma_start3A_105] : memref<2x16384xf32, #tpu.memory_space<vmem>> -> memref<1x16384xf32, #tpu.memory_space<vmem>>
    %dma_start3A_107 = tpu.memref_squeeze %dma_start3A_106 : memref<1x16384xf32, #tpu.memory_space<vmem>> -> memref<16384xf32, #tpu.memory_space<vmem>>
    %dma_start3A_108 = tpu.memref_slice %arg3[%add3A_99] : memref<8388608xf32, #tpu.memory_space<hbm>> -> memref<16384xf32, #tpu.memory_space<hbm>>
    tpu.enqueue_dma source(%dma_start3A_108 : memref<16384xf32, #tpu.memory_space<hbm>>) target(%dma_start3A_107 : memref<16384xf32, #tpu.memory_space<vmem>>) target_semaphore(%arg10 : memref<!tpu.dma_semaphore, #tpu.memory_space<semaphore_mem>>)
    %dma_wait3A_109 = arith.constant 1 : i32
    %dma_wait3A_110 = arith.constant 0 : i32
    %dma_wait3A_111 = tpu.memref_slice %arg5[%dma_wait3A_109, %dma_wait3A_110] : memref<2x16384xf32, #tpu.memory_space<vmem>> -> memref<1x16384xf32, #tpu.memory_space<vmem>>
    %dma_wait3A_112 = tpu.memref_squeeze %dma_wait3A_111 : memref<1x16384xf32, #tpu.memory_space<vmem>> -> memref<16384xf32, #tpu.memory_space<vmem>>
    %dma_wait3A_113 = arith.constant 0 : i32
    %dma_wait3A_114 = tpu.memref_slice %arg2[%dma_wait3A_113] : memref<33554432xf32, #tpu.memory_space<hbm>> -> memref<16384xf32, #tpu.memory_space<hbm>>
    %dma_wait3A_115 = arith.constant 0 : i32
    %dma_wait3A_116 = tpu.memref_slice %arg5[%dma_wait3A_109, %dma_wait3A_115] : memref<2x16384xf32, #tpu.memory_space<vmem>> -> memref<1x16384xf32, #tpu.memory_space<vmem>>
    %dma_wait3A_117 = tpu.memref_squeeze %dma_wait3A_116 : memref<1x16384xf32, #tpu.memory_space<vmem>> -> memref<16384xf32, #tpu.memory_space<vmem>>
    %dma_wait3A_118 = arith.constant 0 : i32
    %dma_wait3A_119 = tpu.memref_slice %arg2[%dma_wait3A_118] : memref<33554432xf32, #tpu.memory_space<hbm>> -> memref<16384xf32, #tpu.memory_space<hbm>>
    tpu.wait_dma2 semaphore(%arg9 : memref<!tpu.dma_semaphore, #tpu.memory_space<semaphore_mem>>) src(%dma_wait3A_119 : memref<16384xf32, #tpu.memory_space<hbm>>) dst(%dma_wait3A_117 : memref<16384xf32, #tpu.memory_space<vmem>>)
    %dma_wait3A_120 = arith.constant 1 : i32
    %dma_wait3A_121 = arith.constant 0 : i32
    %dma_wait3A_122 = tpu.memref_slice %arg6[%dma_wait3A_120, %dma_wait3A_121] : memref<2x16384xf32, #tpu.memory_space<vmem>> -> memref<1x16384xf32, #tpu.memory_space<vmem>>
    %dma_wait3A_123 = tpu.memref_squeeze %dma_wait3A_122 : memref<1x16384xf32, #tpu.memory_space<vmem>> -> memref<16384xf32, #tpu.memory_space<vmem>>
    %dma_wait3A_124 = arith.constant 0 : i32
    %dma_wait3A_125 = tpu.memref_slice %arg3[%dma_wait3A_124] : memref<8388608xf32, #tpu.memory_space<hbm>> -> memref<16384xf32, #tpu.memory_space<hbm>>
    %dma_wait3A_126 = arith.constant 0 : i32
    %dma_wait3A_127 = tpu.memref_slice %arg6[%dma_wait3A_120, %dma_wait3A_126] : memref<2x16384xf32, #tpu.memory_space<vmem>> -> memref<1x16384xf32, #tpu.memory_space<vmem>>
    %dma_wait3A_128 = tpu.memref_squeeze %dma_wait3A_127 : memref<1x16384xf32, #tpu.memory_space<vmem>> -> memref<16384xf32, #tpu.memory_space<vmem>>
    %dma_wait3A_129 = arith.constant 0 : i32
    %dma_wait3A_130 = tpu.memref_slice %arg3[%dma_wait3A_129] : memref<8388608xf32, #tpu.memory_space<hbm>> -> memref<16384xf32, #tpu.memory_space<hbm>>
    tpu.wait_dma2 semaphore(%arg11 : memref<!tpu.dma_semaphore, #tpu.memory_space<semaphore_mem>>) src(%dma_wait3A_130 : memref<16384xf32, #tpu.memory_space<hbm>>) dst(%dma_wait3A_128 : memref<16384xf32, #tpu.memory_space<vmem>>)
    %scan3A_131 = arith.constant 0 : i32
    %scan3A_132 = arith.constant 1 : i32
    %scan3A_133 = arith.constant 1 : i32
    %scan3A_134 = arith.constant 1 : i32
    %scan3A_135 = arith.constant 0 : i32
    %scan3A_136 = arith.constant 64 : i32
    %scan3A_137 = arith.addi %scan3A_135, %scan3A_136 : i32
    %scan3A_138 = arith.constant 1 : i32
    scf.for %scan3A_201 = %scan3A_135 to %scan3A_137 step %scan3A_138  : i32 {
      %mul3A_202 = arith.constant 256 : i32
      %mul3A_203 = arith.muli %scan3A_201, %mul3A_202 : i32
      %add3A_204 = arith.constant 0 : i32
      %add3A_205 = arith.addi %mul3A_203, %add3A_204 : i32
      %get3A = arith.constant 0 : i32
      %get3A_206 = tpu.memref_slice %arg5[%scan3A_132, %get3A] : memref<2x16384xf32, #tpu.memory_space<vmem>> -> memref<1x16384xf32, #tpu.memory_space<vmem>>
      %get3A_207 = tpu.memref_squeeze %get3A_206 : memref<1x16384xf32, #tpu.memory_space<vmem>> -> memref<16384xf32, #tpu.memory_space<vmem>>
      %get3A_208 = arith.index_cast %add3A_205 : i32 to index
      %get3A_209 = tpu.vector_load %get3A_207[%get3A_208] {strides = array<i32>} : memref<16384xf32, #tpu.memory_space<vmem>>, vector<16xf32>,
      %get3A_210 = vector.shape_cast %get3A_209 : vector<16xf32> to vector<16xf32>
      %get3A_211 = arith.constant 0 : i32
      %get3A_212 = tpu.memref_slice %arg6[%scan3A_133, %get3A_211] : memref<2x16384xf32, #tpu.memory_space<vmem>> -> memref<1x16384xf32, #tpu.memory_space<vmem>>
      %get3A_213 = tpu.memref_squeeze %get3A_212 : memref<1x16384xf32, #tpu.memory_space<vmem>> -> memref<16384xf32, #tpu.memory_space<vmem>>
      %get3A_214 = arith.index_cast %add3A_205 : i32 to index
      %get3A_215 = tpu.vector_load %get3A_213[%get3A_214] {strides = array<i32>} : memref<16384xf32, #tpu.memory_space<vmem>>, vector<16xf32>,
      %get3A_216 = vector.shape_cast %get3A_215 : vector<16xf32> to vector<16xf32>
      %add3A_217 = arith.addf %get3A_210, %get3A_216 : vector<16xf32>
      %swap3A = arith.constant 0 : i32
      %swap3A_218 = tpu.memref_slice %arg7[%scan3A_134, %swap3A] : memref<2x16384xf32, #tpu.memory_space<vmem>> -> memref<1x16384xf32, #tpu.memory_space<vmem>>
      %swap3A_219 = tpu.memref_squeeze %swap3A_218 : memref<1x16384xf32, #tpu.memory_space<vmem>> -> memref<16384xf32, #tpu.memory_space<vmem>>
      %swap3A_220 = arith.index_cast %add3A_205 : i32 to index
      %swap3A_221 = tpu.vector_load %swap3A_219[%swap3A_220] {strides = array<i32>} : memref<16384xf32, #tpu.memory_space<vmem>>, vector<16xf32>,
      %swap3A_222 = vector.shape_cast %swap3A_221 : vector<16xf32> to vector<16xf32>
      %swap3A_223 = vector.shape_cast %add3A_217 : vector<16xf32> to vector<16xf32>
      tpu.vector_store %swap3A_219[%swap3A_220], %swap3A_223 {strides = array<i32>} : memref<16384xf32, #tpu.memory_space<vmem>>, vector<16xf32>,
      %add3A_224 = arith.constant 16 : i32
      %add3A_225 = arith.addi %mul3A_203, %add3A_224 : i32
      %get3A_226 = arith.constant 0 : i32
      %get3A_227 = tpu.memref_slice %arg5[%scan3A_132, %get3A_226] : memref<2x16384xf32, #tpu.memory_space<vmem>> -> memref<1x16384xf32, #tpu.memory_space<vmem>>
      %get3A_228 = tpu.memref_squeeze %get3A_227 : memref<1x16384xf32, #tpu.memory_space<vmem>> -> memref<16384xf32, #tpu.memory_space<vmem>>
      %get3A_229 = arith.index_cast %add3A_225 : i32 to index
      %get3A_230 = tpu.vector_load %get3A_228[%get3A_229] {strides = array<i32>} : memref<16384xf32, #tpu.memory_space<vmem>>, vector<16xf32>,
      %get3A_231 = vector.shape_cast %get3A_230 : vector<16xf32> to vector<16xf32>
      %get3A_232 = arith.constant 0 : i32
      %get3A_233 = tpu.memref_slice %arg6[%scan3A_133, %get3A_232] : memref<2x16384xf32, #tpu.memory_space<vmem>> -> memref<1x16384xf32, #tpu.memory_space<vmem>>
      %get3A_234 = tpu.memref_squeeze %get3A_233 : memref<1x16384xf32, #tpu.memory_space<vmem>> -> memref<16384xf32, #tpu.memory_space<vmem>>
      %get3A_235 = arith.index_cast %add3A_225 : i32 to index
      %get3A_236 = tpu.vector_load %get3A_234[%get3A_235] {strides = array<i32>} : memref<16384xf32, #tpu.memory_space<vmem>>, vector<16xf32>,
      %get3A_237 = vector.shape_cast %get3A_236 : vector<16xf32> to vector<16xf32>
      %add3A_238 = arith.addf %get3A_231, %get3A_237 : vector<16xf32>
      %swap3A_239 = arith.constant 0 : i32
      %swap3A_240 = tpu.memref_slice %arg7[%scan3A_134, %swap3A_239] : memref<2x16384xf32, #tpu.memory_space<vmem>> -> memref<1x16384xf32, #tpu.memory_space<vmem>>
      %swap3A_241 = tpu.memref_squeeze %swap3A_240 : memref<1x16384xf32, #tpu.memory_space<vmem>> -> memref<16384xf32, #tpu.memory_space<vmem>>
      %swap3A_242 = arith.index_cast %add3A_225 : i32 to index
      %swap3A_243 = tpu.vector_load %swap3A_241[%swap3A_242] {strides = array<i32>} : memref<16384xf32, #tpu.memory_space<vmem>>, vector<16xf32>,
      %swap3A_244 = vector.shape_cast %swap3A_243 : vector<16xf32> to vector<16xf32>
      %swap3A_245 = vector.shape_cast %add3A_238 : vector<16xf32> to vector<16xf32>
      tpu.vector_store %swap3A_241[%swap3A_242], %swap3A_245 {strides = array<i32>} : memref<16384xf32, #tpu.memory_space<vmem>>, vector<16xf32>,
      %add3A_246 = arith.constant 32 : i32
      %add3A_247 = arith.addi %mul3A_203, %add3A_246 : i32
      %get3A_248 = arith.constant 0 : i32
      %get3A_249 = tpu.memref_slice %arg5[%scan3A_132, %get3A_248] : memref<2x16384xf32, #tpu.memory_space<vmem>> -> memref<1x16384xf32, #tpu.memory_space<vmem>>
      %get3A_250 = tpu.memref_squeeze %get3A_249 : memref<1x16384xf32, #tpu.memory_space<vmem>> -> memref<16384xf32, #tpu.memory_space<vmem>>
      %get3A_251 = arith.index_cast %add3A_247 : i32 to index
      %get3A_252 = tpu.vector_load %get3A_250[%get3A_251] {strides = array<i32>} : memref<16384xf32, #tpu.memory_space<vmem>>, vector<16xf32>,
      %get3A_253 = vector.shape_cast %get3A_252 : vector<16xf32> to vector<16xf32>
      %get3A_254 = arith.constant 0 : i32
      %get3A_255 = tpu.memref_slice %arg6[%scan3A_133, %get3A_254] : memref<2x16384xf32, #tpu.memory_space<vmem>> -> memref<1x16384xf32, #tpu.memory_space<vmem>>
      %get3A_256 = tpu.memref_squeeze %get3A_255 : memref<1x16384xf32, #tpu.memory_space<vmem>> -> memref<16384xf32, #tpu.memory_space<vmem>>
      %get3A_257 = arith.index_cast %add3A_247 : i32 to index
      %get3A_258 = tpu.vector_load %get3A_256[%get3A_257] {strides = array<i32>} : memref<16384xf32, #tpu.memory_space<vmem>>, vector<16xf32>,
      %get3A_259 = vector.shape_cast %get3A_258 : vector<16xf32> to vector<16xf32>
      %add3A_260 = arith.addf %get3A_253, %get3A_259 : vector<16xf32>
      %swap3A_261 = arith.constant 0 : i32
      %swap3A_262 = tpu.memref_slice %arg7[%scan3A_134, %swap3A_261] : memref<2x16384xf32, #tpu.memory_space<vmem>> -> memref<1x16384xf32, #tpu.memory_space<vmem>>
      %swap3A_263 = tpu.memref_squeeze %swap3A_262 : memref<1x16384xf32, #tpu.memory_space<vmem>> -> memref<16384xf32, #tpu.memory_space<vmem>>
      %swap3A_264 = arith.index_cast %add3A_247 : i32 to index
      %swap3A_265 = tpu.vector_load %swap3A_263[%swap3A_264] {strides = array<i32>} : memref<16384xf32, #tpu.memory_space<vmem>>, vector<16xf32>,
      %swap3A_266 = vector.shape_cast %swap3A_265 : vector<16xf32> to vector<16xf32>
      %swap3A_267 = vector.shape_cast %add3A_260 : vector<16xf32> to vector<16xf32>
      tpu.vector_store %swap3A_263[%swap3A_264], %swap3A_267 {strides = array<i32>} : memref<16384xf32, #tpu.memory_space<vmem>>, vector<16xf32>,
      %add3A_268 = arith.constant 48 : i32
      %add3A_269 = arith.addi %mul3A_203, %add3A_268 : i32
      %get3A_270 = arith.constant 0 : i32
      %get3A_271 = tpu.memref_slice %arg5[%scan3A_132, %get3A_270] : memref<2x16384xf32, #tpu.memory_space<vmem>> -> memref<1x16384xf32, #tpu.memory_space<vmem>>
      %get3A_272 = tpu.memref_squeeze %get3A_271 : memref<1x16384xf32, #tpu.memory_space<vmem>> -> memref<16384xf32, #tpu.memory_space<vmem>>
      %get3A_273 = arith.index_cast %add3A_269 : i32 to index
      %get3A_274 = tpu.vector_load %get3A_272[%get3A_273] {strides = array<i32>} : memref<16384xf32, #tpu.memory_space<vmem>>, vector<16xf32>,
      %get3A_275 = vector.shape_cast %get3A_274 : vector<16xf32> to vector<16xf32>
      %get3A_276 = arith.constant 0 : i32
      %get3A_277 = tpu.memref_slice %arg6[%scan3A_133, %get3A_276] : memref<2x16384xf32, #tpu.memory_space<vmem>> -> memref<1x16384xf32, #tpu.memory_space<vmem>>
      %get3A_278 = tpu.memref_squeeze %get3A_277 : memref<1x16384xf32, #tpu.memory_space<vmem>> -> memref<16384xf32, #tpu.memory_space<vmem>>
      %get3A_279 = arith.index_cast %add3A_269 : i32 to index
      %get3A_280 = tpu.vector_load %get3A_278[%get3A_279] {strides = array<i32>} : memref<16384xf32, #tpu.memory_space<vmem>>, vector<16xf32>,
      %get3A_281 = vector.shape_cast %get3A_280 : vector<16xf32> to vector<16xf32>
      %add3A_282 = arith.addf %get3A_275, %get3A_281 : vector<16xf32>
      %swap3A_283 = arith.constant 0 : i32
      %swap3A_284 = tpu.memref_slice %arg7[%scan3A_134, %swap3A_283] : memref<2x16384xf32, #tpu.memory_space<vmem>> -> memref<1x16384xf32, #tpu.memory_space<vmem>>
      %swap3A_285 = tpu.memref_squeeze %swap3A_284 : memref<1x16384xf32, #tpu.memory_space<vmem>> -> memref<16384xf32, #tpu.memory_space<vmem>>
      %swap3A_286 = arith.index_cast %add3A_269 : i32 to index
      %swap3A_287 = tpu.vector_load %swap3A_285[%swap3A_286] {strides = array<i32>} : memref<16384xf32, #tpu.memory_space<vmem>>, vector<16xf32>,
      %swap3A_288 = vector.shape_cast %swap3A_287 : vector<16xf32> to vector<16xf32>
      %swap3A_289 = vector.shape_cast %add3A_282 : vector<16xf32> to vector<16xf32>
      tpu.vector_store %swap3A_285[%swap3A_286], %swap3A_289 {strides = array<i32>} : memref<16384xf32, #tpu.memory_space<vmem>>, vector<16xf32>,
      %add3A_290 = arith.constant 64 : i32
      %add3A_291 = arith.addi %mul3A_203, %add3A_290 : i32
      %get3A_292 = arith.constant 0 : i32
      %get3A_293 = tpu.memref_slice %arg5[%scan3A_132, %get3A_292] : memref<2x16384xf32, #tpu.memory_space<vmem>> -> memref<1x16384xf32, #tpu.memory_space<vmem>>
      %get3A_294 = tpu.memref_squeeze %get3A_293 : memref<1x16384xf32, #tpu.memory_space<vmem>> -> memref<16384xf32, #tpu.memory_space<vmem>>
      %get3A_295 = arith.index_cast %add3A_291 : i32 to index
      %get3A_296 = tpu.vector_load %get3A_294[%get3A_295] {strides = array<i32>} : memref<16384xf32, #tpu.memory_space<vmem>>, vector<16xf32>,
      %get3A_297 = vector.shape_cast %get3A_296 : vector<16xf32> to vector<16xf32>
      %get3A_298 = arith.constant 0 : i32
      %get3A_299 = tpu.memref_slice %arg6[%scan3A_133, %get3A_298] : memref<2x16384xf32, #tpu.memory_space<vmem>> -> memref<1x16384xf32, #tpu.memory_space<vmem>>
      %get3A_300 = tpu.memref_squeeze %get3A_299 : memref<1x16384xf32, #tpu.memory_space<vmem>> -> memref<16384xf32, #tpu.memory_space<vmem>>
      %get3A_301 = arith.index_cast %add3A_291 : i32 to index
      %get3A_302 = tpu.vector_load %get3A_300[%get3A_301] {strides = array<i32>} : memref<16384xf32, #tpu.memory_space<vmem>>, vector<16xf32>,
      %get3A_303 = vector.shape_cast %get3A_302 : vector<16xf32> to vector<16xf32>
      %add3A_304 = arith.addf %get3A_297, %get3A_303 : vector<16xf32>
      %swap3A_305 = arith.constant 0 : i32
      %swap3A_306 = tpu.memref_slice %arg7[%scan3A_134, %swap3A_305] : memref<2x16384xf32, #tpu.memory_space<vmem>> -> memref<1x16384xf32, #tpu.memory_space<vmem>>
      %swap3A_307 = tpu.memref_squeeze %swap3A_306 : memref<1x16384xf32, #tpu.memory_space<vmem>> -> memref<16384xf32, #tpu.memory_space<vmem>>
      %swap3A_308 = arith.index_cast %add3A_291 : i32 to index
      %swap3A_309 = tpu.vector_load %swap3A_307[%swap3A_308] {strides = array<i32>} : memref<16384xf32, #tpu.memory_space<vmem>>, vector<16xf32>,
      %swap3A_310 = vector.shape_cast %swap3A_309 : vector<16xf32> to vector<16xf32>
      %swap3A_311 = vector.shape_cast %add3A_304 : vector<16xf32> to vector<16xf32>
      tpu.vector_store %swap3A_307[%swap3A_308], %swap3A_311 {strides = array<i32>} : memref<16384xf32, #tpu.memory_space<vmem>>, vector<16xf32>,
      %add3A_312 = arith.constant 80 : i32
      %add3A_313 = arith.addi %mul3A_203, %add3A_312 : i32
      %get3A_314 = arith.constant 0 : i32
      %get3A_315 = tpu.memref_slice %arg5[%scan3A_132, %get3A_314] : memref<2x16384xf32, #tpu.memory_space<vmem>> -> memref<1x16384xf32, #tpu.memory_space<vmem>>
      %get3A_316 = tpu.memref_squeeze %get3A_315 : memref<1x16384xf32, #tpu.memory_space<vmem>> -> memref<16384xf32, #tpu.memory_space<vmem>>
      %get3A_317 = arith.index_cast %add3A_313 : i32 to index
      %get3A_318 = tpu.vector_load %get3A_316[%get3A_317] {strides = array<i32>} : memref<16384xf32, #tpu.memory_space<vmem>>, vector<16xf32>,
      %get3A_319 = vector.shape_cast %get3A_318 : vector<16xf32> to vector<16xf32>
      %get3A_320 = arith.constant 0 : i32
      %get3A_321 = tpu.memref_slice %arg6[%scan3A_133, %get3A_320] : memref<2x16384xf32, #tpu.memory_space<vmem>> -> memref<1x16384xf32, #tpu.memory_space<vmem>>
      %get3A_322 = tpu.memref_squeeze %get3A_321 : memref<1x16384xf32, #tpu.memory_space<vmem>> -> memref<16384xf32, #tpu.memory_space<vmem>>
      %get3A_323 = arith.index_cast %add3A_313 : i32 to index
      %get3A_324 = tpu.vector_load %get3A_322[%get3A_323] {strides = array<i32>} : memref<16384xf32, #tpu.memory_space<vmem>>, vector<16xf32>,
      %get3A_325 = vector.shape_cast %get3A_324 : vector<16xf32> to vector<16xf32>
      %add3A_326 = arith.addf %get3A_319, %get3A_325 : vector<16xf32>
      %swap3A_327 = arith.constant 0 : i32
      %swap3A_328 = tpu.memref_slice %arg7[%scan3A_134, %swap3A_327] : memref<2x16384xf32, #tpu.memory_space<vmem>> -> memref<1x16384xf32, #tpu.memory_space<vmem>>
      %swap3A_329 = tpu.memref_squeeze %swap3A_328 : memref<1x16384xf32, #tpu.memory_space<vmem>> -> memref<16384xf32, #tpu.memory_space<vmem>>
      %swap3A_330 = arith.index_cast %add3A_313 : i32 to index
      %swap3A_331 = tpu.vector_load %swap3A_329[%swap3A_330] {strides = array<i32>} : memref<16384xf32, #tpu.memory_space<vmem>>, vector<16xf32>,
      %swap3A_332 = vector.shape_cast %swap3A_331 : vector<16xf32> to vector<16xf32>
      %swap3A_333 = vector.shape_cast %add3A_326 : vector<16xf32> to vector<16xf32>
      tpu.vector_store %swap3A_329[%swap3A_330], %swap3A_333 {strides = array<i32>} : memref<16384xf32, #tpu.memory_space<vmem>>, vector<16xf32>,
      %add3A_334 = arith.constant 96 : i32
      %add3A_335 = arith.addi %mul3A_203, %add3A_334 : i32
      %get3A_336 = arith.constant 0 : i32
      %get3A_337 = tpu.memref_slice %arg5[%scan3A_132, %get3A_336] : memref<2x16384xf32, #tpu.memory_space<vmem>> -> memref<1x16384xf32, #tpu.memory_space<vmem>>
      %get3A_338 = tpu.memref_squeeze %get3A_337 : memref<1x16384xf32, #tpu.memory_space<vmem>> -> memref<16384xf32, #tpu.memory_space<vmem>>
      %get3A_339 = arith.index_cast %add3A_335 : i32 to index
      %get3A_340 = tpu.vector_load %get3A_338[%get3A_339] {strides = array<i32>} : memref<16384xf32, #tpu.memory_space<vmem>>, vector<16xf32>,
      %get3A_341 = vector.shape_cast %get3A_340 : vector<16xf32> to vector<16xf32>
      %get3A_342 = arith.constant 0 : i32
      %get3A_343 = tpu.memref_slice %arg6[%scan3A_133, %get3A_342] : memref<2x16384xf32, #tpu.memory_space<vmem>> -> memref<1x16384xf32, #tpu.memory_space<vmem>>
      %get3A_344 = tpu.memref_squeeze %get3A_343 : memref<1x16384xf32, #tpu.memory_space<vmem>> -> memref<16384xf32, #tpu.memory_space<vmem>>
      %get3A_345 = arith.index_cast %add3A_335 : i32 to index
      %get3A_346 = tpu.vector_load %get3A_344[%get3A_345] {strides = array<i32>} : memref<16384xf32, #tpu.memory_space<vmem>>, vector<16xf32>,
      %get3A_347 = vector.shape_cast %get3A_346 : vector<16xf32> to vector<16xf32>
      %add3A_348 = arith.addf %get3A_341, %get3A_347 : vector<16xf32>
      %swap3A_349 = arith.constant 0 : i32
      %swap3A_350 = tpu.memref_slice %arg7[%scan3A_134, %swap3A_349] : memref<2x16384xf32, #tpu.memory_space<vmem>> -> memref<1x16384xf32, #tpu.memory_space<vmem>>
      %swap3A_351 = tpu.memref_squeeze %swap3A_350 : memref<1x16384xf32, #tpu.memory_space<vmem>> -> memref<16384xf32, #tpu.memory_space<vmem>>
      %swap3A_352 = arith.index_cast %add3A_335 : i32 to index
      %swap3A_353 = tpu.vector_load %swap3A_351[%swap3A_352] {strides = array<i32>} : memref<16384xf32, #tpu.memory_space<vmem>>, vector<16xf32>,
      %swap3A_354 = vector.shape_cast %swap3A_353 : vector<16xf32> to vector<16xf32>
      %swap3A_355 = vector.shape_cast %add3A_348 : vector<16xf32> to vector<16xf32>
      tpu.vector_store %swap3A_351[%swap3A_352], %swap3A_355 {strides = array<i32>} : memref<16384xf32, #tpu.memory_space<vmem>>, vector<16xf32>,
      %add3A_356 = arith.constant 112 : i32
      %add3A_357 = arith.addi %mul3A_203, %add3A_356 : i32
      %get3A_358 = arith.constant 0 : i32
      %get3A_359 = tpu.memref_slice %arg5[%scan3A_132, %get3A_358] : memref<2x16384xf32, #tpu.memory_space<vmem>> -> memref<1x16384xf32, #tpu.memory_space<vmem>>
      %get3A_360 = tpu.memref_squeeze %get3A_359 : memref<1x16384xf32, #tpu.memory_space<vmem>> -> memref<16384xf32, #tpu.memory_space<vmem>>
      %get3A_361 = arith.index_cast %add3A_357 : i32 to index
      %get3A_362 = tpu.vector_load %get3A_360[%get3A_361] {strides = array<i32>} : memref<16384xf32, #tpu.memory_space<vmem>>, vector<16xf32>,
      %get3A_363 = vector.shape_cast %get3A_362 : vector<16xf32> to vector<16xf32>
      %get3A_364 = arith.constant 0 : i32
      %get3A_365 = tpu.memref_slice %arg6[%scan3A_133, %get3A_364] : memref<2x16384xf32, #tpu.memory_space<vmem>> -> memref<1x16384xf32, #tpu.memory_space<vmem>>
      %get3A_366 = tpu.memref_squeeze %get3A_365 : memref<1x16384xf32, #tpu.memory_space<vmem>> -> memref<16384xf32, #tpu.memory_space<vmem>>
      %get3A_367 = arith.index_cast %add3A_357 : i32 to index
      %get3A_368 = tpu.vector_load %get3A_366[%get3A_367] {strides = array<i32>} : memref<16384xf32, #tpu.memory_space<vmem>>, vector<16xf32>,
      %get3A_369 = vector.shape_cast %get3A_368 : vector<16xf32> to vector<16xf32>
      %add3A_370 = arith.addf %get3A_363, %get3A_369 : vector<16xf32>
      %swap3A_371 = arith.constant 0 : i32
      %swap3A_372 = tpu.memref_slice %arg7[%scan3A_134, %swap3A_371] : memref<2x16384xf32, #tpu.memory_space<vmem>> -> memref<1x16384xf32, #tpu.memory_space<vmem>>
      %swap3A_373 = tpu.memref_squeeze %swap3A_372 : memref<1x16384xf32, #tpu.memory_space<vmem>> -> memref<16384xf32, #tpu.memory_space<vmem>>
      %swap3A_374 = arith.index_cast %add3A_357 : i32 to index
      %swap3A_375 = tpu.vector_load %swap3A_373[%swap3A_374] {strides = array<i32>} : memref<16384xf32, #tpu.memory_space<vmem>>, vector<16xf32>,
      %swap3A_376 = vector.shape_cast %swap3A_375 : vector<16xf32> to vector<16xf32>
      %swap3A_377 = vector.shape_cast %add3A_370 : vector<16xf32> to vector<16xf32>
      tpu.vector_store %swap3A_373[%swap3A_374], %swap3A_377 {strides = array<i32>} : memref<16384xf32, #tpu.memory_space<vmem>>, vector<16xf32>,
      %add3A_378 = arith.constant 128 : i32
      %add3A_379 = arith.addi %mul3A_203, %add3A_378 : i32
      %get3A_380 = arith.constant 0 : i32
      %get3A_381 = tpu.memref_slice %arg5[%scan3A_132, %get3A_380] : memref<2x16384xf32, #tpu.memory_space<vmem>> -> memref<1x16384xf32, #tpu.memory_space<vmem>>
      %get3A_382 = tpu.memref_squeeze %get3A_381 : memref<1x16384xf32, #tpu.memory_space<vmem>> -> memref<16384xf32, #tpu.memory_space<vmem>>
      %get3A_383 = arith.index_cast %add3A_379 : i32 to index
      %get3A_384 = tpu.vector_load %get3A_382[%get3A_383] {strides = array<i32>} : memref<16384xf32, #tpu.memory_space<vmem>>, vector<16xf32>,
      %get3A_385 = vector.shape_cast %get3A_384 : vector<16xf32> to vector<16xf32>
      %get3A_386 = arith.constant 0 : i32
      %get3A_387 = tpu.memref_slice %arg6[%scan3A_133, %get3A_386] : memref<2x16384xf32, #tpu.memory_space<vmem>> -> memref<1x16384xf32, #tpu.memory_space<vmem>>
      %get3A_388 = tpu.memref_squeeze %get3A_387 : memref<1x16384xf32, #tpu.memory_space<vmem>> -> memref<16384xf32, #tpu.memory_space<vmem>>
      %get3A_389 = arith.index_cast %add3A_379 : i32 to index
      %get3A_390 = tpu.vector_load %get3A_388[%get3A_389] {strides = array<i32>} : memref<16384xf32, #tpu.memory_space<vmem>>, vector<16xf32>,
      %get3A_391 = vector.shape_cast %get3A_390 : vector<16xf32> to vector<16xf32>
      %add3A_392 = arith.addf %get3A_385, %get3A_391 : vector<16xf32>
      %swap3A_393 = arith.constant 0 : i32
      %swap3A_394 = tpu.memref_slice %arg7[%scan3A_134, %swap3A_393] : memref<2x16384xf32, #tpu.memory_space<vmem>> -> memref<1x16384xf32, #tpu.memory_space<vmem>>
      %swap3A_395 = tpu.memref_squeeze %swap3A_394 : memref<1x16384xf32, #tpu.memory_space<vmem>> -> memref<16384xf32, #tpu.memory_space<vmem>>
      %swap3A_396 = arith.index_cast %add3A_379 : i32 to index
      %swap3A_397 = tpu.vector_load %swap3A_395[%swap3A_396] {strides = array<i32>} : memref<16384xf32, #tpu.memory_space<vmem>>, vector<16xf32>,
      %swap3A_398 = vector.shape_cast %swap3A_397 : vector<16xf32> to vector<16xf32>
      %swap3A_399 = vector.shape_cast %add3A_392 : vector<16xf32> to vector<16xf32>
      tpu.vector_store %swap3A_395[%swap3A_396], %swap3A_399 {strides = array<i32>} : memref<16384xf32, #tpu.memory_space<vmem>>, vector<16xf32>,
      %add3A_400 = arith.constant 144 : i32
      %add3A_401 = arith.addi %mul3A_203, %add3A_400 : i32
      %get3A_402 = arith.constant 0 : i32
      %get3A_403 = tpu.memref_slice %arg5[%scan3A_132, %get3A_402] : memref<2x16384xf32, #tpu.memory_space<vmem>> -> memref<1x16384xf32, #tpu.memory_space<vmem>>
      %get3A_404 = tpu.memref_squeeze %get3A_403 : memref<1x16384xf32, #tpu.memory_space<vmem>> -> memref<16384xf32, #tpu.memory_space<vmem>>
      %get3A_405 = arith.index_cast %add3A_401 : i32 to index
      %get3A_406 = tpu.vector_load %get3A_404[%get3A_405] {strides = array<i32>} : memref<16384xf32, #tpu.memory_space<vmem>>, vector<16xf32>,
      %get3A_407 = vector.shape_cast %get3A_406 : vector<16xf32> to vector<16xf32>
      %get3A_408 = arith.constant 0 : i32
      %get3A_409 = tpu.memref_slice %arg6[%scan3A_133, %get3A_408] : memref<2x16384xf32, #tpu.memory_space<vmem>> -> memref<1x16384xf32, #tpu.memory_space<vmem>>
      %get3A_410 = tpu.memref_squeeze %get3A_409 : memref<1x16384xf32, #tpu.memory_space<vmem>> -> memref<16384xf32, #tpu.memory_space<vmem>>
      %get3A_411 = arith.index_cast %add3A_401 : i32 to index
      %get3A_412 = tpu.vector_load %get3A_410[%get3A_411] {strides = array<i32>} : memref<16384xf32, #tpu.memory_space<vmem>>, vector<16xf32>,
      %get3A_413 = vector.shape_cast %get3A_412 : vector<16xf32> to vector<16xf32>
      %add3A_414 = arith.addf %get3A_407, %get3A_413 : vector<16xf32>
      %swap3A_415 = arith.constant 0 : i32
      %swap3A_416 = tpu.memref_slice %arg7[%scan3A_134, %swap3A_415] : memref<2x16384xf32, #tpu.memory_space<vmem>> -> memref<1x16384xf32, #tpu.memory_space<vmem>>
      %swap3A_417 = tpu.memref_squeeze %swap3A_416 : memref<1x16384xf32, #tpu.memory_space<vmem>> -> memref<16384xf32, #tpu.memory_space<vmem>>
      %swap3A_418 = arith.index_cast %add3A_401 : i32 to index
      %swap3A_419 = tpu.vector_load %swap3A_417[%swap3A_418] {strides = array<i32>} : memref<16384xf32, #tpu.memory_space<vmem>>, vector<16xf32>,
      %swap3A_420 = vector.shape_cast %swap3A_419 : vector<16xf32> to vector<16xf32>
      %swap3A_421 = vector.shape_cast %add3A_414 : vector<16xf32> to vector<16xf32>
      tpu.vector_store %swap3A_417[%swap3A_418], %swap3A_421 {strides = array<i32>} : memref<16384xf32, #tpu.memory_space<vmem>>, vector<16xf32>,
      %add3A_422 = arith.constant 160 : i32
      %add3A_423 = arith.addi %mul3A_203, %add3A_422 : i32
      %get3A_424 = arith.constant 0 : i32
      %get3A_425 = tpu.memref_slice %arg5[%scan3A_132, %get3A_424] : memref<2x16384xf32, #tpu.memory_space<vmem>> -> memref<1x16384xf32, #tpu.memory_space<vmem>>
      %get3A_426 = tpu.memref_squeeze %get3A_425 : memref<1x16384xf32, #tpu.memory_space<vmem>> -> memref<16384xf32, #tpu.memory_space<vmem>>
      %get3A_427 = arith.index_cast %add3A_423 : i32 to index
      %get3A_428 = tpu.vector_load %get3A_426[%get3A_427] {strides = array<i32>} : memref<16384xf32, #tpu.memory_space<vmem>>, vector<16xf32>,
      %get3A_429 = vector.shape_cast %get3A_428 : vector<16xf32> to vector<16xf32>
      %get3A_430 = arith.constant 0 : i32
      %get3A_431 = tpu.memref_slice %arg6[%scan3A_133, %get3A_430] : memref<2x16384xf32, #tpu.memory_space<vmem>> -> memref<1x16384xf32, #tpu.memory_space<vmem>>
      %get3A_432 = tpu.memref_squeeze %get3A_431 : memref<1x16384xf32, #tpu.memory_space<vmem>> -> memref<16384xf32, #tpu.memory_space<vmem>>
      %get3A_433 = arith.index_cast %add3A_423 : i32 to index
      %get3A_434 = tpu.vector_load %get3A_432[%get3A_433] {strides = array<i32>} : memref<16384xf32, #tpu.memory_space<vmem>>, vector<16xf32>,
      %get3A_435 = vector.shape_cast %get3A_434 : vector<16xf32> to vector<16xf32>
      %add3A_436 = arith.addf %get3A_429, %get3A_435 : vector<16xf32>
      %swap3A_437 = arith.constant 0 : i32
      %swap3A_438 = tpu.memref_slice %arg7[%scan3A_134, %swap3A_437] : memref<2x16384xf32, #tpu.memory_space<vmem>> -> memref<1x16384xf32, #tpu.memory_space<vmem>>
      %swap3A_439 = tpu.memref_squeeze %swap3A_438 : memref<1x16384xf32, #tpu.memory_space<vmem>> -> memref<16384xf32, #tpu.memory_space<vmem>>
      %swap3A_440 = arith.index_cast %add3A_423 : i32 to index
      %swap3A_441 = tpu.vector_load %swap3A_439[%swap3A_440] {strides = array<i32>} : memref<16384xf32, #tpu.memory_space<vmem>>, vector<16xf32>,
      %swap3A_442 = vector.shape_cast %swap3A_441 : vector<16xf32> to vector<16xf32>
      %swap3A_443 = vector.shape_cast %add3A_436 : vector<16xf32> to vector<16xf32>
      tpu.vector_store %swap3A_439[%swap3A_440], %swap3A_443 {strides = array<i32>} : memref<16384xf32, #tpu.memory_space<vmem>>, vector<16xf32>,
      %add3A_444 = arith.constant 176 : i32
      %add3A_445 = arith.addi %mul3A_203, %add3A_444 : i32
      %get3A_446 = arith.constant 0 : i32
      %get3A_447 = tpu.memref_slice %arg5[%scan3A_132, %get3A_446] : memref<2x16384xf32, #tpu.memory_space<vmem>> -> memref<1x16384xf32, #tpu.memory_space<vmem>>
      %get3A_448 = tpu.memref_squeeze %get3A_447 : memref<1x16384xf32, #tpu.memory_space<vmem>> -> memref<16384xf32, #tpu.memory_space<vmem>>
      %get3A_449 = arith.index_cast %add3A_445 : i32 to index
      %get3A_450 = tpu.vector_load %get3A_448[%get3A_449] {strides = array<i32>} : memref<16384xf32, #tpu.memory_space<vmem>>, vector<16xf32>,
      %get3A_451 = vector.shape_cast %get3A_450 : vector<16xf32> to vector<16xf32>
      %get3A_452 = arith.constant 0 : i32
      %get3A_453 = tpu.memref_slice %arg6[%scan3A_133, %get3A_452] : memref<2x16384xf32, #tpu.memory_space<vmem>> -> memref<1x16384xf32, #tpu.memory_space<vmem>>
      %get3A_454 = tpu.memref_squeeze %get3A_453 : memref<1x16384xf32, #tpu.memory_space<vmem>> -> memref<16384xf32, #tpu.memory_space<vmem>>
      %get3A_455 = arith.index_cast %add3A_445 : i32 to index
      %get3A_456 = tpu.vector_load %get3A_454[%get3A_455] {strides = array<i32>} : memref<16384xf32, #tpu.memory_space<vmem>>, vector<16xf32>,
      %get3A_457 = vector.shape_cast %get3A_456 : vector<16xf32> to vector<16xf32>
      %add3A_458 = arith.addf %get3A_451, %get3A_457 : vector<16xf32>
      %swap3A_459 = arith.constant 0 : i32
      %swap3A_460 = tpu.memref_slice %arg7[%scan3A_134, %swap3A_459] : memref<2x16384xf32, #tpu.memory_space<vmem>> -> memref<1x16384xf32, #tpu.memory_space<vmem>>
      %swap3A_461 = tpu.memref_squeeze %swap3A_460 : memref<1x16384xf32, #tpu.memory_space<vmem>> -> memref<16384xf32, #tpu.memory_space<vmem>>
      %swap3A_462 = arith.index_cast %add3A_445 : i32 to index
      %swap3A_463 = tpu.vector_load %swap3A_461[%swap3A_462] {strides = array<i32>} : memref<16384xf32, #tpu.memory_space<vmem>>, vector<16xf32>,
      %swap3A_464 = vector.shape_cast %swap3A_463 : vector<16xf32> to vector<16xf32>
      %swap3A_465 = vector.shape_cast %add3A_458 : vector<16xf32> to vector<16xf32>
      tpu.vector_store %swap3A_461[%swap3A_462], %swap3A_465 {strides = array<i32>} : memref<16384xf32, #tpu.memory_space<vmem>>, vector<16xf32>,
      %add3A_466 = arith.constant 192 : i32
      %add3A_467 = arith.addi %mul3A_203, %add3A_466 : i32
      %get3A_468 = arith.constant 0 : i32
      %get3A_469 = tpu.memref_slice %arg5[%scan3A_132, %get3A_468] : memref<2x16384xf32, #tpu.memory_space<vmem>> -> memref<1x16384xf32, #tpu.memory_space<vmem>>
      %get3A_470 = tpu.memref_squeeze %get3A_469 : memref<1x16384xf32, #tpu.memory_space<vmem>> -> memref<16384xf32, #tpu.memory_space<vmem>>
      %get3A_471 = arith.index_cast %add3A_467 : i32 to index
      %get3A_472 = tpu.vector_load %get3A_470[%get3A_471] {strides = array<i32>} : memref<16384xf32, #tpu.memory_space<vmem>>, vector<16xf32>,
      %get3A_473 = vector.shape_cast %get3A_472 : vector<16xf32> to vector<16xf32>
      %get3A_474 = arith.constant 0 : i32
      %get3A_475 = tpu.memref_slice %arg6[%scan3A_133, %get3A_474] : memref<2x16384xf32, #tpu.memory_space<vmem>> -> memref<1x16384xf32, #tpu.memory_space<vmem>>
      %get3A_476 = tpu.memref_squeeze %get3A_475 : memref<1x16384xf32, #tpu.memory_space<vmem>> -> memref<16384xf32, #tpu.memory_space<vmem>>
      %get3A_477 = arith.index_cast %add3A_467 : i32 to index
      %get3A_478 = tpu.vector_load %get3A_476[%get3A_477] {strides = array<i32>} : memref<16384xf32, #tpu.memory_space<vmem>>, vector<16xf32>,
      %get3A_479 = vector.shape_cast %get3A_478 : vector<16xf32> to vector<16xf32>
      %add3A_480 = arith.addf %get3A_473, %get3A_479 : vector<16xf32>
      %swap3A_481 = arith.constant 0 : i32
      %swap3A_482 = tpu.memref_slice %arg7[%scan3A_134, %swap3A_481] : memref<2x16384xf32, #tpu.memory_space<vmem>> -> memref<1x16384xf32, #tpu.memory_space<vmem>>
      %swap3A_483 = tpu.memref_squeeze %swap3A_482 : memref<1x16384xf32, #tpu.memory_space<vmem>> -> memref<16384xf32, #tpu.memory_space<vmem>>
      %swap3A_484 = arith.index_cast %add3A_467 : i32 to index
      %swap3A_485 = tpu.vector_load %swap3A_483[%swap3A_484] {strides = array<i32>} : memref<16384xf32, #tpu.memory_space<vmem>>, vector<16xf32>,
      %swap3A_486 = vector.shape_cast %swap3A_485 : vector<16xf32> to vector<16xf32>
      %swap3A_487 = vector.shape_cast %add3A_480 : vector<16xf32> to vector<16xf32>
      tpu.vector_store %swap3A_483[%swap3A_484], %swap3A_487 {strides = array<i32>} : memref<16384xf32, #tpu.memory_space<vmem>>, vector<16xf32>,
      %add3A_488 = arith.constant 208 : i32
      %add3A_489 = arith.addi %mul3A_203, %add3A_488 : i32
      %get3A_490 = arith.constant 0 : i32
      %get3A_491 = tpu.memref_slice %arg5[%scan3A_132, %get3A_490] : memref<2x16384xf32, #tpu.memory_space<vmem>> -> memref<1x16384xf32, #tpu.memory_space<vmem>>
      %get3A_492 = tpu.memref_squeeze %get3A_491 : memref<1x16384xf32, #tpu.memory_space<vmem>> -> memref<16384xf32, #tpu.memory_space<vmem>>
      %get3A_493 = arith.index_cast %add3A_489 : i32 to index
      %get3A_494 = tpu.vector_load %get3A_492[%get3A_493] {strides = array<i32>} : memref<16384xf32, #tpu.memory_space<vmem>>, vector<16xf32>,
      %get3A_495 = vector.shape_cast %get3A_494 : vector<16xf32> to vector<16xf32>
      %get3A_496 = arith.constant 0 : i32
      %get3A_497 = tpu.memref_slice %arg6[%scan3A_133, %get3A_496] : memref<2x16384xf32, #tpu.memory_space<vmem>> -> memref<1x16384xf32, #tpu.memory_space<vmem>>
      %get3A_498 = tpu.memref_squeeze %get3A_497 : memref<1x16384xf32, #tpu.memory_space<vmem>> -> memref<16384xf32, #tpu.memory_space<vmem>>
      %get3A_499 = arith.index_cast %add3A_489 : i32 to index
      %get3A_500 = tpu.vector_load %get3A_498[%get3A_499] {strides = array<i32>} : memref<16384xf32, #tpu.memory_space<vmem>>, vector<16xf32>,
      %get3A_501 = vector.shape_cast %get3A_500 : vector<16xf32> to vector<16xf32>
      %add3A_502 = arith.addf %get3A_495, %get3A_501 : vector<16xf32>
      %swap3A_503 = arith.constant 0 : i32
      %swap3A_504 = tpu.memref_slice %arg7[%scan3A_134, %swap3A_503] : memref<2x16384xf32, #tpu.memory_space<vmem>> -> memref<1x16384xf32, #tpu.memory_space<vmem>>
      %swap3A_505 = tpu.memref_squeeze %swap3A_504 : memref<1x16384xf32, #tpu.memory_space<vmem>> -> memref<16384xf32, #tpu.memory_space<vmem>>
      %swap3A_506 = arith.index_cast %add3A_489 : i32 to index
      %swap3A_507 = tpu.vector_load %swap3A_505[%swap3A_506] {strides = array<i32>} : memref<16384xf32, #tpu.memory_space<vmem>>, vector<16xf32>,
      %swap3A_508 = vector.shape_cast %swap3A_507 : vector<16xf32> to vector<16xf32>
      %swap3A_509 = vector.shape_cast %add3A_502 : vector<16xf32> to vector<16xf32>
      tpu.vector_store %swap3A_505[%swap3A_506], %swap3A_509 {strides = array<i32>} : memref<16384xf32, #tpu.memory_space<vmem>>, vector<16xf32>,
      %add3A_510 = arith.constant 224 : i32
      %add3A_511 = arith.addi %mul3A_203, %add3A_510 : i32
      %get3A_512 = arith.constant 0 : i32
      %get3A_513 = tpu.memref_slice %arg5[%scan3A_132, %get3A_512] : memref<2x16384xf32, #tpu.memory_space<vmem>> -> memref<1x16384xf32, #tpu.memory_space<vmem>>
      %get3A_514 = tpu.memref_squeeze %get3A_513 : memref<1x16384xf32, #tpu.memory_space<vmem>> -> memref<16384xf32, #tpu.memory_space<vmem>>
      %get3A_515 = arith.index_cast %add3A_511 : i32 to index
      %get3A_516 = tpu.vector_load %get3A_514[%get3A_515] {strides = array<i32>} : memref<16384xf32, #tpu.memory_space<vmem>>, vector<16xf32>,
      %get3A_517 = vector.shape_cast %get3A_516 : vector<16xf32> to vector<16xf32>
      %get3A_518 = arith.constant 0 : i32
      %get3A_519 = tpu.memref_slice %arg6[%scan3A_133, %get3A_518] : memref<2x16384xf32, #tpu.memory_space<vmem>> -> memref<1x16384xf32, #tpu.memory_space<vmem>>
      %get3A_520 = tpu.memref_squeeze %get3A_519 : memref<1x16384xf32, #tpu.memory_space<vmem>> -> memref<16384xf32, #tpu.memory_space<vmem>>
      %get3A_521 = arith.index_cast %add3A_511 : i32 to index
      %get3A_522 = tpu.vector_load %get3A_520[%get3A_521] {strides = array<i32>} : memref<16384xf32, #tpu.memory_space<vmem>>, vector<16xf32>,
      %get3A_523 = vector.shape_cast %get3A_522 : vector<16xf32> to vector<16xf32>
      %add3A_524 = arith.addf %get3A_517, %get3A_523 : vector<16xf32>
      %swap3A_525 = arith.constant 0 : i32
      %swap3A_526 = tpu.memref_slice %arg7[%scan3A_134, %swap3A_525] : memref<2x16384xf32, #tpu.memory_space<vmem>> -> memref<1x16384xf32, #tpu.memory_space<vmem>>
      %swap3A_527 = tpu.memref_squeeze %swap3A_526 : memref<1x16384xf32, #tpu.memory_space<vmem>> -> memref<16384xf32, #tpu.memory_space<vmem>>
      %swap3A_528 = arith.index_cast %add3A_511 : i32 to index
      %swap3A_529 = tpu.vector_load %swap3A_527[%swap3A_528] {strides = array<i32>} : memref<16384xf32, #tpu.memory_space<vmem>>, vector<16xf32>,
      %swap3A_530 = vector.shape_cast %swap3A_529 : vector<16xf32> to vector<16xf32>
      %swap3A_531 = vector.shape_cast %add3A_524 : vector<16xf32> to vector<16xf32>
      tpu.vector_store %swap3A_527[%swap3A_528], %swap3A_531 {strides = array<i32>} : memref<16384xf32, #tpu.memory_space<vmem>>, vector<16xf32>,
      %add3A_532 = arith.constant 240 : i32
      %add3A_533 = arith.addi %mul3A_203, %add3A_532 : i32
      %get3A_534 = arith.constant 0 : i32
      %get3A_535 = tpu.memref_slice %arg5[%scan3A_132, %get3A_534] : memref<2x16384xf32, #tpu.memory_space<vmem>> -> memref<1x16384xf32, #tpu.memory_space<vmem>>
      %get3A_536 = tpu.memref_squeeze %get3A_535 : memref<1x16384xf32, #tpu.memory_space<vmem>> -> memref<16384xf32, #tpu.memory_space<vmem>>
      %get3A_537 = arith.index_cast %add3A_533 : i32 to index
      %get3A_538 = tpu.vector_load %get3A_536[%get3A_537] {strides = array<i32>} : memref<16384xf32, #tpu.memory_space<vmem>>, vector<16xf32>,
      %get3A_539 = vector.shape_cast %get3A_538 : vector<16xf32> to vector<16xf32>
      %get3A_540 = arith.constant 0 : i32
      %get3A_541 = tpu.memref_slice %arg6[%scan3A_133, %get3A_540] : memref<2x16384xf32, #tpu.memory_space<vmem>> -> memref<1x16384xf32, #tpu.memory_space<vmem>>
      %get3A_542 = tpu.memref_squeeze %get3A_541 : memref<1x16384xf32, #tpu.memory_space<vmem>> -> memref<16384xf32, #tpu.memory_space<vmem>>
      %get3A_543 = arith.index_cast %add3A_533 : i32 to index
      %get3A_544 = tpu.vector_load %get3A_542[%get3A_543] {strides = array<i32>} : memref<16384xf32, #tpu.memory_space<vmem>>, vector<16xf32>,
      %get3A_545 = vector.shape_cast %get3A_544 : vector<16xf32> to vector<16xf32>
      %add3A_546 = arith.addf %get3A_539, %get3A_545 : vector<16xf32>
      %swap3A_547 = arith.constant 0 : i32
      %swap3A_548 = tpu.memref_slice %arg7[%scan3A_134, %swap3A_547] : memref<2x16384xf32, #tpu.memory_space<vmem>> -> memref<1x16384xf32, #tpu.memory_space<vmem>>
      %swap3A_549 = tpu.memref_squeeze %swap3A_548 : memref<1x16384xf32, #tpu.memory_space<vmem>> -> memref<16384xf32, #tpu.memory_space<vmem>>
      %swap3A_550 = arith.index_cast %add3A_533 : i32 to index
      %swap3A_551 = tpu.vector_load %swap3A_549[%swap3A_550] {strides = array<i32>} : memref<16384xf32, #tpu.memory_space<vmem>>, vector<16xf32>,
      %swap3A_552 = vector.shape_cast %swap3A_551 : vector<16xf32> to vector<16xf32>
      %swap3A_553 = vector.shape_cast %add3A_546 : vector<16xf32> to vector<16xf32>
      tpu.vector_store %swap3A_549[%swap3A_550], %swap3A_553 {strides = array<i32>} : memref<16384xf32, #tpu.memory_space<vmem>>, vector<16xf32>,
    }
    %scan3A_139 = arith.constant 64 : i32
    %add3A_140 = arith.constant 16384 : i32
    %add3A_141 = arith.addi %mul3A_2, %add3A_140 : i32
    %dma_start3A_142 = arith.constant 1 : i32
    %dma_start3A_143 = arith.constant 0 : i32
    %dma_start3A_144 = tpu.memref_slice %arg7[%dma_start3A_142, %dma_start3A_143] : memref<2x16384xf32, #tpu.memory_space<vmem>> -> memref<1x16384xf32, #tpu.memory_space<vmem>>
    %dma_start3A_145 = tpu.memref_squeeze %dma_start3A_144 : memref<1x16384xf32, #tpu.memory_space<vmem>> -> memref<16384xf32, #tpu.memory_space<vmem>>
    %dma_start3A_146 = tpu.memref_slice %arg4[%add3A_141] : memref<33554432xf32, #tpu.memory_space<hbm>> -> memref<16384xf32, #tpu.memory_space<hbm>>
    %dma_start3A_147 = tpu.memref_slice %arg4[%add3A_141] : memref<33554432xf32, #tpu.memory_space<hbm>> -> memref<16384xf32, #tpu.memory_space<hbm>>
    %dma_start3A_148 = arith.constant 0 : i32
    %dma_start3A_149 = tpu.memref_slice %arg7[%dma_start3A_142, %dma_start3A_148] : memref<2x16384xf32, #tpu.memory_space<vmem>> -> memref<1x16384xf32, #tpu.memory_space<vmem>>
    %dma_start3A_150 = tpu.memref_squeeze %dma_start3A_149 : memref<1x16384xf32, #tpu.memory_space<vmem>> -> memref<16384xf32, #tpu.memory_space<vmem>>
    tpu.enqueue_dma source(%dma_start3A_150 : memref<16384xf32, #tpu.memory_space<vmem>>) target(%dma_start3A_147 : memref<16384xf32, #tpu.memory_space<hbm>>) target_semaphore(%arg13 : memref<!tpu.dma_semaphore, #tpu.memory_space<semaphore_mem>>)
    %add3A_151 = arith.constant 49152 : i32
    %add3A_152 = arith.addi %mul3A_2, %add3A_151 : i32
    %dma_start3A_153 = arith.constant 1 : i32
    %dma_start3A_154 = arith.constant 0 : i32
    %dma_start3A_155 = tpu.memref_slice %arg5[%dma_start3A_153, %dma_start3A_154] : memref<2x16384xf32, #tpu.memory_space<vmem>> -> memref<1x16384xf32, #tpu.memory_space<vmem>>
    %dma_start3A_156 = tpu.memref_squeeze %dma_start3A_155 : memref<1x16384xf32, #tpu.memory_space<vmem>> -> memref<16384xf32, #tpu.memory_space<vmem>>
    %dma_start3A_157 = tpu.memref_slice %arg2[%add3A_152] : memref<33554432xf32, #tpu.memory_space<hbm>> -> memref<16384xf32, #tpu.memory_space<hbm>>
    %dma_start3A_158 = arith.constant 0 : i32
    %dma_start3A_159 = tpu.memref_slice %arg5[%dma_start3A_153, %dma_start3A_158] : memref<2x16384xf32, #tpu.memory_space<vmem>> -> memref<1x16384xf32, #tpu.memory_space<vmem>>
    %dma_start3A_160 = tpu.memref_squeeze %dma_start3A_159 : memref<1x16384xf32, #tpu.memory_space<vmem>> -> memref<16384xf32, #tpu.memory_space<vmem>>
    %dma_start3A_161 = tpu.memref_slice %arg2[%add3A_152] : memref<33554432xf32, #tpu.memory_space<hbm>> -> memref<16384xf32, #tpu.memory_space<hbm>>
    tpu.enqueue_dma source(%dma_start3A_161 : memref<16384xf32, #tpu.memory_space<hbm>>) target(%dma_start3A_160 : memref<16384xf32, #tpu.memory_space<vmem>>) target_semaphore(%arg9 : memref<!tpu.dma_semaphore, #tpu.memory_space<semaphore_mem>>)
    %add3A_162 = arith.constant 49152 : i32
    %add3A_163 = arith.addi %rem3A_3, %add3A_162 : i32
    %dma_start3A_164 = arith.constant 1 : i32
    %dma_start3A_165 = arith.constant 0 : i32
    %dma_start3A_166 = tpu.memref_slice %arg6[%dma_start3A_164, %dma_start3A_165] : memref<2x16384xf32, #tpu.memory_space<vmem>> -> memref<1x16384xf32, #tpu.memory_space<vmem>>
    %dma_start3A_167 = tpu.memref_squeeze %dma_start3A_166 : memref<1x16384xf32, #tpu.memory_space<vmem>> -> memref<16384xf32, #tpu.memory_space<vmem>>
    %dma_start3A_168 = tpu.memref_slice %arg3[%add3A_163] : memref<8388608xf32, #tpu.memory_space<hbm>> -> memref<16384xf32, #tpu.memory_space<hbm>>
    %dma_start3A_169 = arith.constant 0 : i32
    %dma_start3A_170 = tpu.memref_slice %arg6[%dma_start3A_164, %dma_start3A_169] : memref<2x16384xf32, #tpu.memory_space<vmem>> -> memref<1x16384xf32, #tpu.memory_space<vmem>>
    %dma_start3A_171 = tpu.memref_squeeze %dma_start3A_170 : memref<1x16384xf32, #tpu.memory_space<vmem>> -> memref<16384xf32, #tpu.memory_space<vmem>>
    %dma_start3A_172 = tpu.memref_slice %arg3[%add3A_163] : memref<8388608xf32, #tpu.memory_space<hbm>> -> memref<16384xf32, #tpu.memory_space<hbm>>
    tpu.enqueue_dma source(%dma_start3A_172 : memref<16384xf32, #tpu.memory_space<hbm>>) target(%dma_start3A_171 : memref<16384xf32, #tpu.memory_space<vmem>>) target_semaphore(%arg11 : memref<!tpu.dma_semaphore, #tpu.memory_space<semaphore_mem>>)
    %scan3A_173 = arith.constant 0 : i32
    %scan3A_174 = arith.constant 1 : i32
    %scan3A_175 = arith.constant 31 : i32
    %scan3A_176 = arith.addi %scan3A_174, %scan3A_175 : i32
    %scan3A_177 = arith.constant 1 : i32
    scf.for %scan3A_201 = %scan3A_174 to %scan3A_176 step %scan3A_177  : i32 {
      %mul3A_202 = arith.constant 2 : i32
      %mul3A_203 = arith.muli %scan3A_201, %mul3A_202 : i32
      %add3A_204 = arith.constant 0 : i32
      %add3A_205 = arith.addi %mul3A_203, %add3A_204 : i32
      %dma_wait3A_206 = arith.constant 0 : i32
      %dma_wait3A_207 = arith.constant 0 : i32
      %dma_wait3A_208 = tpu.memref_slice %arg5[%dma_wait3A_206, %dma_wait3A_207] : memref<2x16384xf32, #tpu.memory_space<vmem>> -> memref<1x16384xf32, #tpu.memory_space<vmem>>
      %dma_wait3A_209 = tpu.memref_squeeze %dma_wait3A_208 : memref<1x16384xf32, #tpu.memory_space<vmem>> -> memref<16384xf32, #tpu.memory_space<vmem>>
      %dma_wait3A_210 = arith.constant 0 : i32
      %dma_wait3A_211 = tpu.memref_slice %arg2[%dma_wait3A_210] : memref<33554432xf32, #tpu.memory_space<hbm>> -> memref<16384xf32, #tpu.memory_space<hbm>>
      %dma_wait3A_212 = arith.constant 0 : i32
      %dma_wait3A_213 = tpu.memref_slice %arg5[%dma_wait3A_206, %dma_wait3A_212] : memref<2x16384xf32, #tpu.memory_space<vmem>> -> memref<1x16384xf32, #tpu.memory_space<vmem>>
      %dma_wait3A_214 = tpu.memref_squeeze %dma_wait3A_213 : memref<1x16384xf32, #tpu.memory_space<vmem>> -> memref<16384xf32, #tpu.memory_space<vmem>>
      %dma_wait3A_215 = arith.constant 0 : i32
      %dma_wait3A_216 = tpu.memref_slice %arg2[%dma_wait3A_215] : memref<33554432xf32, #tpu.memory_space<hbm>> -> memref<16384xf32, #tpu.memory_space<hbm>>
      tpu.wait_dma2 semaphore(%arg8 : memref<!tpu.dma_semaphore, #tpu.memory_space<semaphore_mem>>) src(%dma_wait3A_216 : memref<16384xf32, #tpu.memory_space<hbm>>) dst(%dma_wait3A_214 : memref<16384xf32, #tpu.memory_space<vmem>>)
      %dma_wait3A_217 = arith.constant 0 : i32
      %dma_wait3A_218 = arith.constant 0 : i32
      %dma_wait3A_219 = tpu.memref_slice %arg6[%dma_wait3A_217, %dma_wait3A_218] : memref<2x16384xf32, #tpu.memory_space<vmem>> -> memref<1x16384xf32, #tpu.memory_space<vmem>>
      %dma_wait3A_220 = tpu.memref_squeeze %dma_wait3A_219 : memref<1x16384xf32, #tpu.memory_space<vmem>> -> memref<16384xf32, #tpu.memory_space<vmem>>
      %dma_wait3A_221 = arith.constant 0 : i32
      %dma_wait3A_222 = tpu.memref_slice %arg3[%dma_wait3A_221] : memref<8388608xf32, #tpu.memory_space<hbm>> -> memref<16384xf32, #tpu.memory_space<hbm>>
      %dma_wait3A_223 = arith.constant 0 : i32
      %dma_wait3A_224 = tpu.memref_slice %arg6[%dma_wait3A_217, %dma_wait3A_223] : memref<2x16384xf32, #tpu.memory_space<vmem>> -> memref<1x16384xf32, #tpu.memory_space<vmem>>
      %dma_wait3A_225 = tpu.memref_squeeze %dma_wait3A_224 : memref<1x16384xf32, #tpu.memory_space<vmem>> -> memref<16384xf32, #tpu.memory_space<vmem>>
      %dma_wait3A_226 = arith.constant 0 : i32
      %dma_wait3A_227 = tpu.memref_slice %arg3[%dma_wait3A_226] : memref<8388608xf32, #tpu.memory_space<hbm>> -> memref<16384xf32, #tpu.memory_space<hbm>>
      tpu.wait_dma2 semaphore(%arg10 : memref<!tpu.dma_semaphore, #tpu.memory_space<semaphore_mem>>) src(%dma_wait3A_227 : memref<16384xf32, #tpu.memory_space<hbm>>) dst(%dma_wait3A_225 : memref<16384xf32, #tpu.memory_space<vmem>>)
      %dma_wait3A_228 = arith.constant 0 : i32
      %dma_wait3A_229 = arith.constant 0 : i32
      %dma_wait3A_230 = tpu.memref_slice %arg7[%dma_wait3A_228, %dma_wait3A_229] : memref<2x16384xf32, #tpu.memory_space<vmem>> -> memref<1x16384xf32, #tpu.memory_space<vmem>>
      %dma_wait3A_231 = tpu.memref_squeeze %dma_wait3A_230 : memref<1x16384xf32, #tpu.memory_space<vmem>> -> memref<16384xf32, #tpu.memory_space<vmem>>
      %dma_wait3A_232 = arith.constant 0 : i32
      %dma_wait3A_233 = tpu.memref_slice %arg4[%dma_wait3A_232] : memref<33554432xf32, #tpu.memory_space<hbm>> -> memref<16384xf32, #tpu.memory_space<hbm>>
      %dma_wait3A_234 = arith.constant 0 : i32
      %dma_wait3A_235 = tpu.memref_slice %arg4[%dma_wait3A_234] : memref<33554432xf32, #tpu.memory_space<hbm>> -> memref<16384xf32, #tpu.memory_space<hbm>>
      %dma_wait3A_236 = arith.constant 0 : i32
      %dma_wait3A_237 = tpu.memref_slice %arg7[%dma_wait3A_228, %dma_wait3A_236] : memref<2x16384xf32, #tpu.memory_space<vmem>> -> memref<1x16384xf32, #tpu.memory_space<vmem>>
      %dma_wait3A_238 = tpu.memref_squeeze %dma_wait3A_237 : memref<1x16384xf32, #tpu.memory_space<vmem>> -> memref<16384xf32, #tpu.memory_space<vmem>>
      tpu.wait_dma2 semaphore(%arg12 : memref<!tpu.dma_semaphore, #tpu.memory_space<semaphore_mem>>) src(%dma_wait3A_238 : memref<16384xf32, #tpu.memory_space<vmem>>) dst(%dma_wait3A_235 : memref<16384xf32, #tpu.memory_space<hbm>>)
      %scan3A_239 = arith.constant 0 : i32
      %scan3A_240 = arith.constant 0 : i32
      %scan3A_241 = arith.constant 0 : i32
      %scan3A_242 = arith.constant 0 : i32
      %scan3A_243 = arith.constant 0 : i32
      %scan3A_244 = arith.constant 64 : i32
      %scan3A_245 = arith.addi %scan3A_243, %scan3A_244 : i32
      %scan3A_246 = arith.constant 1 : i32
      scf.for %scan3A_329 = %scan3A_243 to %scan3A_245 step %scan3A_246  : i32 {
        %mul3A_330 = arith.constant 256 : i32
        %mul3A_331 = arith.muli %scan3A_329, %mul3A_330 : i32
        %add3A_332 = arith.constant 0 : i32
        %add3A_333 = arith.addi %mul3A_331, %add3A_332 : i32
        %get3A = arith.constant 0 : i32
        %get3A_334 = tpu.memref_slice %arg5[%scan3A_240, %get3A] : memref<2x16384xf32, #tpu.memory_space<vmem>> -> memref<1x16384xf32, #tpu.memory_space<vmem>>
        %get3A_335 = tpu.memref_squeeze %get3A_334 : memref<1x16384xf32, #tpu.memory_space<vmem>> -> memref<16384xf32, #tpu.memory_space<vmem>>
        %get3A_336 = arith.index_cast %add3A_333 : i32 to index
        %get3A_337 = tpu.vector_load %get3A_335[%get3A_336] {strides = array<i32>} : memref<16384xf32, #tpu.memory_space<vmem>>, vector<16xf32>,
        %get3A_338 = vector.shape_cast %get3A_337 : vector<16xf32> to vector<16xf32>
        %get3A_339 = arith.constant 0 : i32
        %get3A_340 = tpu.memref_slice %arg6[%scan3A_241, %get3A_339] : memref<2x16384xf32, #tpu.memory_space<vmem>> -> memref<1x16384xf32, #tpu.memory_space<vmem>>
        %get3A_341 = tpu.memref_squeeze %get3A_340 : memref<1x16384xf32, #tpu.memory_space<vmem>> -> memref<16384xf32, #tpu.memory_space<vmem>>
        %get3A_342 = arith.index_cast %add3A_333 : i32 to index
        %get3A_343 = tpu.vector_load %get3A_341[%get3A_342] {strides = array<i32>} : memref<16384xf32, #tpu.memory_space<vmem>>, vector<16xf32>,
        %get3A_344 = vector.shape_cast %get3A_343 : vector<16xf32> to vector<16xf32>
        %add3A_345 = arith.addf %get3A_338, %get3A_344 : vector<16xf32>
        %swap3A = arith.constant 0 : i32
        %swap3A_346 = tpu.memref_slice %arg7[%scan3A_242, %swap3A] : memref<2x16384xf32, #tpu.memory_space<vmem>> -> memref<1x16384xf32, #tpu.memory_space<vmem>>
        %swap3A_347 = tpu.memref_squeeze %swap3A_346 : memref<1x16384xf32, #tpu.memory_space<vmem>> -> memref<16384xf32, #tpu.memory_space<vmem>>
        %swap3A_348 = arith.index_cast %add3A_333 : i32 to index
        %swap3A_349 = tpu.vector_load %swap3A_347[%swap3A_348] {strides = array<i32>} : memref<16384xf32, #tpu.memory_space<vmem>>, vector<16xf32>,
        %swap3A_350 = vector.shape_cast %swap3A_349 : vector<16xf32> to vector<16xf32>
        %swap3A_351 = vector.shape_cast %add3A_345 : vector<16xf32> to vector<16xf32>
        tpu.vector_store %swap3A_347[%swap3A_348], %swap3A_351 {strides = array<i32>} : memref<16384xf32, #tpu.memory_space<vmem>>, vector<16xf32>,
        %add3A_352 = arith.constant 16 : i32
        %add3A_353 = arith.addi %mul3A_331, %add3A_352 : i32
        %get3A_354 = arith.constant 0 : i32
        %get3A_355 = tpu.memref_slice %arg5[%scan3A_240, %get3A_354] : memref<2x16384xf32, #tpu.memory_space<vmem>> -> memref<1x16384xf32, #tpu.memory_space<vmem>>
        %get3A_356 = tpu.memref_squeeze %get3A_355 : memref<1x16384xf32, #tpu.memory_space<vmem>> -> memref<16384xf32, #tpu.memory_space<vmem>>
        %get3A_357 = arith.index_cast %add3A_353 : i32 to index
        %get3A_358 = tpu.vector_load %get3A_356[%get3A_357] {strides = array<i32>} : memref<16384xf32, #tpu.memory_space<vmem>>, vector<16xf32>,
        %get3A_359 = vector.shape_cast %get3A_358 : vector<16xf32> to vector<16xf32>
        %get3A_360 = arith.constant 0 : i32
        %get3A_361 = tpu.memref_slice %arg6[%scan3A_241, %get3A_360] : memref<2x16384xf32, #tpu.memory_space<vmem>> -> memref<1x16384xf32, #tpu.memory_space<vmem>>
        %get3A_362 = tpu.memref_squeeze %get3A_361 : memref<1x16384xf32, #tpu.memory_space<vmem>> -> memref<16384xf32, #tpu.memory_space<vmem>>
        %get3A_363 = arith.index_cast %add3A_353 : i32 to index
        %get3A_364 = tpu.vector_load %get3A_362[%get3A_363] {strides = array<i32>} : memref<16384xf32, #tpu.memory_space<vmem>>, vector<16xf32>,
        %get3A_365 = vector.shape_cast %get3A_364 : vector<16xf32> to vector<16xf32>
        %add3A_366 = arith.addf %get3A_359, %get3A_365 : vector<16xf32>
        %swap3A_367 = arith.constant 0 : i32
        %swap3A_368 = tpu.memref_slice %arg7[%scan3A_242, %swap3A_367] : memref<2x16384xf32, #tpu.memory_space<vmem>> -> memref<1x16384xf32, #tpu.memory_space<vmem>>
        %swap3A_369 = tpu.memref_squeeze %swap3A_368 : memref<1x16384xf32, #tpu.memory_space<vmem>> -> memref<16384xf32, #tpu.memory_space<vmem>>
        %swap3A_370 = arith.index_cast %add3A_353 : i32 to index
        %swap3A_371 = tpu.vector_load %swap3A_369[%swap3A_370] {strides = array<i32>} : memref<16384xf32, #tpu.memory_space<vmem>>, vector<16xf32>,
        %swap3A_372 = vector.shape_cast %swap3A_371 : vector<16xf32> to vector<16xf32>
        %swap3A_373 = vector.shape_cast %add3A_366 : vector<16xf32> to vector<16xf32>
        tpu.vector_store %swap3A_369[%swap3A_370], %swap3A_373 {strides = array<i32>} : memref<16384xf32, #tpu.memory_space<vmem>>, vector<16xf32>,
        %add3A_374 = arith.constant 32 : i32
        %add3A_375 = arith.addi %mul3A_331, %add3A_374 : i32
        %get3A_376 = arith.constant 0 : i32
        %get3A_377 = tpu.memref_slice %arg5[%scan3A_240, %get3A_376] : memref<2x16384xf32, #tpu.memory_space<vmem>> -> memref<1x16384xf32, #tpu.memory_space<vmem>>
        %get3A_378 = tpu.memref_squeeze %get3A_377 : memref<1x16384xf32, #tpu.memory_space<vmem>> -> memref<16384xf32, #tpu.memory_space<vmem>>
        %get3A_379 = arith.index_cast %add3A_375 : i32 to index
        %get3A_380 = tpu.vector_load %get3A_378[%get3A_379] {strides = array<i32>} : memref<16384xf32, #tpu.memory_space<vmem>>, vector<16xf32>,
        %get3A_381 = vector.shape_cast %get3A_380 : vector<16xf32> to vector<16xf32>
        %get3A_382 = arith.constant 0 : i32
        %get3A_383 = tpu.memref_slice %arg6[%scan3A_241, %get3A_382] : memref<2x16384xf32, #tpu.memory_space<vmem>> -> memref<1x16384xf32, #tpu.memory_space<vmem>>
        %get3A_384 = tpu.memref_squeeze %get3A_383 : memref<1x16384xf32, #tpu.memory_space<vmem>> -> memref<16384xf32, #tpu.memory_space<vmem>>
        %get3A_385 = arith.index_cast %add3A_375 : i32 to index
        %get3A_386 = tpu.vector_load %get3A_384[%get3A_385] {strides = array<i32>} : memref<16384xf32, #tpu.memory_space<vmem>>, vector<16xf32>,
        %get3A_387 = vector.shape_cast %get3A_386 : vector<16xf32> to vector<16xf32>
        %add3A_388 = arith.addf %get3A_381, %get3A_387 : vector<16xf32>
        %swap3A_389 = arith.constant 0 : i32
        %swap3A_390 = tpu.memref_slice %arg7[%scan3A_242, %swap3A_389] : memref<2x16384xf32, #tpu.memory_space<vmem>> -> memref<1x16384xf32, #tpu.memory_space<vmem>>
        %swap3A_391 = tpu.memref_squeeze %swap3A_390 : memref<1x16384xf32, #tpu.memory_space<vmem>> -> memref<16384xf32, #tpu.memory_space<vmem>>
        %swap3A_392 = arith.index_cast %add3A_375 : i32 to index
        %swap3A_393 = tpu.vector_load %swap3A_391[%swap3A_392] {strides = array<i32>} : memref<16384xf32, #tpu.memory_space<vmem>>, vector<16xf32>,
        %swap3A_394 = vector.shape_cast %swap3A_393 : vector<16xf32> to vector<16xf32>
        %swap3A_395 = vector.shape_cast %add3A_388 : vector<16xf32> to vector<16xf32>
        tpu.vector_store %swap3A_391[%swap3A_392], %swap3A_395 {strides = array<i32>} : memref<16384xf32, #tpu.memory_space<vmem>>, vector<16xf32>,
        %add3A_396 = arith.constant 48 : i32
        %add3A_397 = arith.addi %mul3A_331, %add3A_396 : i32
        %get3A_398 = arith.constant 0 : i32
        %get3A_399 = tpu.memref_slice %arg5[%scan3A_240, %get3A_398] : memref<2x16384xf32, #tpu.memory_space<vmem>> -> memref<1x16384xf32, #tpu.memory_space<vmem>>
        %get3A_400 = tpu.memref_squeeze %get3A_399 : memref<1x16384xf32, #tpu.memory_space<vmem>> -> memref<16384xf32, #tpu.memory_space<vmem>>
        %get3A_401 = arith.index_cast %add3A_397 : i32 to index
        %get3A_402 = tpu.vector_load %get3A_400[%get3A_401] {strides = array<i32>} : memref<16384xf32, #tpu.memory_space<vmem>>, vector<16xf32>,
        %get3A_403 = vector.shape_cast %get3A_402 : vector<16xf32> to vector<16xf32>
        %get3A_404 = arith.constant 0 : i32
        %get3A_405 = tpu.memref_slice %arg6[%scan3A_241, %get3A_404] : memref<2x16384xf32, #tpu.memory_space<vmem>> -> memref<1x16384xf32, #tpu.memory_space<vmem>>
        %get3A_406 = tpu.memref_squeeze %get3A_405 : memref<1x16384xf32, #tpu.memory_space<vmem>> -> memref<16384xf32, #tpu.memory_space<vmem>>
        %get3A_407 = arith.index_cast %add3A_397 : i32 to index
        %get3A_408 = tpu.vector_load %get3A_406[%get3A_407] {strides = array<i32>} : memref<16384xf32, #tpu.memory_space<vmem>>, vector<16xf32>,
        %get3A_409 = vector.shape_cast %get3A_408 : vector<16xf32> to vector<16xf32>
        %add3A_410 = arith.addf %get3A_403, %get3A_409 : vector<16xf32>
        %swap3A_411 = arith.constant 0 : i32
        %swap3A_412 = tpu.memref_slice %arg7[%scan3A_242, %swap3A_411] : memref<2x16384xf32, #tpu.memory_space<vmem>> -> memref<1x16384xf32, #tpu.memory_space<vmem>>
        %swap3A_413 = tpu.memref_squeeze %swap3A_412 : memref<1x16384xf32, #tpu.memory_space<vmem>> -> memref<16384xf32, #tpu.memory_space<vmem>>
        %swap3A_414 = arith.index_cast %add3A_397 : i32 to index
        %swap3A_415 = tpu.vector_load %swap3A_413[%swap3A_414] {strides = array<i32>} : memref<16384xf32, #tpu.memory_space<vmem>>, vector<16xf32>,
        %swap3A_416 = vector.shape_cast %swap3A_415 : vector<16xf32> to vector<16xf32>
        %swap3A_417 = vector.shape_cast %add3A_410 : vector<16xf32> to vector<16xf32>
        tpu.vector_store %swap3A_413[%swap3A_414], %swap3A_417 {strides = array<i32>} : memref<16384xf32, #tpu.memory_space<vmem>>, vector<16xf32>,
        %add3A_418 = arith.constant 64 : i32
        %add3A_419 = arith.addi %mul3A_331, %add3A_418 : i32
        %get3A_420 = arith.constant 0 : i32
        %get3A_421 = tpu.memref_slice %arg5[%scan3A_240, %get3A_420] : memref<2x16384xf32, #tpu.memory_space<vmem>> -> memref<1x16384xf32, #tpu.memory_space<vmem>>
        %get3A_422 = tpu.memref_squeeze %get3A_421 : memref<1x16384xf32, #tpu.memory_space<vmem>> -> memref<16384xf32, #tpu.memory_space<vmem>>
        %get3A_423 = arith.index_cast %add3A_419 : i32 to index
        %get3A_424 = tpu.vector_load %get3A_422[%get3A_423] {strides = array<i32>} : memref<16384xf32, #tpu.memory_space<vmem>>, vector<16xf32>,
        %get3A_425 = vector.shape_cast %get3A_424 : vector<16xf32> to vector<16xf32>
        %get3A_426 = arith.constant 0 : i32
        %get3A_427 = tpu.memref_slice %arg6[%scan3A_241, %get3A_426] : memref<2x16384xf32, #tpu.memory_space<vmem>> -> memref<1x16384xf32, #tpu.memory_space<vmem>>
        %get3A_428 = tpu.memref_squeeze %get3A_427 : memref<1x16384xf32, #tpu.memory_space<vmem>> -> memref<16384xf32, #tpu.memory_space<vmem>>
        %get3A_429 = arith.index_cast %add3A_419 : i32 to index
        %get3A_430 = tpu.vector_load %get3A_428[%get3A_429] {strides = array<i32>} : memref<16384xf32, #tpu.memory_space<vmem>>, vector<16xf32>,
        %get3A_431 = vector.shape_cast %get3A_430 : vector<16xf32> to vector<16xf32>
        %add3A_432 = arith.addf %get3A_425, %get3A_431 : vector<16xf32>
        %swap3A_433 = arith.constant 0 : i32
        %swap3A_434 = tpu.memref_slice %arg7[%scan3A_242, %swap3A_433] : memref<2x16384xf32, #tpu.memory_space<vmem>> -> memref<1x16384xf32, #tpu.memory_space<vmem>>
        %swap3A_435 = tpu.memref_squeeze %swap3A_434 : memref<1x16384xf32, #tpu.memory_space<vmem>> -> memref<16384xf32, #tpu.memory_space<vmem>>
        %swap3A_436 = arith.index_cast %add3A_419 : i32 to index
        %swap3A_437 = tpu.vector_load %swap3A_435[%swap3A_436] {strides = array<i32>} : memref<16384xf32, #tpu.memory_space<vmem>>, vector<16xf32>,
        %swap3A_438 = vector.shape_cast %swap3A_437 : vector<16xf32> to vector<16xf32>
        %swap3A_439 = vector.shape_cast %add3A_432 : vector<16xf32> to vector<16xf32>
        tpu.vector_store %swap3A_435[%swap3A_436], %swap3A_439 {strides = array<i32>} : memref<16384xf32, #tpu.memory_space<vmem>>, vector<16xf32>,
        %add3A_440 = arith.constant 80 : i32
        %add3A_441 = arith.addi %mul3A_331, %add3A_440 : i32
        %get3A_442 = arith.constant 0 : i32
        %get3A_443 = tpu.memref_slice %arg5[%scan3A_240, %get3A_442] : memref<2x16384xf32, #tpu.memory_space<vmem>> -> memref<1x16384xf32, #tpu.memory_space<vmem>>
        %get3A_444 = tpu.memref_squeeze %get3A_443 : memref<1x16384xf32, #tpu.memory_space<vmem>> -> memref<16384xf32, #tpu.memory_space<vmem>>
        %get3A_445 = arith.index_cast %add3A_441 : i32 to index
        %get3A_446 = tpu.vector_load %get3A_444[%get3A_445] {strides = array<i32>} : memref<16384xf32, #tpu.memory_space<vmem>>, vector<16xf32>,
        %get3A_447 = vector.shape_cast %get3A_446 : vector<16xf32> to vector<16xf32>
        %get3A_448 = arith.constant 0 : i32
        %get3A_449 = tpu.memref_slice %arg6[%scan3A_241, %get3A_448] : memref<2x16384xf32, #tpu.memory_space<vmem>> -> memref<1x16384xf32, #tpu.memory_space<vmem>>
        %get3A_450 = tpu.memref_squeeze %get3A_449 : memref<1x16384xf32, #tpu.memory_space<vmem>> -> memref<16384xf32, #tpu.memory_space<vmem>>
        %get3A_451 = arith.index_cast %add3A_441 : i32 to index
        %get3A_452 = tpu.vector_load %get3A_450[%get3A_451] {strides = array<i32>} : memref<16384xf32, #tpu.memory_space<vmem>>, vector<16xf32>,
        %get3A_453 = vector.shape_cast %get3A_452 : vector<16xf32> to vector<16xf32>
        %add3A_454 = arith.addf %get3A_447, %get3A_453 : vector<16xf32>
        %swap3A_455 = arith.constant 0 : i32
        %swap3A_456 = tpu.memref_slice %arg7[%scan3A_242, %swap3A_455] : memref<2x16384xf32, #tpu.memory_space<vmem>> -> memref<1x16384xf32, #tpu.memory_space<vmem>>
        %swap3A_457 = tpu.memref_squeeze %swap3A_456 : memref<1x16384xf32, #tpu.memory_space<vmem>> -> memref<16384xf32, #tpu.memory_space<vmem>>
        %swap3A_458 = arith.index_cast %add3A_441 : i32 to index
        %swap3A_459 = tpu.vector_load %swap3A_457[%swap3A_458] {strides = array<i32>} : memref<16384xf32, #tpu.memory_space<vmem>>, vector<16xf32>,
        %swap3A_460 = vector.shape_cast %swap3A_459 : vector<16xf32> to vector<16xf32>
        %swap3A_461 = vector.shape_cast %add3A_454 : vector<16xf32> to vector<16xf32>
        tpu.vector_store %swap3A_457[%swap3A_458], %swap3A_461 {strides = array<i32>} : memref<16384xf32, #tpu.memory_space<vmem>>, vector<16xf32>,
        %add3A_462 = arith.constant 96 : i32
        %add3A_463 = arith.addi %mul3A_331, %add3A_462 : i32
        %get3A_464 = arith.constant 0 : i32
        %get3A_465 = tpu.memref_slice %arg5[%scan3A_240, %get3A_464] : memref<2x16384xf32, #tpu.memory_space<vmem>> -> memref<1x16384xf32, #tpu.memory_space<vmem>>
        %get3A_466 = tpu.memref_squeeze %get3A_465 : memref<1x16384xf32, #tpu.memory_space<vmem>> -> memref<16384xf32, #tpu.memory_space<vmem>>
        %get3A_467 = arith.index_cast %add3A_463 : i32 to index
        %get3A_468 = tpu.vector_load %get3A_466[%get3A_467] {strides = array<i32>} : memref<16384xf32, #tpu.memory_space<vmem>>, vector<16xf32>,
        %get3A_469 = vector.shape_cast %get3A_468 : vector<16xf32> to vector<16xf32>
        %get3A_470 = arith.constant 0 : i32
        %get3A_471 = tpu.memref_slice %arg6[%scan3A_241, %get3A_470] : memref<2x16384xf32, #tpu.memory_space<vmem>> -> memref<1x16384xf32, #tpu.memory_space<vmem>>
        %get3A_472 = tpu.memref_squeeze %get3A_471 : memref<1x16384xf32, #tpu.memory_space<vmem>> -> memref<16384xf32, #tpu.memory_space<vmem>>
        %get3A_473 = arith.index_cast %add3A_463 : i32 to index
        %get3A_474 = tpu.vector_load %get3A_472[%get3A_473] {strides = array<i32>} : memref<16384xf32, #tpu.memory_space<vmem>>, vector<16xf32>,
        %get3A_475 = vector.shape_cast %get3A_474 : vector<16xf32> to vector<16xf32>
        %add3A_476 = arith.addf %get3A_469, %get3A_475 : vector<16xf32>
        %swap3A_477 = arith.constant 0 : i32
        %swap3A_478 = tpu.memref_slice %arg7[%scan3A_242, %swap3A_477] : memref<2x16384xf32, #tpu.memory_space<vmem>> -> memref<1x16384xf32, #tpu.memory_space<vmem>>
        %swap3A_479 = tpu.memref_squeeze %swap3A_478 : memref<1x16384xf32, #tpu.memory_space<vmem>> -> memref<16384xf32, #tpu.memory_space<vmem>>
        %swap3A_480 = arith.index_cast %add3A_463 : i32 to index
        %swap3A_481 = tpu.vector_load %swap3A_479[%swap3A_480] {strides = array<i32>} : memref<16384xf32, #tpu.memory_space<vmem>>, vector<16xf32>,
        %swap3A_482 = vector.shape_cast %swap3A_481 : vector<16xf32> to vector<16xf32>
        %swap3A_483 = vector.shape_cast %add3A_476 : vector<16xf32> to vector<16xf32>
        tpu.vector_store %swap3A_479[%swap3A_480], %swap3A_483 {strides = array<i32>} : memref<16384xf32, #tpu.memory_space<vmem>>, vector<16xf32>,
        %add3A_484 = arith.constant 112 : i32
        %add3A_485 = arith.addi %mul3A_331, %add3A_484 : i32
        %get3A_486 = arith.constant 0 : i32
        %get3A_487 = tpu.memref_slice %arg5[%scan3A_240, %get3A_486] : memref<2x16384xf32, #tpu.memory_space<vmem>> -> memref<1x16384xf32, #tpu.memory_space<vmem>>
        %get3A_488 = tpu.memref_squeeze %get3A_487 : memref<1x16384xf32, #tpu.memory_space<vmem>> -> memref<16384xf32, #tpu.memory_space<vmem>>
        %get3A_489 = arith.index_cast %add3A_485 : i32 to index
        %get3A_490 = tpu.vector_load %get3A_488[%get3A_489] {strides = array<i32>} : memref<16384xf32, #tpu.memory_space<vmem>>, vector<16xf32>,
        %get3A_491 = vector.shape_cast %get3A_490 : vector<16xf32> to vector<16xf32>
        %get3A_492 = arith.constant 0 : i32
        %get3A_493 = tpu.memref_slice %arg6[%scan3A_241, %get3A_492] : memref<2x16384xf32, #tpu.memory_space<vmem>> -> memref<1x16384xf32, #tpu.memory_space<vmem>>
        %get3A_494 = tpu.memref_squeeze %get3A_493 : memref<1x16384xf32, #tpu.memory_space<vmem>> -> memref<16384xf32, #tpu.memory_space<vmem>>
        %get3A_495 = arith.index_cast %add3A_485 : i32 to index
        %get3A_496 = tpu.vector_load %get3A_494[%get3A_495] {strides = array<i32>} : memref<16384xf32, #tpu.memory_space<vmem>>, vector<16xf32>,
        %get3A_497 = vector.shape_cast %get3A_496 : vector<16xf32> to vector<16xf32>
        %add3A_498 = arith.addf %get3A_491, %get3A_497 : vector<16xf32>
        %swap3A_499 = arith.constant 0 : i32
        %swap3A_500 = tpu.memref_slice %arg7[%scan3A_242, %swap3A_499] : memref<2x16384xf32, #tpu.memory_space<vmem>> -> memref<1x16384xf32, #tpu.memory_space<vmem>>
        %swap3A_501 = tpu.memref_squeeze %swap3A_500 : memref<1x16384xf32, #tpu.memory_space<vmem>> -> memref<16384xf32, #tpu.memory_space<vmem>>
        %swap3A_502 = arith.index_cast %add3A_485 : i32 to index
        %swap3A_503 = tpu.vector_load %swap3A_501[%swap3A_502] {strides = array<i32>} : memref<16384xf32, #tpu.memory_space<vmem>>, vector<16xf32>,
        %swap3A_504 = vector.shape_cast %swap3A_503 : vector<16xf32> to vector<16xf32>
        %swap3A_505 = vector.shape_cast %add3A_498 : vector<16xf32> to vector<16xf32>
        tpu.vector_store %swap3A_501[%swap3A_502], %swap3A_505 {strides = array<i32>} : memref<16384xf32, #tpu.memory_space<vmem>>, vector<16xf32>,
        %add3A_506 = arith.constant 128 : i32
        %add3A_507 = arith.addi %mul3A_331, %add3A_506 : i32
        %get3A_508 = arith.constant 0 : i32
        %get3A_509 = tpu.memref_slice %arg5[%scan3A_240, %get3A_508] : memref<2x16384xf32, #tpu.memory_space<vmem>> -> memref<1x16384xf32, #tpu.memory_space<vmem>>
        %get3A_510 = tpu.memref_squeeze %get3A_509 : memref<1x16384xf32, #tpu.memory_space<vmem>> -> memref<16384xf32, #tpu.memory_space<vmem>>
        %get3A_511 = arith.index_cast %add3A_507 : i32 to index
        %get3A_512 = tpu.vector_load %get3A_510[%get3A_511] {strides = array<i32>} : memref<16384xf32, #tpu.memory_space<vmem>>, vector<16xf32>,
        %get3A_513 = vector.shape_cast %get3A_512 : vector<16xf32> to vector<16xf32>
        %get3A_514 = arith.constant 0 : i32
        %get3A_515 = tpu.memref_slice %arg6[%scan3A_241, %get3A_514] : memref<2x16384xf32, #tpu.memory_space<vmem>> -> memref<1x16384xf32, #tpu.memory_space<vmem>>
        %get3A_516 = tpu.memref_squeeze %get3A_515 : memref<1x16384xf32, #tpu.memory_space<vmem>> -> memref<16384xf32, #tpu.memory_space<vmem>>
        %get3A_517 = arith.index_cast %add3A_507 : i32 to index
        %get3A_518 = tpu.vector_load %get3A_516[%get3A_517] {strides = array<i32>} : memref<16384xf32, #tpu.memory_space<vmem>>, vector<16xf32>,
        %get3A_519 = vector.shape_cast %get3A_518 : vector<16xf32> to vector<16xf32>
        %add3A_520 = arith.addf %get3A_513, %get3A_519 : vector<16xf32>
        %swap3A_521 = arith.constant 0 : i32
        %swap3A_522 = tpu.memref_slice %arg7[%scan3A_242, %swap3A_521] : memref<2x16384xf32, #tpu.memory_space<vmem>> -> memref<1x16384xf32, #tpu.memory_space<vmem>>
        %swap3A_523 = tpu.memref_squeeze %swap3A_522 : memref<1x16384xf32, #tpu.memory_space<vmem>> -> memref<16384xf32, #tpu.memory_space<vmem>>
        %swap3A_524 = arith.index_cast %add3A_507 : i32 to index
        %swap3A_525 = tpu.vector_load %swap3A_523[%swap3A_524] {strides = array<i32>} : memref<16384xf32, #tpu.memory_space<vmem>>, vector<16xf32>,
        %swap3A_526 = vector.shape_cast %swap3A_525 : vector<16xf32> to vector<16xf32>
        %swap3A_527 = vector.shape_cast %add3A_520 : vector<16xf32> to vector<16xf32>
        tpu.vector_store %swap3A_523[%swap3A_524], %swap3A_527 {strides = array<i32>} : memref<16384xf32, #tpu.memory_space<vmem>>, vector<16xf32>,
        %add3A_528 = arith.constant 144 : i32
        %add3A_529 = arith.addi %mul3A_331, %add3A_528 : i32
        %get3A_530 = arith.constant 0 : i32
        %get3A_531 = tpu.memref_slice %arg5[%scan3A_240, %get3A_530] : memref<2x16384xf32, #tpu.memory_space<vmem>> -> memref<1x16384xf32, #tpu.memory_space<vmem>>
        %get3A_532 = tpu.memref_squeeze %get3A_531 : memref<1x16384xf32, #tpu.memory_space<vmem>> -> memref<16384xf32, #tpu.memory_space<vmem>>
        %get3A_533 = arith.index_cast %add3A_529 : i32 to index
        %get3A_534 = tpu.vector_load %get3A_532[%get3A_533] {strides = array<i32>} : memref<16384xf32, #tpu.memory_space<vmem>>, vector<16xf32>,
        %get3A_535 = vector.shape_cast %get3A_534 : vector<16xf32> to vector<16xf32>
        %get3A_536 = arith.constant 0 : i32
        %get3A_537 = tpu.memref_slice %arg6[%scan3A_241, %get3A_536] : memref<2x16384xf32, #tpu.memory_space<vmem>> -> memref<1x16384xf32, #tpu.memory_space<vmem>>
        %get3A_538 = tpu.memref_squeeze %get3A_537 : memref<1x16384xf32, #tpu.memory_space<vmem>> -> memref<16384xf32, #tpu.memory_space<vmem>>
        %get3A_539 = arith.index_cast %add3A_529 : i32 to index
        %get3A_540 = tpu.vector_load %get3A_538[%get3A_539] {strides = array<i32>} : memref<16384xf32, #tpu.memory_space<vmem>>, vector<16xf32>,
        %get3A_541 = vector.shape_cast %get3A_540 : vector<16xf32> to vector<16xf32>
        %add3A_542 = arith.addf %get3A_535, %get3A_541 : vector<16xf32>
        %swap3A_543 = arith.constant 0 : i32
        %swap3A_544 = tpu.memref_slice %arg7[%scan3A_242, %swap3A_543] : memref<2x16384xf32, #tpu.memory_space<vmem>> -> memref<1x16384xf32, #tpu.memory_space<vmem>>
        %swap3A_545 = tpu.memref_squeeze %swap3A_544 : memref<1x16384xf32, #tpu.memory_space<vmem>> -> memref<16384xf32, #tpu.memory_space<vmem>>
        %swap3A_546 = arith.index_cast %add3A_529 : i32 to index
        %swap3A_547 = tpu.vector_load %swap3A_545[%swap3A_546] {strides = array<i32>} : memref<16384xf32, #tpu.memory_space<vmem>>, vector<16xf32>,
        %swap3A_548 = vector.shape_cast %swap3A_547 : vector<16xf32> to vector<16xf32>
        %swap3A_549 = vector.shape_cast %add3A_542 : vector<16xf32> to vector<16xf32>
        tpu.vector_store %swap3A_545[%swap3A_546], %swap3A_549 {strides = array<i32>} : memref<16384xf32, #tpu.memory_space<vmem>>, vector<16xf32>,
        %add3A_550 = arith.constant 160 : i32
        %add3A_551 = arith.addi %mul3A_331, %add3A_550 : i32
        %get3A_552 = arith.constant 0 : i32
        %get3A_553 = tpu.memref_slice %arg5[%scan3A_240, %get3A_552] : memref<2x16384xf32, #tpu.memory_space<vmem>> -> memref<1x16384xf32, #tpu.memory_space<vmem>>
        %get3A_554 = tpu.memref_squeeze %get3A_553 : memref<1x16384xf32, #tpu.memory_space<vmem>> -> memref<16384xf32, #tpu.memory_space<vmem>>
        %get3A_555 = arith.index_cast %add3A_551 : i32 to index
        %get3A_556 = tpu.vector_load %get3A_554[%get3A_555] {strides = array<i32>} : memref<16384xf32, #tpu.memory_space<vmem>>, vector<16xf32>,
        %get3A_557 = vector.shape_cast %get3A_556 : vector<16xf32> to vector<16xf32>
        %get3A_558 = arith.constant 0 : i32
        %get3A_559 = tpu.memref_slice %arg6[%scan3A_241, %get3A_558] : memref<2x16384xf32, #tpu.memory_space<vmem>> -> memref<1x16384xf32, #tpu.memory_space<vmem>>
        %get3A_560 = tpu.memref_squeeze %get3A_559 : memref<1x16384xf32, #tpu.memory_space<vmem>> -> memref<16384xf32, #tpu.memory_space<vmem>>
        %get3A_561 = arith.index_cast %add3A_551 : i32 to index
        %get3A_562 = tpu.vector_load %get3A_560[%get3A_561] {strides = array<i32>} : memref<16384xf32, #tpu.memory_space<vmem>>, vector<16xf32>,
        %get3A_563 = vector.shape_cast %get3A_562 : vector<16xf32> to vector<16xf32>
        %add3A_564 = arith.addf %get3A_557, %get3A_563 : vector<16xf32>
        %swap3A_565 = arith.constant 0 : i32
        %swap3A_566 = tpu.memref_slice %arg7[%scan3A_242, %swap3A_565] : memref<2x16384xf32, #tpu.memory_space<vmem>> -> memref<1x16384xf32, #tpu.memory_space<vmem>>
        %swap3A_567 = tpu.memref_squeeze %swap3A_566 : memref<1x16384xf32, #tpu.memory_space<vmem>> -> memref<16384xf32, #tpu.memory_space<vmem>>
        %swap3A_568 = arith.index_cast %add3A_551 : i32 to index
        %swap3A_569 = tpu.vector_load %swap3A_567[%swap3A_568] {strides = array<i32>} : memref<16384xf32, #tpu.memory_space<vmem>>, vector<16xf32>,
        %swap3A_570 = vector.shape_cast %swap3A_569 : vector<16xf32> to vector<16xf32>
        %swap3A_571 = vector.shape_cast %add3A_564 : vector<16xf32> to vector<16xf32>
        tpu.vector_store %swap3A_567[%swap3A_568], %swap3A_571 {strides = array<i32>} : memref<16384xf32, #tpu.memory_space<vmem>>, vector<16xf32>,
        %add3A_572 = arith.constant 176 : i32
        %add3A_573 = arith.addi %mul3A_331, %add3A_572 : i32
        %get3A_574 = arith.constant 0 : i32
        %get3A_575 = tpu.memref_slice %arg5[%scan3A_240, %get3A_574] : memref<2x16384xf32, #tpu.memory_space<vmem>> -> memref<1x16384xf32, #tpu.memory_space<vmem>>
        %get3A_576 = tpu.memref_squeeze %get3A_575 : memref<1x16384xf32, #tpu.memory_space<vmem>> -> memref<16384xf32, #tpu.memory_space<vmem>>
        %get3A_577 = arith.index_cast %add3A_573 : i32 to index
        %get3A_578 = tpu.vector_load %get3A_576[%get3A_577] {strides = array<i32>} : memref<16384xf32, #tpu.memory_space<vmem>>, vector<16xf32>,
        %get3A_579 = vector.shape_cast %get3A_578 : vector<16xf32> to vector<16xf32>
        %get3A_580 = arith.constant 0 : i32
        %get3A_581 = tpu.memref_slice %arg6[%scan3A_241, %get3A_580] : memref<2x16384xf32, #tpu.memory_space<vmem>> -> memref<1x16384xf32, #tpu.memory_space<vmem>>
        %get3A_582 = tpu.memref_squeeze %get3A_581 : memref<1x16384xf32, #tpu.memory_space<vmem>> -> memref<16384xf32, #tpu.memory_space<vmem>>
        %get3A_583 = arith.index_cast %add3A_573 : i32 to index
        %get3A_584 = tpu.vector_load %get3A_582[%get3A_583] {strides = array<i32>} : memref<16384xf32, #tpu.memory_space<vmem>>, vector<16xf32>,
        %get3A_585 = vector.shape_cast %get3A_584 : vector<16xf32> to vector<16xf32>
        %add3A_586 = arith.addf %get3A_579, %get3A_585 : vector<16xf32>
        %swap3A_587 = arith.constant 0 : i32
        %swap3A_588 = tpu.memref_slice %arg7[%scan3A_242, %swap3A_587] : memref<2x16384xf32, #tpu.memory_space<vmem>> -> memref<1x16384xf32, #tpu.memory_space<vmem>>
        %swap3A_589 = tpu.memref_squeeze %swap3A_588 : memref<1x16384xf32, #tpu.memory_space<vmem>> -> memref<16384xf32, #tpu.memory_space<vmem>>
        %swap3A_590 = arith.index_cast %add3A_573 : i32 to index
        %swap3A_591 = tpu.vector_load %swap3A_589[%swap3A_590] {strides = array<i32>} : memref<16384xf32, #tpu.memory_space<vmem>>, vector<16xf32>,
        %swap3A_592 = vector.shape_cast %swap3A_591 : vector<16xf32> to vector<16xf32>
        %swap3A_593 = vector.shape_cast %add3A_586 : vector<16xf32> to vector<16xf32>
        tpu.vector_store %swap3A_589[%swap3A_590], %swap3A_593 {strides = array<i32>} : memref<16384xf32, #tpu.memory_space<vmem>>, vector<16xf32>,
        %add3A_594 = arith.constant 192 : i32
        %add3A_595 = arith.addi %mul3A_331, %add3A_594 : i32
        %get3A_596 = arith.constant 0 : i32
        %get3A_597 = tpu.memref_slice %arg5[%scan3A_240, %get3A_596] : memref<2x16384xf32, #tpu.memory_space<vmem>> -> memref<1x16384xf32, #tpu.memory_space<vmem>>
        %get3A_598 = tpu.memref_squeeze %get3A_597 : memref<1x16384xf32, #tpu.memory_space<vmem>> -> memref<16384xf32, #tpu.memory_space<vmem>>
        %get3A_599 = arith.index_cast %add3A_595 : i32 to index
        %get3A_600 = tpu.vector_load %get3A_598[%get3A_599] {strides = array<i32>} : memref<16384xf32, #tpu.memory_space<vmem>>, vector<16xf32>,
        %get3A_601 = vector.shape_cast %get3A_600 : vector<16xf32> to vector<16xf32>
        %get3A_602 = arith.constant 0 : i32
        %get3A_603 = tpu.memref_slice %arg6[%scan3A_241, %get3A_602] : memref<2x16384xf32, #tpu.memory_space<vmem>> -> memref<1x16384xf32, #tpu.memory_space<vmem>>
        %get3A_604 = tpu.memref_squeeze %get3A_603 : memref<1x16384xf32, #tpu.memory_space<vmem>> -> memref<16384xf32, #tpu.memory_space<vmem>>
        %get3A_605 = arith.index_cast %add3A_595 : i32 to index
        %get3A_606 = tpu.vector_load %get3A_604[%get3A_605] {strides = array<i32>} : memref<16384xf32, #tpu.memory_space<vmem>>, vector<16xf32>,
        %get3A_607 = vector.shape_cast %get3A_606 : vector<16xf32> to vector<16xf32>
        %add3A_608 = arith.addf %get3A_601, %get3A_607 : vector<16xf32>
        %swap3A_609 = arith.constant 0 : i32
        %swap3A_610 = tpu.memref_slice %arg7[%scan3A_242, %swap3A_609] : memref<2x16384xf32, #tpu.memory_space<vmem>> -> memref<1x16384xf32, #tpu.memory_space<vmem>>
        %swap3A_611 = tpu.memref_squeeze %swap3A_610 : memref<1x16384xf32, #tpu.memory_space<vmem>> -> memref<16384xf32, #tpu.memory_space<vmem>>
        %swap3A_612 = arith.index_cast %add3A_595 : i32 to index
        %swap3A_613 = tpu.vector_load %swap3A_611[%swap3A_612] {strides = array<i32>} : memref<16384xf32, #tpu.memory_space<vmem>>, vector<16xf32>,
        %swap3A_614 = vector.shape_cast %swap3A_613 : vector<16xf32> to vector<16xf32>
        %swap3A_615 = vector.shape_cast %add3A_608 : vector<16xf32> to vector<16xf32>
        tpu.vector_store %swap3A_611[%swap3A_612], %swap3A_615 {strides = array<i32>} : memref<16384xf32, #tpu.memory_space<vmem>>, vector<16xf32>,
        %add3A_616 = arith.constant 208 : i32
        %add3A_617 = arith.addi %mul3A_331, %add3A_616 : i32
        %get3A_618 = arith.constant 0 : i32
        %get3A_619 = tpu.memref_slice %arg5[%scan3A_240, %get3A_618] : memref<2x16384xf32, #tpu.memory_space<vmem>> -> memref<1x16384xf32, #tpu.memory_space<vmem>>
        %get3A_620 = tpu.memref_squeeze %get3A_619 : memref<1x16384xf32, #tpu.memory_space<vmem>> -> memref<16384xf32, #tpu.memory_space<vmem>>
        %get3A_621 = arith.index_cast %add3A_617 : i32 to index
        %get3A_622 = tpu.vector_load %get3A_620[%get3A_621] {strides = array<i32>} : memref<16384xf32, #tpu.memory_space<vmem>>, vector<16xf32>,
        %get3A_623 = vector.shape_cast %get3A_622 : vector<16xf32> to vector<16xf32>
        %get3A_624 = arith.constant 0 : i32
        %get3A_625 = tpu.memref_slice %arg6[%scan3A_241, %get3A_624] : memref<2x16384xf32, #tpu.memory_space<vmem>> -> memref<1x16384xf32, #tpu.memory_space<vmem>>
        %get3A_626 = tpu.memref_squeeze %get3A_625 : memref<1x16384xf32, #tpu.memory_space<vmem>> -> memref<16384xf32, #tpu.memory_space<vmem>>
        %get3A_627 = arith.index_cast %add3A_617 : i32 to index
        %get3A_628 = tpu.vector_load %get3A_626[%get3A_627] {strides = array<i32>} : memref<16384xf32, #tpu.memory_space<vmem>>, vector<16xf32>,
        %get3A_629 = vector.shape_cast %get3A_628 : vector<16xf32> to vector<16xf32>
        %add3A_630 = arith.addf %get3A_623, %get3A_629 : vector<16xf32>
        %swap3A_631 = arith.constant 0 : i32
        %swap3A_632 = tpu.memref_slice %arg7[%scan3A_242, %swap3A_631] : memref<2x16384xf32, #tpu.memory_space<vmem>> -> memref<1x16384xf32, #tpu.memory_space<vmem>>
        %swap3A_633 = tpu.memref_squeeze %swap3A_632 : memref<1x16384xf32, #tpu.memory_space<vmem>> -> memref<16384xf32, #tpu.memory_space<vmem>>
        %swap3A_634 = arith.index_cast %add3A_617 : i32 to index
        %swap3A_635 = tpu.vector_load %swap3A_633[%swap3A_634] {strides = array<i32>} : memref<16384xf32, #tpu.memory_space<vmem>>, vector<16xf32>,
        %swap3A_636 = vector.shape_cast %swap3A_635 : vector<16xf32> to vector<16xf32>
        %swap3A_637 = vector.shape_cast %add3A_630 : vector<16xf32> to vector<16xf32>
        tpu.vector_store %swap3A_633[%swap3A_634], %swap3A_637 {strides = array<i32>} : memref<16384xf32, #tpu.memory_space<vmem>>, vector<16xf32>,
        %add3A_638 = arith.constant 224 : i32
        %add3A_639 = arith.addi %mul3A_331, %add3A_638 : i32
        %get3A_640 = arith.constant 0 : i32
        %get3A_641 = tpu.memref_slice %arg5[%scan3A_240, %get3A_640] : memref<2x16384xf32, #tpu.memory_space<vmem>> -> memref<1x16384xf32, #tpu.memory_space<vmem>>
        %get3A_642 = tpu.memref_squeeze %get3A_641 : memref<1x16384xf32, #tpu.memory_space<vmem>> -> memref<16384xf32, #tpu.memory_space<vmem>>
        %get3A_643 = arith.index_cast %add3A_639 : i32 to index
        %get3A_644 = tpu.vector_load %get3A_642[%get3A_643] {strides = array<i32>} : memref<16384xf32, #tpu.memory_space<vmem>>, vector<16xf32>,
        %get3A_645 = vector.shape_cast %get3A_644 : vector<16xf32> to vector<16xf32>
        %get3A_646 = arith.constant 0 : i32
        %get3A_647 = tpu.memref_slice %arg6[%scan3A_241, %get3A_646] : memref<2x16384xf32, #tpu.memory_space<vmem>> -> memref<1x16384xf32, #tpu.memory_space<vmem>>
        %get3A_648 = tpu.memref_squeeze %get3A_647 : memref<1x16384xf32, #tpu.memory_space<vmem>> -> memref<16384xf32, #tpu.memory_space<vmem>>
        %get3A_649 = arith.index_cast %add3A_639 : i32 to index
        %get3A_650 = tpu.vector_load %get3A_648[%get3A_649] {strides = array<i32>} : memref<16384xf32, #tpu.memory_space<vmem>>, vector<16xf32>,
        %get3A_651 = vector.shape_cast %get3A_650 : vector<16xf32> to vector<16xf32>
        %add3A_652 = arith.addf %get3A_645, %get3A_651 : vector<16xf32>
        %swap3A_653 = arith.constant 0 : i32
        %swap3A_654 = tpu.memref_slice %arg7[%scan3A_242, %swap3A_653] : memref<2x16384xf32, #tpu.memory_space<vmem>> -> memref<1x16384xf32, #tpu.memory_space<vmem>>
        %swap3A_655 = tpu.memref_squeeze %swap3A_654 : memref<1x16384xf32, #tpu.memory_space<vmem>> -> memref<16384xf32, #tpu.memory_space<vmem>>
        %swap3A_656 = arith.index_cast %add3A_639 : i32 to index
        %swap3A_657 = tpu.vector_load %swap3A_655[%swap3A_656] {strides = array<i32>} : memref<16384xf32, #tpu.memory_space<vmem>>, vector<16xf32>,
        %swap3A_658 = vector.shape_cast %swap3A_657 : vector<16xf32> to vector<16xf32>
        %swap3A_659 = vector.shape_cast %add3A_652 : vector<16xf32> to vector<16xf32>
        tpu.vector_store %swap3A_655[%swap3A_656], %swap3A_659 {strides = array<i32>} : memref<16384xf32, #tpu.memory_space<vmem>>, vector<16xf32>,
        %add3A_660 = arith.constant 240 : i32
        %add3A_661 = arith.addi %mul3A_331, %add3A_660 : i32
        %get3A_662 = arith.constant 0 : i32
        %get3A_663 = tpu.memref_slice %arg5[%scan3A_240, %get3A_662] : memref<2x16384xf32, #tpu.memory_space<vmem>> -> memref<1x16384xf32, #tpu.memory_space<vmem>>
        %get3A_664 = tpu.memref_squeeze %get3A_663 : memref<1x16384xf32, #tpu.memory_space<vmem>> -> memref<16384xf32, #tpu.memory_space<vmem>>
        %get3A_665 = arith.index_cast %add3A_661 : i32 to index
        %get3A_666 = tpu.vector_load %get3A_664[%get3A_665] {strides = array<i32>} : memref<16384xf32, #tpu.memory_space<vmem>>, vector<16xf32>,
        %get3A_667 = vector.shape_cast %get3A_666 : vector<16xf32> to vector<16xf32>
        %get3A_668 = arith.constant 0 : i32
        %get3A_669 = tpu.memref_slice %arg6[%scan3A_241, %get3A_668] : memref<2x16384xf32, #tpu.memory_space<vmem>> -> memref<1x16384xf32, #tpu.memory_space<vmem>>
        %get3A_670 = tpu.memref_squeeze %get3A_669 : memref<1x16384xf32, #tpu.memory_space<vmem>> -> memref<16384xf32, #tpu.memory_space<vmem>>
        %get3A_671 = arith.index_cast %add3A_661 : i32 to index
        %get3A_672 = tpu.vector_load %get3A_670[%get3A_671] {strides = array<i32>} : memref<16384xf32, #tpu.memory_space<vmem>>, vector<16xf32>,
        %get3A_673 = vector.shape_cast %get3A_672 : vector<16xf32> to vector<16xf32>
        %add3A_674 = arith.addf %get3A_667, %get3A_673 : vector<16xf32>
        %swap3A_675 = arith.constant 0 : i32
        %swap3A_676 = tpu.memref_slice %arg7[%scan3A_242, %swap3A_675] : memref<2x16384xf32, #tpu.memory_space<vmem>> -> memref<1x16384xf32, #tpu.memory_space<vmem>>
        %swap3A_677 = tpu.memref_squeeze %swap3A_676 : memref<1x16384xf32, #tpu.memory_space<vmem>> -> memref<16384xf32, #tpu.memory_space<vmem>>
        %swap3A_678 = arith.index_cast %add3A_661 : i32 to index
        %swap3A_679 = tpu.vector_load %swap3A_677[%swap3A_678] {strides = array<i32>} : memref<16384xf32, #tpu.memory_space<vmem>>, vector<16xf32>,
        %swap3A_680 = vector.shape_cast %swap3A_679 : vector<16xf32> to vector<16xf32>
        %swap3A_681 = vector.shape_cast %add3A_674 : vector<16xf32> to vector<16xf32>
        tpu.vector_store %swap3A_677[%swap3A_678], %swap3A_681 {strides = array<i32>} : memref<16384xf32, #tpu.memory_space<vmem>>, vector<16xf32>,
      }
      %scan3A_247 = arith.constant 64 : i32
      %mul3A_248 = arith.constant 16384 : i32
      %mul3A_249 = arith.muli %add3A_205, %mul3A_248 : i32
      %add3A_250 = arith.addi %mul3A_2, %mul3A_249 : i32
      %dma_start3A_251 = arith.constant 0 : i32
      %dma_start3A_252 = arith.constant 0 : i32
      %dma_start3A_253 = tpu.memref_slice %arg7[%dma_start3A_251, %dma_start3A_252] : memref<2x16384xf32, #tpu.memory_space<vmem>> -> memref<1x16384xf32, #tpu.memory_space<vmem>>
      %dma_start3A_254 = tpu.memref_squeeze %dma_start3A_253 : memref<1x16384xf32, #tpu.memory_space<vmem>> -> memref<16384xf32, #tpu.memory_space<vmem>>
      %dma_start3A_255 = tpu.memref_slice %arg4[%add3A_250] : memref<33554432xf32, #tpu.memory_space<hbm>> -> memref<16384xf32, #tpu.memory_space<hbm>>
      %dma_start3A_256 = tpu.memref_slice %arg4[%add3A_250] : memref<33554432xf32, #tpu.memory_space<hbm>> -> memref<16384xf32, #tpu.memory_space<hbm>>
      %dma_start3A_257 = arith.constant 0 : i32
      %dma_start3A_258 = tpu.memref_slice %arg7[%dma_start3A_251, %dma_start3A_257] : memref<2x16384xf32, #tpu.memory_space<vmem>> -> memref<1x16384xf32, #tpu.memory_space<vmem>>
      %dma_start3A_259 = tpu.memref_squeeze %dma_start3A_258 : memref<1x16384xf32, #tpu.memory_space<vmem>> -> memref<16384xf32, #tpu.memory_space<vmem>>
      tpu.enqueue_dma source(%dma_start3A_259 : memref<16384xf32, #tpu.memory_space<vmem>>) target(%dma_start3A_256 : memref<16384xf32, #tpu.memory_space<hbm>>) target_semaphore(%arg12 : memref<!tpu.dma_semaphore, #tpu.memory_space<semaphore_mem>>)
      %add3A_260 = arith.constant 2 : i32
      %add3A_261 = arith.addi %add3A_205, %add3A_260 : i32
      %lt3A = arith.constant 64 : i32
      %lt3A_262 = arith.cmpi slt, %add3A_261, %lt3A : i32
      %convert_element_type3A = arith.extui %lt3A_262 : i1 to i32
      %cond3A = arith.constant 0 : i32
      %cond3A_263 = arith.cmpi ne, %convert_element_type3A, %cond3A : i32
      scf.if %cond3A_263 {
        %add3A_329 = arith.constant 2 : i32
        %add3A_330 = arith.addi %add3A_205, %add3A_329 : i32
        %mul3A_331 = arith.constant 16384 : i32
        %mul3A_332 = arith.muli %add3A_330, %mul3A_331 : i32
        %add3A_333 = arith.addi %mul3A_2, %mul3A_332 : i32
        %dma_start3A_334 = arith.constant 0 : i32
        %dma_start3A_335 = arith.constant 0 : i32
        %dma_start3A_336 = tpu.memref_slice %arg5[%dma_start3A_334, %dma_start3A_335] : memref<2x16384xf32, #tpu.memory_space<vmem>> -> memref<1x16384xf32, #tpu.memory_space<vmem>>
        %dma_start3A_337 = tpu.memref_squeeze %dma_start3A_336 : memref<1x16384xf32, #tpu.memory_space<vmem>> -> memref<16384xf32, #tpu.memory_space<vmem>>
        %dma_start3A_338 = tpu.memref_slice %arg2[%add3A_333] : memref<33554432xf32, #tpu.memory_space<hbm>> -> memref<16384xf32, #tpu.memory_space<hbm>>
        %dma_start3A_339 = arith.constant 0 : i32
        %dma_start3A_340 = tpu.memref_slice %arg5[%dma_start3A_334, %dma_start3A_339] : memref<2x16384xf32, #tpu.memory_space<vmem>> -> memref<1x16384xf32, #tpu.memory_space<vmem>>
        %dma_start3A_341 = tpu.memref_squeeze %dma_start3A_340 : memref<1x16384xf32, #tpu.memory_space<vmem>> -> memref<16384xf32, #tpu.memory_space<vmem>>
        %dma_start3A_342 = tpu.memref_slice %arg2[%add3A_333] : memref<33554432xf32, #tpu.memory_space<hbm>> -> memref<16384xf32, #tpu.memory_space<hbm>>
        tpu.enqueue_dma source(%dma_start3A_342 : memref<16384xf32, #tpu.memory_space<hbm>>) target(%dma_start3A_341 : memref<16384xf32, #tpu.memory_space<vmem>>) target_semaphore(%arg8 : memref<!tpu.dma_semaphore, #tpu.memory_space<semaphore_mem>>)
        %add3A_343 = arith.addi %rem3A_3, %mul3A_332 : i32
        %dma_start3A_344 = arith.constant 0 : i32
        %dma_start3A_345 = arith.constant 0 : i32
        %dma_start3A_346 = tpu.memref_slice %arg6[%dma_start3A_344, %dma_start3A_345] : memref<2x16384xf32, #tpu.memory_space<vmem>> -> memref<1x16384xf32, #tpu.memory_space<vmem>>
        %dma_start3A_347 = tpu.memref_squeeze %dma_start3A_346 : memref<1x16384xf32, #tpu.memory_space<vmem>> -> memref<16384xf32, #tpu.memory_space<vmem>>
        %dma_start3A_348 = tpu.memref_slice %arg3[%add3A_343] : memref<8388608xf32, #tpu.memory_space<hbm>> -> memref<16384xf32, #tpu.memory_space<hbm>>
        %dma_start3A_349 = arith.constant 0 : i32
        %dma_start3A_350 = tpu.memref_slice %arg6[%dma_start3A_344, %dma_start3A_349] : memref<2x16384xf32, #tpu.memory_space<vmem>> -> memref<1x16384xf32, #tpu.memory_space<vmem>>
        %dma_start3A_351 = tpu.memref_squeeze %dma_start3A_350 : memref<1x16384xf32, #tpu.memory_space<vmem>> -> memref<16384xf32, #tpu.memory_space<vmem>>
        %dma_start3A_352 = tpu.memref_slice %arg3[%add3A_343] : memref<8388608xf32, #tpu.memory_space<hbm>> -> memref<16384xf32, #tpu.memory_space<hbm>>
        tpu.enqueue_dma source(%dma_start3A_352 : memref<16384xf32, #tpu.memory_space<hbm>>) target(%dma_start3A_351 : memref<16384xf32, #tpu.memory_space<vmem>>) target_semaphore(%arg10 : memref<!tpu.dma_semaphore, #tpu.memory_space<semaphore_mem>>)
      } else {
      }
      %mul3A_264 = arith.constant 2 : i32
      %mul3A_265 = arith.muli %scan3A_201, %mul3A_264 : i32
      %add3A_266 = arith.constant 1 : i32
      %add3A_267 = arith.addi %mul3A_265, %add3A_266 : i32
      %dma_wait3A_268 = arith.constant 1 : i32
      %dma_wait3A_269 = arith.constant 0 : i32
      %dma_wait3A_270 = tpu.memref_slice %arg5[%dma_wait3A_268, %dma_wait3A_269] : memref<2x16384xf32, #tpu.memory_space<vmem>> -> memref<1x16384xf32, #tpu.memory_space<vmem>>
      %dma_wait3A_271 = tpu.memref_squeeze %dma_wait3A_270 : memref<1x16384xf32, #tpu.memory_space<vmem>> -> memref<16384xf32, #tpu.memory_space<vmem>>
      %dma_wait3A_272 = arith.constant 0 : i32
      %dma_wait3A_273 = tpu.memref_slice %arg2[%dma_wait3A_272] : memref<33554432xf32, #tpu.memory_space<hbm>> -> memref<16384xf32, #tpu.memory_space<hbm>>
      %dma_wait3A_274 = arith.constant 0 : i32
      %dma_wait3A_275 = tpu.memref_slice %arg5[%dma_wait3A_268, %dma_wait3A_274] : memref<2x16384xf32, #tpu.memory_space<vmem>> -> memref<1x16384xf32, #tpu.memory_space<vmem>>
      %dma_wait3A_276 = tpu.memref_squeeze %dma_wait3A_275 : memref<1x16384xf32, #tpu.memory_space<vmem>> -> memref<16384xf32, #tpu.memory_space<vmem>>
      %dma_wait3A_277 = arith.constant 0 : i32
      %dma_wait3A_278 = tpu.memref_slice %arg2[%dma_wait3A_277] : memref<33554432xf32, #tpu.memory_space<hbm>> -> memref<16384xf32, #tpu.memory_space<hbm>>
      tpu.wait_dma2 semaphore(%arg9 : memref<!tpu.dma_semaphore, #tpu.memory_space<semaphore_mem>>) src(%dma_wait3A_278 : memref<16384xf32, #tpu.memory_space<hbm>>) dst(%dma_wait3A_276 : memref<16384xf32, #tpu.memory_space<vmem>>)
      %dma_wait3A_279 = arith.constant 1 : i32
      %dma_wait3A_280 = arith.constant 0 : i32
      %dma_wait3A_281 = tpu.memref_slice %arg6[%dma_wait3A_279, %dma_wait3A_280] : memref<2x16384xf32, #tpu.memory_space<vmem>> -> memref<1x16384xf32, #tpu.memory_space<vmem>>
      %dma_wait3A_282 = tpu.memref_squeeze %dma_wait3A_281 : memref<1x16384xf32, #tpu.memory_space<vmem>> -> memref<16384xf32, #tpu.memory_space<vmem>>
      %dma_wait3A_283 = arith.constant 0 : i32
      %dma_wait3A_284 = tpu.memref_slice %arg3[%dma_wait3A_283] : memref<8388608xf32, #tpu.memory_space<hbm>> -> memref<16384xf32, #tpu.memory_space<hbm>>
      %dma_wait3A_285 = arith.constant 0 : i32
      %dma_wait3A_286 = tpu.memref_slice %arg6[%dma_wait3A_279, %dma_wait3A_285] : memref<2x16384xf32, #tpu.memory_space<vmem>> -> memref<1x16384xf32, #tpu.memory_space<vmem>>
      %dma_wait3A_287 = tpu.memref_squeeze %dma_wait3A_286 : memref<1x16384xf32, #tpu.memory_space<vmem>> -> memref<16384xf32, #tpu.memory_space<vmem>>
      %dma_wait3A_288 = arith.constant 0 : i32
      %dma_wait3A_289 = tpu.memref_slice %arg3[%dma_wait3A_288] : memref<8388608xf32, #tpu.memory_space<hbm>> -> memref<16384xf32, #tpu.memory_space<hbm>>
      tpu.wait_dma2 semaphore(%arg11 : memref<!tpu.dma_semaphore, #tpu.memory_space<semaphore_mem>>) src(%dma_wait3A_289 : memref<16384xf32, #tpu.memory_space<hbm>>) dst(%dma_wait3A_287 : memref<16384xf32, #tpu.memory_space<vmem>>)
      %dma_wait3A_290 = arith.constant 1 : i32
      %dma_wait3A_291 = arith.constant 0 : i32
      %dma_wait3A_292 = tpu.memref_slice %arg7[%dma_wait3A_290, %dma_wait3A_291] : memref<2x16384xf32, #tpu.memory_space<vmem>> -> memref<1x16384xf32, #tpu.memory_space<vmem>>
      %dma_wait3A_293 = tpu.memref_squeeze %dma_wait3A_292 : memref<1x16384xf32, #tpu.memory_space<vmem>> -> memref<16384xf32, #tpu.memory_space<vmem>>
      %dma_wait3A_294 = arith.constant 0 : i32
      %dma_wait3A_295 = tpu.memref_slice %arg4[%dma_wait3A_294] : memref<33554432xf32, #tpu.memory_space<hbm>> -> memref<16384xf32, #tpu.memory_space<hbm>>
      %dma_wait3A_296 = arith.constant 0 : i32
      %dma_wait3A_297 = tpu.memref_slice %arg4[%dma_wait3A_296] : memref<33554432xf32, #tpu.memory_space<hbm>> -> memref<16384xf32, #tpu.memory_space<hbm>>
      %dma_wait3A_298 = arith.constant 0 : i32
      %dma_wait3A_299 = tpu.memref_slice %arg7[%dma_wait3A_290, %dma_wait3A_298] : memref<2x16384xf32, #tpu.memory_space<vmem>> -> memref<1x16384xf32, #tpu.memory_space<vmem>>
      %dma_wait3A_300 = tpu.memref_squeeze %dma_wait3A_299 : memref<1x16384xf32, #tpu.memory_space<vmem>> -> memref<16384xf32, #tpu.memory_space<vmem>>
      tpu.wait_dma2 semaphore(%arg13 : memref<!tpu.dma_semaphore, #tpu.memory_space<semaphore_mem>>) src(%dma_wait3A_300 : memref<16384xf32, #tpu.memory_space<vmem>>) dst(%dma_wait3A_297 : memref<16384xf32, #tpu.memory_space<hbm>>)
      %scan3A_301 = arith.constant 0 : i32
      %scan3A_302 = arith.constant 1 : i32
      %scan3A_303 = arith.constant 1 : i32
      %scan3A_304 = arith.constant 1 : i32
      %scan3A_305 = arith.constant 0 : i32
      %scan3A_306 = arith.constant 64 : i32
      %scan3A_307 = arith.addi %scan3A_305, %scan3A_306 : i32
      %scan3A_308 = arith.constant 1 : i32
      scf.for %scan3A_329 = %scan3A_305 to %scan3A_307 step %scan3A_308  : i32 {
        %mul3A_330 = arith.constant 256 : i32
        %mul3A_331 = arith.muli %scan3A_329, %mul3A_330 : i32
        %add3A_332 = arith.constant 0 : i32
        %add3A_333 = arith.addi %mul3A_331, %add3A_332 : i32
        %get3A = arith.constant 0 : i32
        %get3A_334 = tpu.memref_slice %arg5[%scan3A_302, %get3A] : memref<2x16384xf32, #tpu.memory_space<vmem>> -> memref<1x16384xf32, #tpu.memory_space<vmem>>
        %get3A_335 = tpu.memref_squeeze %get3A_334 : memref<1x16384xf32, #tpu.memory_space<vmem>> -> memref<16384xf32, #tpu.memory_space<vmem>>
        %get3A_336 = arith.index_cast %add3A_333 : i32 to index
        %get3A_337 = tpu.vector_load %get3A_335[%get3A_336] {strides = array<i32>} : memref<16384xf32, #tpu.memory_space<vmem>>, vector<16xf32>,
        %get3A_338 = vector.shape_cast %get3A_337 : vector<16xf32> to vector<16xf32>
        %get3A_339 = arith.constant 0 : i32
        %get3A_340 = tpu.memref_slice %arg6[%scan3A_303, %get3A_339] : memref<2x16384xf32, #tpu.memory_space<vmem>> -> memref<1x16384xf32, #tpu.memory_space<vmem>>
        %get3A_341 = tpu.memref_squeeze %get3A_340 : memref<1x16384xf32, #tpu.memory_space<vmem>> -> memref<16384xf32, #tpu.memory_space<vmem>>
        %get3A_342 = arith.index_cast %add3A_333 : i32 to index
        %get3A_343 = tpu.vector_load %get3A_341[%get3A_342] {strides = array<i32>} : memref<16384xf32, #tpu.memory_space<vmem>>, vector<16xf32>,
        %get3A_344 = vector.shape_cast %get3A_343 : vector<16xf32> to vector<16xf32>
        %add3A_345 = arith.addf %get3A_338, %get3A_344 : vector<16xf32>
        %swap3A = arith.constant 0 : i32
        %swap3A_346 = tpu.memref_slice %arg7[%scan3A_304, %swap3A] : memref<2x16384xf32, #tpu.memory_space<vmem>> -> memref<1x16384xf32, #tpu.memory_space<vmem>>
        %swap3A_347 = tpu.memref_squeeze %swap3A_346 : memref<1x16384xf32, #tpu.memory_space<vmem>> -> memref<16384xf32, #tpu.memory_space<vmem>>
        %swap3A_348 = arith.index_cast %add3A_333 : i32 to index
        %swap3A_349 = tpu.vector_load %swap3A_347[%swap3A_348] {strides = array<i32>} : memref<16384xf32, #tpu.memory_space<vmem>>, vector<16xf32>,
        %swap3A_350 = vector.shape_cast %swap3A_349 : vector<16xf32> to vector<16xf32>
        %swap3A_351 = vector.shape_cast %add3A_345 : vector<16xf32> to vector<16xf32>
        tpu.vector_store %swap3A_347[%swap3A_348], %swap3A_351 {strides = array<i32>} : memref<16384xf32, #tpu.memory_space<vmem>>, vector<16xf32>,
        %add3A_352 = arith.constant 16 : i32
        %add3A_353 = arith.addi %mul3A_331, %add3A_352 : i32
        %get3A_354 = arith.constant 0 : i32
        %get3A_355 = tpu.memref_slice %arg5[%scan3A_302, %get3A_354] : memref<2x16384xf32, #tpu.memory_space<vmem>> -> memref<1x16384xf32, #tpu.memory_space<vmem>>
        %get3A_356 = tpu.memref_squeeze %get3A_355 : memref<1x16384xf32, #tpu.memory_space<vmem>> -> memref<16384xf32, #tpu.memory_space<vmem>>
        %get3A_357 = arith.index_cast %add3A_353 : i32 to index
        %get3A_358 = tpu.vector_load %get3A_356[%get3A_357] {strides = array<i32>} : memref<16384xf32, #tpu.memory_space<vmem>>, vector<16xf32>,
        %get3A_359 = vector.shape_cast %get3A_358 : vector<16xf32> to vector<16xf32>
        %get3A_360 = arith.constant 0 : i32
        %get3A_361 = tpu.memref_slice %arg6[%scan3A_303, %get3A_360] : memref<2x16384xf32, #tpu.memory_space<vmem>> -> memref<1x16384xf32, #tpu.memory_space<vmem>>
        %get3A_362 = tpu.memref_squeeze %get3A_361 : memref<1x16384xf32, #tpu.memory_space<vmem>> -> memref<16384xf32, #tpu.memory_space<vmem>>
        %get3A_363 = arith.index_cast %add3A_353 : i32 to index
        %get3A_364 = tpu.vector_load %get3A_362[%get3A_363] {strides = array<i32>} : memref<16384xf32, #tpu.memory_space<vmem>>, vector<16xf32>,
        %get3A_365 = vector.shape_cast %get3A_364 : vector<16xf32> to vector<16xf32>
        %add3A_366 = arith.addf %get3A_359, %get3A_365 : vector<16xf32>
        %swap3A_367 = arith.constant 0 : i32
        %swap3A_368 = tpu.memref_slice %arg7[%scan3A_304, %swap3A_367] : memref<2x16384xf32, #tpu.memory_space<vmem>> -> memref<1x16384xf32, #tpu.memory_space<vmem>>
        %swap3A_369 = tpu.memref_squeeze %swap3A_368 : memref<1x16384xf32, #tpu.memory_space<vmem>> -> memref<16384xf32, #tpu.memory_space<vmem>>
        %swap3A_370 = arith.index_cast %add3A_353 : i32 to index
        %swap3A_371 = tpu.vector_load %swap3A_369[%swap3A_370] {strides = array<i32>} : memref<16384xf32, #tpu.memory_space<vmem>>, vector<16xf32>,
        %swap3A_372 = vector.shape_cast %swap3A_371 : vector<16xf32> to vector<16xf32>
        %swap3A_373 = vector.shape_cast %add3A_366 : vector<16xf32> to vector<16xf32>
        tpu.vector_store %swap3A_369[%swap3A_370], %swap3A_373 {strides = array<i32>} : memref<16384xf32, #tpu.memory_space<vmem>>, vector<16xf32>,
        %add3A_374 = arith.constant 32 : i32
        %add3A_375 = arith.addi %mul3A_331, %add3A_374 : i32
        %get3A_376 = arith.constant 0 : i32
        %get3A_377 = tpu.memref_slice %arg5[%scan3A_302, %get3A_376] : memref<2x16384xf32, #tpu.memory_space<vmem>> -> memref<1x16384xf32, #tpu.memory_space<vmem>>
        %get3A_378 = tpu.memref_squeeze %get3A_377 : memref<1x16384xf32, #tpu.memory_space<vmem>> -> memref<16384xf32, #tpu.memory_space<vmem>>
        %get3A_379 = arith.index_cast %add3A_375 : i32 to index
        %get3A_380 = tpu.vector_load %get3A_378[%get3A_379] {strides = array<i32>} : memref<16384xf32, #tpu.memory_space<vmem>>, vector<16xf32>,
        %get3A_381 = vector.shape_cast %get3A_380 : vector<16xf32> to vector<16xf32>
        %get3A_382 = arith.constant 0 : i32
        %get3A_383 = tpu.memref_slice %arg6[%scan3A_303, %get3A_382] : memref<2x16384xf32, #tpu.memory_space<vmem>> -> memref<1x16384xf32, #tpu.memory_space<vmem>>
        %get3A_384 = tpu.memref_squeeze %get3A_383 : memref<1x16384xf32, #tpu.memory_space<vmem>> -> memref<16384xf32, #tpu.memory_space<vmem>>
        %get3A_385 = arith.index_cast %add3A_375 : i32 to index
        %get3A_386 = tpu.vector_load %get3A_384[%get3A_385] {strides = array<i32>} : memref<16384xf32, #tpu.memory_space<vmem>>, vector<16xf32>,
        %get3A_387 = vector.shape_cast %get3A_386 : vector<16xf32> to vector<16xf32>
        %add3A_388 = arith.addf %get3A_381, %get3A_387 : vector<16xf32>
        %swap3A_389 = arith.constant 0 : i32
        %swap3A_390 = tpu.memref_slice %arg7[%scan3A_304, %swap3A_389] : memref<2x16384xf32, #tpu.memory_space<vmem>> -> memref<1x16384xf32, #tpu.memory_space<vmem>>
        %swap3A_391 = tpu.memref_squeeze %swap3A_390 : memref<1x16384xf32, #tpu.memory_space<vmem>> -> memref<16384xf32, #tpu.memory_space<vmem>>
        %swap3A_392 = arith.index_cast %add3A_375 : i32 to index
        %swap3A_393 = tpu.vector_load %swap3A_391[%swap3A_392] {strides = array<i32>} : memref<16384xf32, #tpu.memory_space<vmem>>, vector<16xf32>,
        %swap3A_394 = vector.shape_cast %swap3A_393 : vector<16xf32> to vector<16xf32>
        %swap3A_395 = vector.shape_cast %add3A_388 : vector<16xf32> to vector<16xf32>
        tpu.vector_store %swap3A_391[%swap3A_392], %swap3A_395 {strides = array<i32>} : memref<16384xf32, #tpu.memory_space<vmem>>, vector<16xf32>,
        %add3A_396 = arith.constant 48 : i32
        %add3A_397 = arith.addi %mul3A_331, %add3A_396 : i32
        %get3A_398 = arith.constant 0 : i32
        %get3A_399 = tpu.memref_slice %arg5[%scan3A_302, %get3A_398] : memref<2x16384xf32, #tpu.memory_space<vmem>> -> memref<1x16384xf32, #tpu.memory_space<vmem>>
        %get3A_400 = tpu.memref_squeeze %get3A_399 : memref<1x16384xf32, #tpu.memory_space<vmem>> -> memref<16384xf32, #tpu.memory_space<vmem>>
        %get3A_401 = arith.index_cast %add3A_397 : i32 to index
        %get3A_402 = tpu.vector_load %get3A_400[%get3A_401] {strides = array<i32>} : memref<16384xf32, #tpu.memory_space<vmem>>, vector<16xf32>,
        %get3A_403 = vector.shape_cast %get3A_402 : vector<16xf32> to vector<16xf32>
        %get3A_404 = arith.constant 0 : i32
        %get3A_405 = tpu.memref_slice %arg6[%scan3A_303, %get3A_404] : memref<2x16384xf32, #tpu.memory_space<vmem>> -> memref<1x16384xf32, #tpu.memory_space<vmem>>
        %get3A_406 = tpu.memref_squeeze %get3A_405 : memref<1x16384xf32, #tpu.memory_space<vmem>> -> memref<16384xf32, #tpu.memory_space<vmem>>
        %get3A_407 = arith.index_cast %add3A_397 : i32 to index
        %get3A_408 = tpu.vector_load %get3A_406[%get3A_407] {strides = array<i32>} : memref<16384xf32, #tpu.memory_space<vmem>>, vector<16xf32>,
        %get3A_409 = vector.shape_cast %get3A_408 : vector<16xf32> to vector<16xf32>
        %add3A_410 = arith.addf %get3A_403, %get3A_409 : vector<16xf32>
        %swap3A_411 = arith.constant 0 : i32
        %swap3A_412 = tpu.memref_slice %arg7[%scan3A_304, %swap3A_411] : memref<2x16384xf32, #tpu.memory_space<vmem>> -> memref<1x16384xf32, #tpu.memory_space<vmem>>
        %swap3A_413 = tpu.memref_squeeze %swap3A_412 : memref<1x16384xf32, #tpu.memory_space<vmem>> -> memref<16384xf32, #tpu.memory_space<vmem>>
        %swap3A_414 = arith.index_cast %add3A_397 : i32 to index
        %swap3A_415 = tpu.vector_load %swap3A_413[%swap3A_414] {strides = array<i32>} : memref<16384xf32, #tpu.memory_space<vmem>>, vector<16xf32>,
        %swap3A_416 = vector.shape_cast %swap3A_415 : vector<16xf32> to vector<16xf32>
        %swap3A_417 = vector.shape_cast %add3A_410 : vector<16xf32> to vector<16xf32>
        tpu.vector_store %swap3A_413[%swap3A_414], %swap3A_417 {strides = array<i32>} : memref<16384xf32, #tpu.memory_space<vmem>>, vector<16xf32>,
        %add3A_418 = arith.constant 64 : i32
        %add3A_419 = arith.addi %mul3A_331, %add3A_418 : i32
        %get3A_420 = arith.constant 0 : i32
        %get3A_421 = tpu.memref_slice %arg5[%scan3A_302, %get3A_420] : memref<2x16384xf32, #tpu.memory_space<vmem>> -> memref<1x16384xf32, #tpu.memory_space<vmem>>
        %get3A_422 = tpu.memref_squeeze %get3A_421 : memref<1x16384xf32, #tpu.memory_space<vmem>> -> memref<16384xf32, #tpu.memory_space<vmem>>
        %get3A_423 = arith.index_cast %add3A_419 : i32 to index
        %get3A_424 = tpu.vector_load %get3A_422[%get3A_423] {strides = array<i32>} : memref<16384xf32, #tpu.memory_space<vmem>>, vector<16xf32>,
        %get3A_425 = vector.shape_cast %get3A_424 : vector<16xf32> to vector<16xf32>
        %get3A_426 = arith.constant 0 : i32
        %get3A_427 = tpu.memref_slice %arg6[%scan3A_303, %get3A_426] : memref<2x16384xf32, #tpu.memory_space<vmem>> -> memref<1x16384xf32, #tpu.memory_space<vmem>>
        %get3A_428 = tpu.memref_squeeze %get3A_427 : memref<1x16384xf32, #tpu.memory_space<vmem>> -> memref<16384xf32, #tpu.memory_space<vmem>>
        %get3A_429 = arith.index_cast %add3A_419 : i32 to index
        %get3A_430 = tpu.vector_load %get3A_428[%get3A_429] {strides = array<i32>} : memref<16384xf32, #tpu.memory_space<vmem>>, vector<16xf32>,
        %get3A_431 = vector.shape_cast %get3A_430 : vector<16xf32> to vector<16xf32>
        %add3A_432 = arith.addf %get3A_425, %get3A_431 : vector<16xf32>
        %swap3A_433 = arith.constant 0 : i32
        %swap3A_434 = tpu.memref_slice %arg7[%scan3A_304, %swap3A_433] : memref<2x16384xf32, #tpu.memory_space<vmem>> -> memref<1x16384xf32, #tpu.memory_space<vmem>>
        %swap3A_435 = tpu.memref_squeeze %swap3A_434 : memref<1x16384xf32, #tpu.memory_space<vmem>> -> memref<16384xf32, #tpu.memory_space<vmem>>
        %swap3A_436 = arith.index_cast %add3A_419 : i32 to index
        %swap3A_437 = tpu.vector_load %swap3A_435[%swap3A_436] {strides = array<i32>} : memref<16384xf32, #tpu.memory_space<vmem>>, vector<16xf32>,
        %swap3A_438 = vector.shape_cast %swap3A_437 : vector<16xf32> to vector<16xf32>
        %swap3A_439 = vector.shape_cast %add3A_432 : vector<16xf32> to vector<16xf32>
        tpu.vector_store %swap3A_435[%swap3A_436], %swap3A_439 {strides = array<i32>} : memref<16384xf32, #tpu.memory_space<vmem>>, vector<16xf32>,
        %add3A_440 = arith.constant 80 : i32
        %add3A_441 = arith.addi %mul3A_331, %add3A_440 : i32
        %get3A_442 = arith.constant 0 : i32
        %get3A_443 = tpu.memref_slice %arg5[%scan3A_302, %get3A_442] : memref<2x16384xf32, #tpu.memory_space<vmem>> -> memref<1x16384xf32, #tpu.memory_space<vmem>>
        %get3A_444 = tpu.memref_squeeze %get3A_443 : memref<1x16384xf32, #tpu.memory_space<vmem>> -> memref<16384xf32, #tpu.memory_space<vmem>>
        %get3A_445 = arith.index_cast %add3A_441 : i32 to index
        %get3A_446 = tpu.vector_load %get3A_444[%get3A_445] {strides = array<i32>} : memref<16384xf32, #tpu.memory_space<vmem>>, vector<16xf32>,
        %get3A_447 = vector.shape_cast %get3A_446 : vector<16xf32> to vector<16xf32>
        %get3A_448 = arith.constant 0 : i32
        %get3A_449 = tpu.memref_slice %arg6[%scan3A_303, %get3A_448] : memref<2x16384xf32, #tpu.memory_space<vmem>> -> memref<1x16384xf32, #tpu.memory_space<vmem>>
        %get3A_450 = tpu.memref_squeeze %get3A_449 : memref<1x16384xf32, #tpu.memory_space<vmem>> -> memref<16384xf32, #tpu.memory_space<vmem>>
        %get3A_451 = arith.index_cast %add3A_441 : i32 to index
        %get3A_452 = tpu.vector_load %get3A_450[%get3A_451] {strides = array<i32>} : memref<16384xf32, #tpu.memory_space<vmem>>, vector<16xf32>,
        %get3A_453 = vector.shape_cast %get3A_452 : vector<16xf32> to vector<16xf32>
        %add3A_454 = arith.addf %get3A_447, %get3A_453 : vector<16xf32>
        %swap3A_455 = arith.constant 0 : i32
        %swap3A_456 = tpu.memref_slice %arg7[%scan3A_304, %swap3A_455] : memref<2x16384xf32, #tpu.memory_space<vmem>> -> memref<1x16384xf32, #tpu.memory_space<vmem>>
        %swap3A_457 = tpu.memref_squeeze %swap3A_456 : memref<1x16384xf32, #tpu.memory_space<vmem>> -> memref<16384xf32, #tpu.memory_space<vmem>>
        %swap3A_458 = arith.index_cast %add3A_441 : i32 to index
        %swap3A_459 = tpu.vector_load %swap3A_457[%swap3A_458] {strides = array<i32>} : memref<16384xf32, #tpu.memory_space<vmem>>, vector<16xf32>,
        %swap3A_460 = vector.shape_cast %swap3A_459 : vector<16xf32> to vector<16xf32>
        %swap3A_461 = vector.shape_cast %add3A_454 : vector<16xf32> to vector<16xf32>
        tpu.vector_store %swap3A_457[%swap3A_458], %swap3A_461 {strides = array<i32>} : memref<16384xf32, #tpu.memory_space<vmem>>, vector<16xf32>,
        %add3A_462 = arith.constant 96 : i32
        %add3A_463 = arith.addi %mul3A_331, %add3A_462 : i32
        %get3A_464 = arith.constant 0 : i32
        %get3A_465 = tpu.memref_slice %arg5[%scan3A_302, %get3A_464] : memref<2x16384xf32, #tpu.memory_space<vmem>> -> memref<1x16384xf32, #tpu.memory_space<vmem>>
        %get3A_466 = tpu.memref_squeeze %get3A_465 : memref<1x16384xf32, #tpu.memory_space<vmem>> -> memref<16384xf32, #tpu.memory_space<vmem>>
        %get3A_467 = arith.index_cast %add3A_463 : i32 to index
        %get3A_468 = tpu.vector_load %get3A_466[%get3A_467] {strides = array<i32>} : memref<16384xf32, #tpu.memory_space<vmem>>, vector<16xf32>,
        %get3A_469 = vector.shape_cast %get3A_468 : vector<16xf32> to vector<16xf32>
        %get3A_470 = arith.constant 0 : i32
        %get3A_471 = tpu.memref_slice %arg6[%scan3A_303, %get3A_470] : memref<2x16384xf32, #tpu.memory_space<vmem>> -> memref<1x16384xf32, #tpu.memory_space<vmem>>
        %get3A_472 = tpu.memref_squeeze %get3A_471 : memref<1x16384xf32, #tpu.memory_space<vmem>> -> memref<16384xf32, #tpu.memory_space<vmem>>
        %get3A_473 = arith.index_cast %add3A_463 : i32 to index
        %get3A_474 = tpu.vector_load %get3A_472[%get3A_473] {strides = array<i32>} : memref<16384xf32, #tpu.memory_space<vmem>>, vector<16xf32>,
        %get3A_475 = vector.shape_cast %get3A_474 : vector<16xf32> to vector<16xf32>
        %add3A_476 = arith.addf %get3A_469, %get3A_475 : vector<16xf32>
        %swap3A_477 = arith.constant 0 : i32
        %swap3A_478 = tpu.memref_slice %arg7[%scan3A_304, %swap3A_477] : memref<2x16384xf32, #tpu.memory_space<vmem>> -> memref<1x16384xf32, #tpu.memory_space<vmem>>
        %swap3A_479 = tpu.memref_squeeze %swap3A_478 : memref<1x16384xf32, #tpu.memory_space<vmem>> -> memref<16384xf32, #tpu.memory_space<vmem>>
        %swap3A_480 = arith.index_cast %add3A_463 : i32 to index
        %swap3A_481 = tpu.vector_load %swap3A_479[%swap3A_480] {strides = array<i32>} : memref<16384xf32, #tpu.memory_space<vmem>>, vector<16xf32>,
        %swap3A_482 = vector.shape_cast %swap3A_481 : vector<16xf32> to vector<16xf32>
        %swap3A_483 = vector.shape_cast %add3A_476 : vector<16xf32> to vector<16xf32>
        tpu.vector_store %swap3A_479[%swap3A_480], %swap3A_483 {strides = array<i32>} : memref<16384xf32, #tpu.memory_space<vmem>>, vector<16xf32>,
        %add3A_484 = arith.constant 112 : i32
        %add3A_485 = arith.addi %mul3A_331, %add3A_484 : i32
        %get3A_486 = arith.constant 0 : i32
        %get3A_487 = tpu.memref_slice %arg5[%scan3A_302, %get3A_486] : memref<2x16384xf32, #tpu.memory_space<vmem>> -> memref<1x16384xf32, #tpu.memory_space<vmem>>
        %get3A_488 = tpu.memref_squeeze %get3A_487 : memref<1x16384xf32, #tpu.memory_space<vmem>> -> memref<16384xf32, #tpu.memory_space<vmem>>
        %get3A_489 = arith.index_cast %add3A_485 : i32 to index
        %get3A_490 = tpu.vector_load %get3A_488[%get3A_489] {strides = array<i32>} : memref<16384xf32, #tpu.memory_space<vmem>>, vector<16xf32>,
        %get3A_491 = vector.shape_cast %get3A_490 : vector<16xf32> to vector<16xf32>
        %get3A_492 = arith.constant 0 : i32
        %get3A_493 = tpu.memref_slice %arg6[%scan3A_303, %get3A_492] : memref<2x16384xf32, #tpu.memory_space<vmem>> -> memref<1x16384xf32, #tpu.memory_space<vmem>>
        %get3A_494 = tpu.memref_squeeze %get3A_493 : memref<1x16384xf32, #tpu.memory_space<vmem>> -> memref<16384xf32, #tpu.memory_space<vmem>>
        %get3A_495 = arith.index_cast %add3A_485 : i32 to index
        %get3A_496 = tpu.vector_load %get3A_494[%get3A_495] {strides = array<i32>} : memref<16384xf32, #tpu.memory_space<vmem>>, vector<16xf32>,
        %get3A_497 = vector.shape_cast %get3A_496 : vector<16xf32> to vector<16xf32>
        %add3A_498 = arith.addf %get3A_491, %get3A_497 : vector<16xf32>
        %swap3A_499 = arith.constant 0 : i32
        %swap3A_500 = tpu.memref_slice %arg7[%scan3A_304, %swap3A_499] : memref<2x16384xf32, #tpu.memory_space<vmem>> -> memref<1x16384xf32, #tpu.memory_space<vmem>>
        %swap3A_501 = tpu.memref_squeeze %swap3A_500 : memref<1x16384xf32, #tpu.memory_space<vmem>> -> memref<16384xf32, #tpu.memory_space<vmem>>
        %swap3A_502 = arith.index_cast %add3A_485 : i32 to index
        %swap3A_503 = tpu.vector_load %swap3A_501[%swap3A_502] {strides = array<i32>} : memref<16384xf32, #tpu.memory_space<vmem>>, vector<16xf32>,
        %swap3A_504 = vector.shape_cast %swap3A_503 : vector<16xf32> to vector<16xf32>
        %swap3A_505 = vector.shape_cast %add3A_498 : vector<16xf32> to vector<16xf32>
        tpu.vector_store %swap3A_501[%swap3A_502], %swap3A_505 {strides = array<i32>} : memref<16384xf32, #tpu.memory_space<vmem>>, vector<16xf32>,
        %add3A_506 = arith.constant 128 : i32
        %add3A_507 = arith.addi %mul3A_331, %add3A_506 : i32
        %get3A_508 = arith.constant 0 : i32
        %get3A_509 = tpu.memref_slice %arg5[%scan3A_302, %get3A_508] : memref<2x16384xf32, #tpu.memory_space<vmem>> -> memref<1x16384xf32, #tpu.memory_space<vmem>>
        %get3A_510 = tpu.memref_squeeze %get3A_509 : memref<1x16384xf32, #tpu.memory_space<vmem>> -> memref<16384xf32, #tpu.memory_space<vmem>>
        %get3A_511 = arith.index_cast %add3A_507 : i32 to index
        %get3A_512 = tpu.vector_load %get3A_510[%get3A_511] {strides = array<i32>} : memref<16384xf32, #tpu.memory_space<vmem>>, vector<16xf32>,
        %get3A_513 = vector.shape_cast %get3A_512 : vector<16xf32> to vector<16xf32>
        %get3A_514 = arith.constant 0 : i32
        %get3A_515 = tpu.memref_slice %arg6[%scan3A_303, %get3A_514] : memref<2x16384xf32, #tpu.memory_space<vmem>> -> memref<1x16384xf32, #tpu.memory_space<vmem>>
        %get3A_516 = tpu.memref_squeeze %get3A_515 : memref<1x16384xf32, #tpu.memory_space<vmem>> -> memref<16384xf32, #tpu.memory_space<vmem>>
        %get3A_517 = arith.index_cast %add3A_507 : i32 to index
        %get3A_518 = tpu.vector_load %get3A_516[%get3A_517] {strides = array<i32>} : memref<16384xf32, #tpu.memory_space<vmem>>, vector<16xf32>,
        %get3A_519 = vector.shape_cast %get3A_518 : vector<16xf32> to vector<16xf32>
        %add3A_520 = arith.addf %get3A_513, %get3A_519 : vector<16xf32>
        %swap3A_521 = arith.constant 0 : i32
        %swap3A_522 = tpu.memref_slice %arg7[%scan3A_304, %swap3A_521] : memref<2x16384xf32, #tpu.memory_space<vmem>> -> memref<1x16384xf32, #tpu.memory_space<vmem>>
        %swap3A_523 = tpu.memref_squeeze %swap3A_522 : memref<1x16384xf32, #tpu.memory_space<vmem>> -> memref<16384xf32, #tpu.memory_space<vmem>>
        %swap3A_524 = arith.index_cast %add3A_507 : i32 to index
        %swap3A_525 = tpu.vector_load %swap3A_523[%swap3A_524] {strides = array<i32>} : memref<16384xf32, #tpu.memory_space<vmem>>, vector<16xf32>,
        %swap3A_526 = vector.shape_cast %swap3A_525 : vector<16xf32> to vector<16xf32>
        %swap3A_527 = vector.shape_cast %add3A_520 : vector<16xf32> to vector<16xf32>
        tpu.vector_store %swap3A_523[%swap3A_524], %swap3A_527 {strides = array<i32>} : memref<16384xf32, #tpu.memory_space<vmem>>, vector<16xf32>,
        %add3A_528 = arith.constant 144 : i32
        %add3A_529 = arith.addi %mul3A_331, %add3A_528 : i32
        %get3A_530 = arith.constant 0 : i32
        %get3A_531 = tpu.memref_slice %arg5[%scan3A_302, %get3A_530] : memref<2x16384xf32, #tpu.memory_space<vmem>> -> memref<1x16384xf32, #tpu.memory_space<vmem>>
        %get3A_532 = tpu.memref_squeeze %get3A_531 : memref<1x16384xf32, #tpu.memory_space<vmem>> -> memref<16384xf32, #tpu.memory_space<vmem>>
        %get3A_533 = arith.index_cast %add3A_529 : i32 to index
        %get3A_534 = tpu.vector_load %get3A_532[%get3A_533] {strides = array<i32>} : memref<16384xf32, #tpu.memory_space<vmem>>, vector<16xf32>,
        %get3A_535 = vector.shape_cast %get3A_534 : vector<16xf32> to vector<16xf32>
        %get3A_536 = arith.constant 0 : i32
        %get3A_537 = tpu.memref_slice %arg6[%scan3A_303, %get3A_536] : memref<2x16384xf32, #tpu.memory_space<vmem>> -> memref<1x16384xf32, #tpu.memory_space<vmem>>
        %get3A_538 = tpu.memref_squeeze %get3A_537 : memref<1x16384xf32, #tpu.memory_space<vmem>> -> memref<16384xf32, #tpu.memory_space<vmem>>
        %get3A_539 = arith.index_cast %add3A_529 : i32 to index
        %get3A_540 = tpu.vector_load %get3A_538[%get3A_539] {strides = array<i32>} : memref<16384xf32, #tpu.memory_space<vmem>>, vector<16xf32>,
        %get3A_541 = vector.shape_cast %get3A_540 : vector<16xf32> to vector<16xf32>
        %add3A_542 = arith.addf %get3A_535, %get3A_541 : vector<16xf32>
        %swap3A_543 = arith.constant 0 : i32
        %swap3A_544 = tpu.memref_slice %arg7[%scan3A_304, %swap3A_543] : memref<2x16384xf32, #tpu.memory_space<vmem>> -> memref<1x16384xf32, #tpu.memory_space<vmem>>
        %swap3A_545 = tpu.memref_squeeze %swap3A_544 : memref<1x16384xf32, #tpu.memory_space<vmem>> -> memref<16384xf32, #tpu.memory_space<vmem>>
        %swap3A_546 = arith.index_cast %add3A_529 : i32 to index
        %swap3A_547 = tpu.vector_load %swap3A_545[%swap3A_546] {strides = array<i32>} : memref<16384xf32, #tpu.memory_space<vmem>>, vector<16xf32>,
        %swap3A_548 = vector.shape_cast %swap3A_547 : vector<16xf32> to vector<16xf32>
        %swap3A_549 = vector.shape_cast %add3A_542 : vector<16xf32> to vector<16xf32>
        tpu.vector_store %swap3A_545[%swap3A_546], %swap3A_549 {strides = array<i32>} : memref<16384xf32, #tpu.memory_space<vmem>>, vector<16xf32>,
        %add3A_550 = arith.constant 160 : i32
        %add3A_551 = arith.addi %mul3A_331, %add3A_550 : i32
        %get3A_552 = arith.constant 0 : i32
        %get3A_553 = tpu.memref_slice %arg5[%scan3A_302, %get3A_552] : memref<2x16384xf32, #tpu.memory_space<vmem>> -> memref<1x16384xf32, #tpu.memory_space<vmem>>
        %get3A_554 = tpu.memref_squeeze %get3A_553 : memref<1x16384xf32, #tpu.memory_space<vmem>> -> memref<16384xf32, #tpu.memory_space<vmem>>
        %get3A_555 = arith.index_cast %add3A_551 : i32 to index
        %get3A_556 = tpu.vector_load %get3A_554[%get3A_555] {strides = array<i32>} : memref<16384xf32, #tpu.memory_space<vmem>>, vector<16xf32>,
        %get3A_557 = vector.shape_cast %get3A_556 : vector<16xf32> to vector<16xf32>
        %get3A_558 = arith.constant 0 : i32
        %get3A_559 = tpu.memref_slice %arg6[%scan3A_303, %get3A_558] : memref<2x16384xf32, #tpu.memory_space<vmem>> -> memref<1x16384xf32, #tpu.memory_space<vmem>>
        %get3A_560 = tpu.memref_squeeze %get3A_559 : memref<1x16384xf32, #tpu.memory_space<vmem>> -> memref<16384xf32, #tpu.memory_space<vmem>>
        %get3A_561 = arith.index_cast %add3A_551 : i32 to index
        %get3A_562 = tpu.vector_load %get3A_560[%get3A_561] {strides = array<i32>} : memref<16384xf32, #tpu.memory_space<vmem>>, vector<16xf32>,
        %get3A_563 = vector.shape_cast %get3A_562 : vector<16xf32> to vector<16xf32>
        %add3A_564 = arith.addf %get3A_557, %get3A_563 : vector<16xf32>
        %swap3A_565 = arith.constant 0 : i32
        %swap3A_566 = tpu.memref_slice %arg7[%scan3A_304, %swap3A_565] : memref<2x16384xf32, #tpu.memory_space<vmem>> -> memref<1x16384xf32, #tpu.memory_space<vmem>>
        %swap3A_567 = tpu.memref_squeeze %swap3A_566 : memref<1x16384xf32, #tpu.memory_space<vmem>> -> memref<16384xf32, #tpu.memory_space<vmem>>
        %swap3A_568 = arith.index_cast %add3A_551 : i32 to index
        %swap3A_569 = tpu.vector_load %swap3A_567[%swap3A_568] {strides = array<i32>} : memref<16384xf32, #tpu.memory_space<vmem>>, vector<16xf32>,
        %swap3A_570 = vector.shape_cast %swap3A_569 : vector<16xf32> to vector<16xf32>
        %swap3A_571 = vector.shape_cast %add3A_564 : vector<16xf32> to vector<16xf32>
        tpu.vector_store %swap3A_567[%swap3A_568], %swap3A_571 {strides = array<i32>} : memref<16384xf32, #tpu.memory_space<vmem>>, vector<16xf32>,
        %add3A_572 = arith.constant 176 : i32
        %add3A_573 = arith.addi %mul3A_331, %add3A_572 : i32
        %get3A_574 = arith.constant 0 : i32
        %get3A_575 = tpu.memref_slice %arg5[%scan3A_302, %get3A_574] : memref<2x16384xf32, #tpu.memory_space<vmem>> -> memref<1x16384xf32, #tpu.memory_space<vmem>>
        %get3A_576 = tpu.memref_squeeze %get3A_575 : memref<1x16384xf32, #tpu.memory_space<vmem>> -> memref<16384xf32, #tpu.memory_space<vmem>>
        %get3A_577 = arith.index_cast %add3A_573 : i32 to index
        %get3A_578 = tpu.vector_load %get3A_576[%get3A_577] {strides = array<i32>} : memref<16384xf32, #tpu.memory_space<vmem>>, vector<16xf32>,
        %get3A_579 = vector.shape_cast %get3A_578 : vector<16xf32> to vector<16xf32>
        %get3A_580 = arith.constant 0 : i32
        %get3A_581 = tpu.memref_slice %arg6[%scan3A_303, %get3A_580] : memref<2x16384xf32, #tpu.memory_space<vmem>> -> memref<1x16384xf32, #tpu.memory_space<vmem>>
        %get3A_582 = tpu.memref_squeeze %get3A_581 : memref<1x16384xf32, #tpu.memory_space<vmem>> -> memref<16384xf32, #tpu.memory_space<vmem>>
        %get3A_583 = arith.index_cast %add3A_573 : i32 to index
        %get3A_584 = tpu.vector_load %get3A_582[%get3A_583] {strides = array<i32>} : memref<16384xf32, #tpu.memory_space<vmem>>, vector<16xf32>,
        %get3A_585 = vector.shape_cast %get3A_584 : vector<16xf32> to vector<16xf32>
        %add3A_586 = arith.addf %get3A_579, %get3A_585 : vector<16xf32>
        %swap3A_587 = arith.constant 0 : i32
        %swap3A_588 = tpu.memref_slice %arg7[%scan3A_304, %swap3A_587] : memref<2x16384xf32, #tpu.memory_space<vmem>> -> memref<1x16384xf32, #tpu.memory_space<vmem>>
        %swap3A_589 = tpu.memref_squeeze %swap3A_588 : memref<1x16384xf32, #tpu.memory_space<vmem>> -> memref<16384xf32, #tpu.memory_space<vmem>>
        %swap3A_590 = arith.index_cast %add3A_573 : i32 to index
        %swap3A_591 = tpu.vector_load %swap3A_589[%swap3A_590] {strides = array<i32>} : memref<16384xf32, #tpu.memory_space<vmem>>, vector<16xf32>,
        %swap3A_592 = vector.shape_cast %swap3A_591 : vector<16xf32> to vector<16xf32>
        %swap3A_593 = vector.shape_cast %add3A_586 : vector<16xf32> to vector<16xf32>
        tpu.vector_store %swap3A_589[%swap3A_590], %swap3A_593 {strides = array<i32>} : memref<16384xf32, #tpu.memory_space<vmem>>, vector<16xf32>,
        %add3A_594 = arith.constant 192 : i32
        %add3A_595 = arith.addi %mul3A_331, %add3A_594 : i32
        %get3A_596 = arith.constant 0 : i32
        %get3A_597 = tpu.memref_slice %arg5[%scan3A_302, %get3A_596] : memref<2x16384xf32, #tpu.memory_space<vmem>> -> memref<1x16384xf32, #tpu.memory_space<vmem>>
        %get3A_598 = tpu.memref_squeeze %get3A_597 : memref<1x16384xf32, #tpu.memory_space<vmem>> -> memref<16384xf32, #tpu.memory_space<vmem>>
        %get3A_599 = arith.index_cast %add3A_595 : i32 to index
        %get3A_600 = tpu.vector_load %get3A_598[%get3A_599] {strides = array<i32>} : memref<16384xf32, #tpu.memory_space<vmem>>, vector<16xf32>,
        %get3A_601 = vector.shape_cast %get3A_600 : vector<16xf32> to vector<16xf32>
        %get3A_602 = arith.constant 0 : i32
        %get3A_603 = tpu.memref_slice %arg6[%scan3A_303, %get3A_602] : memref<2x16384xf32, #tpu.memory_space<vmem>> -> memref<1x16384xf32, #tpu.memory_space<vmem>>
        %get3A_604 = tpu.memref_squeeze %get3A_603 : memref<1x16384xf32, #tpu.memory_space<vmem>> -> memref<16384xf32, #tpu.memory_space<vmem>>
        %get3A_605 = arith.index_cast %add3A_595 : i32 to index
        %get3A_606 = tpu.vector_load %get3A_604[%get3A_605] {strides = array<i32>} : memref<16384xf32, #tpu.memory_space<vmem>>, vector<16xf32>,
        %get3A_607 = vector.shape_cast %get3A_606 : vector<16xf32> to vector<16xf32>
        %add3A_608 = arith.addf %get3A_601, %get3A_607 : vector<16xf32>
        %swap3A_609 = arith.constant 0 : i32
        %swap3A_610 = tpu.memref_slice %arg7[%scan3A_304, %swap3A_609] : memref<2x16384xf32, #tpu.memory_space<vmem>> -> memref<1x16384xf32, #tpu.memory_space<vmem>>
        %swap3A_611 = tpu.memref_squeeze %swap3A_610 : memref<1x16384xf32, #tpu.memory_space<vmem>> -> memref<16384xf32, #tpu.memory_space<vmem>>
        %swap3A_612 = arith.index_cast %add3A_595 : i32 to index
        %swap3A_613 = tpu.vector_load %swap3A_611[%swap3A_612] {strides = array<i32>} : memref<16384xf32, #tpu.memory_space<vmem>>, vector<16xf32>,
        %swap3A_614 = vector.shape_cast %swap3A_613 : vector<16xf32> to vector<16xf32>
        %swap3A_615 = vector.shape_cast %add3A_608 : vector<16xf32> to vector<16xf32>
        tpu.vector_store %swap3A_611[%swap3A_612], %swap3A_615 {strides = array<i32>} : memref<16384xf32, #tpu.memory_space<vmem>>, vector<16xf32>,
        %add3A_616 = arith.constant 208 : i32
        %add3A_617 = arith.addi %mul3A_331, %add3A_616 : i32
        %get3A_618 = arith.constant 0 : i32
        %get3A_619 = tpu.memref_slice %arg5[%scan3A_302, %get3A_618] : memref<2x16384xf32, #tpu.memory_space<vmem>> -> memref<1x16384xf32, #tpu.memory_space<vmem>>
        %get3A_620 = tpu.memref_squeeze %get3A_619 : memref<1x16384xf32, #tpu.memory_space<vmem>> -> memref<16384xf32, #tpu.memory_space<vmem>>
        %get3A_621 = arith.index_cast %add3A_617 : i32 to index
        %get3A_622 = tpu.vector_load %get3A_620[%get3A_621] {strides = array<i32>} : memref<16384xf32, #tpu.memory_space<vmem>>, vector<16xf32>,
        %get3A_623 = vector.shape_cast %get3A_622 : vector<16xf32> to vector<16xf32>
        %get3A_624 = arith.constant 0 : i32
        %get3A_625 = tpu.memref_slice %arg6[%scan3A_303, %get3A_624] : memref<2x16384xf32, #tpu.memory_space<vmem>> -> memref<1x16384xf32, #tpu.memory_space<vmem>>
        %get3A_626 = tpu.memref_squeeze %get3A_625 : memref<1x16384xf32, #tpu.memory_space<vmem>> -> memref<16384xf32, #tpu.memory_space<vmem>>
        %get3A_627 = arith.index_cast %add3A_617 : i32 to index
        %get3A_628 = tpu.vector_load %get3A_626[%get3A_627] {strides = array<i32>} : memref<16384xf32, #tpu.memory_space<vmem>>, vector<16xf32>,
        %get3A_629 = vector.shape_cast %get3A_628 : vector<16xf32> to vector<16xf32>
        %add3A_630 = arith.addf %get3A_623, %get3A_629 : vector<16xf32>
        %swap3A_631 = arith.constant 0 : i32
        %swap3A_632 = tpu.memref_slice %arg7[%scan3A_304, %swap3A_631] : memref<2x16384xf32, #tpu.memory_space<vmem>> -> memref<1x16384xf32, #tpu.memory_space<vmem>>
        %swap3A_633 = tpu.memref_squeeze %swap3A_632 : memref<1x16384xf32, #tpu.memory_space<vmem>> -> memref<16384xf32, #tpu.memory_space<vmem>>
        %swap3A_634 = arith.index_cast %add3A_617 : i32 to index
        %swap3A_635 = tpu.vector_load %swap3A_633[%swap3A_634] {strides = array<i32>} : memref<16384xf32, #tpu.memory_space<vmem>>, vector<16xf32>,
        %swap3A_636 = vector.shape_cast %swap3A_635 : vector<16xf32> to vector<16xf32>
        %swap3A_637 = vector.shape_cast %add3A_630 : vector<16xf32> to vector<16xf32>
        tpu.vector_store %swap3A_633[%swap3A_634], %swap3A_637 {strides = array<i32>} : memref<16384xf32, #tpu.memory_space<vmem>>, vector<16xf32>,
        %add3A_638 = arith.constant 224 : i32
        %add3A_639 = arith.addi %mul3A_331, %add3A_638 : i32
        %get3A_640 = arith.constant 0 : i32
        %get3A_641 = tpu.memref_slice %arg5[%scan3A_302, %get3A_640] : memref<2x16384xf32, #tpu.memory_space<vmem>> -> memref<1x16384xf32, #tpu.memory_space<vmem>>
        %get3A_642 = tpu.memref_squeeze %get3A_641 : memref<1x16384xf32, #tpu.memory_space<vmem>> -> memref<16384xf32, #tpu.memory_space<vmem>>
        %get3A_643 = arith.index_cast %add3A_639 : i32 to index
        %get3A_644 = tpu.vector_load %get3A_642[%get3A_643] {strides = array<i32>} : memref<16384xf32, #tpu.memory_space<vmem>>, vector<16xf32>,
        %get3A_645 = vector.shape_cast %get3A_644 : vector<16xf32> to vector<16xf32>
        %get3A_646 = arith.constant 0 : i32
        %get3A_647 = tpu.memref_slice %arg6[%scan3A_303, %get3A_646] : memref<2x16384xf32, #tpu.memory_space<vmem>> -> memref<1x16384xf32, #tpu.memory_space<vmem>>
        %get3A_648 = tpu.memref_squeeze %get3A_647 : memref<1x16384xf32, #tpu.memory_space<vmem>> -> memref<16384xf32, #tpu.memory_space<vmem>>
        %get3A_649 = arith.index_cast %add3A_639 : i32 to index
        %get3A_650 = tpu.vector_load %get3A_648[%get3A_649] {strides = array<i32>} : memref<16384xf32, #tpu.memory_space<vmem>>, vector<16xf32>,
        %get3A_651 = vector.shape_cast %get3A_650 : vector<16xf32> to vector<16xf32>
        %add3A_652 = arith.addf %get3A_645, %get3A_651 : vector<16xf32>
        %swap3A_653 = arith.constant 0 : i32
        %swap3A_654 = tpu.memref_slice %arg7[%scan3A_304, %swap3A_653] : memref<2x16384xf32, #tpu.memory_space<vmem>> -> memref<1x16384xf32, #tpu.memory_space<vmem>>
        %swap3A_655 = tpu.memref_squeeze %swap3A_654 : memref<1x16384xf32, #tpu.memory_space<vmem>> -> memref<16384xf32, #tpu.memory_space<vmem>>
        %swap3A_656 = arith.index_cast %add3A_639 : i32 to index
        %swap3A_657 = tpu.vector_load %swap3A_655[%swap3A_656] {strides = array<i32>} : memref<16384xf32, #tpu.memory_space<vmem>>, vector<16xf32>,
        %swap3A_658 = vector.shape_cast %swap3A_657 : vector<16xf32> to vector<16xf32>
        %swap3A_659 = vector.shape_cast %add3A_652 : vector<16xf32> to vector<16xf32>
        tpu.vector_store %swap3A_655[%swap3A_656], %swap3A_659 {strides = array<i32>} : memref<16384xf32, #tpu.memory_space<vmem>>, vector<16xf32>,
        %add3A_660 = arith.constant 240 : i32
        %add3A_661 = arith.addi %mul3A_331, %add3A_660 : i32
        %get3A_662 = arith.constant 0 : i32
        %get3A_663 = tpu.memref_slice %arg5[%scan3A_302, %get3A_662] : memref<2x16384xf32, #tpu.memory_space<vmem>> -> memref<1x16384xf32, #tpu.memory_space<vmem>>
        %get3A_664 = tpu.memref_squeeze %get3A_663 : memref<1x16384xf32, #tpu.memory_space<vmem>> -> memref<16384xf32, #tpu.memory_space<vmem>>
        %get3A_665 = arith.index_cast %add3A_661 : i32 to index
        %get3A_666 = tpu.vector_load %get3A_664[%get3A_665] {strides = array<i32>} : memref<16384xf32, #tpu.memory_space<vmem>>, vector<16xf32>,
        %get3A_667 = vector.shape_cast %get3A_666 : vector<16xf32> to vector<16xf32>
        %get3A_668 = arith.constant 0 : i32
        %get3A_669 = tpu.memref_slice %arg6[%scan3A_303, %get3A_668] : memref<2x16384xf32, #tpu.memory_space<vmem>> -> memref<1x16384xf32, #tpu.memory_space<vmem>>
        %get3A_670 = tpu.memref_squeeze %get3A_669 : memref<1x16384xf32, #tpu.memory_space<vmem>> -> memref<16384xf32, #tpu.memory_space<vmem>>
        %get3A_671 = arith.index_cast %add3A_661 : i32 to index
        %get3A_672 = tpu.vector_load %get3A_670[%get3A_671] {strides = array<i32>} : memref<16384xf32, #tpu.memory_space<vmem>>, vector<16xf32>,
        %get3A_673 = vector.shape_cast %get3A_672 : vector<16xf32> to vector<16xf32>
        %add3A_674 = arith.addf %get3A_667, %get3A_673 : vector<16xf32>
        %swap3A_675 = arith.constant 0 : i32
        %swap3A_676 = tpu.memref_slice %arg7[%scan3A_304, %swap3A_675] : memref<2x16384xf32, #tpu.memory_space<vmem>> -> memref<1x16384xf32, #tpu.memory_space<vmem>>
        %swap3A_677 = tpu.memref_squeeze %swap3A_676 : memref<1x16384xf32, #tpu.memory_space<vmem>> -> memref<16384xf32, #tpu.memory_space<vmem>>
        %swap3A_678 = arith.index_cast %add3A_661 : i32 to index
        %swap3A_679 = tpu.vector_load %swap3A_677[%swap3A_678] {strides = array<i32>} : memref<16384xf32, #tpu.memory_space<vmem>>, vector<16xf32>,
        %swap3A_680 = vector.shape_cast %swap3A_679 : vector<16xf32> to vector<16xf32>
        %swap3A_681 = vector.shape_cast %add3A_674 : vector<16xf32> to vector<16xf32>
        tpu.vector_store %swap3A_677[%swap3A_678], %swap3A_681 {strides = array<i32>} : memref<16384xf32, #tpu.memory_space<vmem>>, vector<16xf32>,
      }
      %scan3A_309 = arith.constant 64 : i32
      %mul3A_310 = arith.constant 16384 : i32
      %mul3A_311 = arith.muli %add3A_267, %mul3A_310 : i32
      %add3A_312 = arith.addi %mul3A_2, %mul3A_311 : i32
      %dma_start3A_313 = arith.constant 1 : i32
      %dma_start3A_314 = arith.constant 0 : i32
      %dma_start3A_315 = tpu.memref_slice %arg7[%dma_start3A_313, %dma_start3A_314] : memref<2x16384xf32, #tpu.memory_space<vmem>> -> memref<1x16384xf32, #tpu.memory_space<vmem>>
      %dma_start3A_316 = tpu.memref_squeeze %dma_start3A_315 : memref<1x16384xf32, #tpu.memory_space<vmem>> -> memref<16384xf32, #tpu.memory_space<vmem>>
      %dma_start3A_317 = tpu.memref_slice %arg4[%add3A_312] : memref<33554432xf32, #tpu.memory_space<hbm>> -> memref<16384xf32, #tpu.memory_space<hbm>>
      %dma_start3A_318 = tpu.memref_slice %arg4[%add3A_312] : memref<33554432xf32, #tpu.memory_space<hbm>> -> memref<16384xf32, #tpu.memory_space<hbm>>
      %dma_start3A_319 = arith.constant 0 : i32
      %dma_start3A_320 = tpu.memref_slice %arg7[%dma_start3A_313, %dma_start3A_319] : memref<2x16384xf32, #tpu.memory_space<vmem>> -> memref<1x16384xf32, #tpu.memory_space<vmem>>
      %dma_start3A_321 = tpu.memref_squeeze %dma_start3A_320 : memref<1x16384xf32, #tpu.memory_space<vmem>> -> memref<16384xf32, #tpu.memory_space<vmem>>
      tpu.enqueue_dma source(%dma_start3A_321 : memref<16384xf32, #tpu.memory_space<vmem>>) target(%dma_start3A_318 : memref<16384xf32, #tpu.memory_space<hbm>>) target_semaphore(%arg13 : memref<!tpu.dma_semaphore, #tpu.memory_space<semaphore_mem>>)
      %add3A_322 = arith.constant 2 : i32
      %add3A_323 = arith.addi %add3A_267, %add3A_322 : i32
      %lt3A_324 = arith.constant 64 : i32
      %lt3A_325 = arith.cmpi slt, %add3A_323, %lt3A_324 : i32
      %convert_element_type3A_326 = arith.extui %lt3A_325 : i1 to i32
      %cond3A_327 = arith.constant 0 : i32
      %cond3A_328 = arith.cmpi ne, %convert_element_type3A_326, %cond3A_327 : i32
      scf.if %cond3A_328 {
        %add3A_329 = arith.constant 2 : i32
        %add3A_330 = arith.addi %add3A_267, %add3A_329 : i32
        %mul3A_331 = arith.constant 16384 : i32
        %mul3A_332 = arith.muli %add3A_330, %mul3A_331 : i32
        %add3A_333 = arith.addi %mul3A_2, %mul3A_332 : i32
        %dma_start3A_334 = arith.constant 1 : i32
        %dma_start3A_335 = arith.constant 0 : i32
        %dma_start3A_336 = tpu.memref_slice %arg5[%dma_start3A_334, %dma_start3A_335] : memref<2x16384xf32, #tpu.memory_space<vmem>> -> memref<1x16384xf32, #tpu.memory_space<vmem>>
        %dma_start3A_337 = tpu.memref_squeeze %dma_start3A_336 : memref<1x16384xf32, #tpu.memory_space<vmem>> -> memref<16384xf32, #tpu.memory_space<vmem>>
        %dma_start3A_338 = tpu.memref_slice %arg2[%add3A_333] : memref<33554432xf32, #tpu.memory_space<hbm>> -> memref<16384xf32, #tpu.memory_space<hbm>>
        %dma_start3A_339 = arith.constant 0 : i32
        %dma_start3A_340 = tpu.memref_slice %arg5[%dma_start3A_334, %dma_start3A_339] : memref<2x16384xf32, #tpu.memory_space<vmem>> -> memref<1x16384xf32, #tpu.memory_space<vmem>>
        %dma_start3A_341 = tpu.memref_squeeze %dma_start3A_340 : memref<1x16384xf32, #tpu.memory_space<vmem>> -> memref<16384xf32, #tpu.memory_space<vmem>>
        %dma_start3A_342 = tpu.memref_slice %arg2[%add3A_333] : memref<33554432xf32, #tpu.memory_space<hbm>> -> memref<16384xf32, #tpu.memory_space<hbm>>
        tpu.enqueue_dma source(%dma_start3A_342 : memref<16384xf32, #tpu.memory_space<hbm>>) target(%dma_start3A_341 : memref<16384xf32, #tpu.memory_space<vmem>>) target_semaphore(%arg9 : memref<!tpu.dma_semaphore, #tpu.memory_space<semaphore_mem>>)
        %add3A_343 = arith.addi %rem3A_3, %mul3A_332 : i32
        %dma_start3A_344 = arith.constant 1 : i32
        %dma_start3A_345 = arith.constant 0 : i32
        %dma_start3A_346 = tpu.memref_slice %arg6[%dma_start3A_344, %dma_start3A_345] : memref<2x16384xf32, #tpu.memory_space<vmem>> -> memref<1x16384xf32, #tpu.memory_space<vmem>>
        %dma_start3A_347 = tpu.memref_squeeze %dma_start3A_346 : memref<1x16384xf32, #tpu.memory_space<vmem>> -> memref<16384xf32, #tpu.memory_space<vmem>>
        %dma_start3A_348 = tpu.memref_slice %arg3[%add3A_343] : memref<8388608xf32, #tpu.memory_space<hbm>> -> memref<16384xf32, #tpu.memory_space<hbm>>
        %dma_start3A_349 = arith.constant 0 : i32
        %dma_start3A_350 = tpu.memref_slice %arg6[%dma_start3A_344, %dma_start3A_349] : memref<2x16384xf32, #tpu.memory_space<vmem>> -> memref<1x16384xf32, #tpu.memory_space<vmem>>
        %dma_start3A_351 = tpu.memref_squeeze %dma_start3A_350 : memref<1x16384xf32, #tpu.memory_space<vmem>> -> memref<16384xf32, #tpu.memory_space<vmem>>
        %dma_start3A_352 = tpu.memref_slice %arg3[%add3A_343] : memref<8388608xf32, #tpu.memory_space<hbm>> -> memref<16384xf32, #tpu.memory_space<hbm>>
        tpu.enqueue_dma source(%dma_start3A_352 : memref<16384xf32, #tpu.memory_space<hbm>>) target(%dma_start3A_351 : memref<16384xf32, #tpu.memory_space<vmem>>) target_semaphore(%arg11 : memref<!tpu.dma_semaphore, #tpu.memory_space<semaphore_mem>>)
      } else {
      }
    }
    %scan3A_178 = arith.constant 31 : i32
    %dma_wait3A_179 = arith.constant 0 : i32
    %dma_wait3A_180 = arith.constant 0 : i32
    %dma_wait3A_181 = tpu.memref_slice %arg7[%dma_wait3A_179, %dma_wait3A_180] : memref<2x16384xf32, #tpu.memory_space<vmem>> -> memref<1x16384xf32, #tpu.memory_space<vmem>>
    %dma_wait3A_182 = tpu.memref_squeeze %dma_wait3A_181 : memref<1x16384xf32, #tpu.memory_space<vmem>> -> memref<16384xf32, #tpu.memory_space<vmem>>
    %dma_wait3A_183 = arith.constant 0 : i32
    %dma_wait3A_184 = tpu.memref_slice %arg4[%dma_wait3A_183] : memref<33554432xf32, #tpu.memory_space<hbm>> -> memref<16384xf32, #tpu.memory_space<hbm>>
    %dma_wait3A_185 = arith.constant 0 : i32
    %dma_wait3A_186 = tpu.memref_slice %arg4[%dma_wait3A_185] : memref<33554432xf32, #tpu.memory_space<hbm>> -> memref<16384xf32, #tpu.memory_space<hbm>>
    %dma_wait3A_187 = arith.constant 0 : i32
    %dma_wait3A_188 = tpu.memref_slice %arg7[%dma_wait3A_179, %dma_wait3A_187] : memref<2x16384xf32, #tpu.memory_space<vmem>> -> memref<1x16384xf32, #tpu.memory_space<vmem>>
    %dma_wait3A_189 = tpu.memref_squeeze %dma_wait3A_188 : memref<1x16384xf32, #tpu.memory_space<vmem>> -> memref<16384xf32, #tpu.memory_space<vmem>>
    tpu.wait_dma2 semaphore(%arg12 : memref<!tpu.dma_semaphore, #tpu.memory_space<semaphore_mem>>) src(%dma_wait3A_189 : memref<16384xf32, #tpu.memory_space<vmem>>) dst(%dma_wait3A_186 : memref<16384xf32, #tpu.memory_space<hbm>>)
    %dma_wait3A_190 = arith.constant 1 : i32
    %dma_wait3A_191 = arith.constant 0 : i32
    %dma_wait3A_192 = tpu.memref_slice %arg7[%dma_wait3A_190, %dma_wait3A_191] : memref<2x16384xf32, #tpu.memory_space<vmem>> -> memref<1x16384xf32, #tpu.memory_space<vmem>>
    %dma_wait3A_193 = tpu.memref_squeeze %dma_wait3A_192 : memref<1x16384xf32, #tpu.memory_space<vmem>> -> memref<16384xf32, #tpu.memory_space<vmem>>
    %dma_wait3A_194 = arith.constant 0 : i32
    %dma_wait3A_195 = tpu.memref_slice %arg4[%dma_wait3A_194] : memref<33554432xf32, #tpu.memory_space<hbm>> -> memref<16384xf32, #tpu.memory_space<hbm>>
    %dma_wait3A_196 = arith.constant 0 : i32
    %dma_wait3A_197 = tpu.memref_slice %arg4[%dma_wait3A_196] : memref<33554432xf32, #tpu.memory_space<hbm>> -> memref<16384xf32, #tpu.memory_space<hbm>>
    %dma_wait3A_198 = arith.constant 0 : i32
    %dma_wait3A_199 = tpu.memref_slice %arg7[%dma_wait3A_190, %dma_wait3A_198] : memref<2x16384xf32, #tpu.memory_space<vmem>> -> memref<1x16384xf32, #tpu.memory_space<vmem>>
    %dma_wait3A_200 = tpu.memref_squeeze %dma_wait3A_199 : memref<1x16384xf32, #tpu.memory_space<vmem>> -> memref<16384xf32, #tpu.memory_space<vmem>>
    tpu.wait_dma2 semaphore(%arg13 : memref<!tpu.dma_semaphore, #tpu.memory_space<semaphore_mem>>) src(%dma_wait3A_200 : memref<16384xf32, #tpu.memory_space<vmem>>) dst(%dma_wait3A_197 : memref<16384xf32, #tpu.memory_space<hbm>>)
    return
  }
}

</mosaic_0001>

<sc_bundles>
// kernel: kernel.3.cloned.1.call-start
scs
__scs_entry_jumppad:
0x0: {  	(pc) =	sbr.rel $0x88, $3  }
0x1: {  	(tag) =	ssettag $0x0;
	lr =	simm.s32 $0x1  }
0x2: {  	[smem:$0x3F9F] =	sst lr;
	_ =	strace $0xD0000000  }
0x3: {  	_ = 	snop  }
0x4: {  	_ = 	snop  }
0x5: {  	_ = 	snop  }
0x6: {  	_ = 	snop  }
0x7: {  	_ = 	snop  }
__scs_overlays_trampoline_lowered:
0x8: {  	[smem:$0x3FAE] =	sst s0  }
0x9: {  	[smem:$0x3FAF] =	sst s1  }
0xa: {  	[smem:$0x3FB0] =	sst s2  }
0xb: {  	[smem:$0x3FB1] =	sst s3  }
0xc: {  	[smem:$0x3FB2] =	sst s4  }
0xd: {  	[smem:$0x3FB3] =	sst s5  }
0xe: {  	[smem:$0x3FB4] =	sst s6  }
0xf: {  	[smem:$0x3FB5] =	sst s7  }
0x10: {  	[smem:$0x3FB6] =	sst s8  }
0x11: {  	[smem:$0x3FB7] =	sst s9;
	s0 =	simm.s32 @!p0 $0x0  }
0x12: {  	s1 =	sld [smem:$0x3F9D];
	s0 =	simm.s32 @p0 $0x1  }
0x13: {  	[smem:$0x3FB8] =	sst s0;
	s0 =	simm.s32 @!p1 $0x0  }
0x14: {  	s2 =	sld [smem:$0x3F9C];
	s0 =	simm.s32 @p1 $0x1  }
0x15: {  	[smem:$0x3FB9] =	sst s0;
	s0 =	simm.s32 @!p2 $0x0  }
0x16: {  	s3 =	sld [smem:$0x3FDB];
	s0 =	simm.s32 @p2 $0x1  }
0x17: {  	s4 =	simm.s32 $0x1BF5;
	[smem:$0x3FBB] =	sst s0  }
0x18: {  	s0 =	sld [smem:$0x3F9E];
	_ =	swait.ge [sflag:s4], $0x0  }
0x19: {  	s7 =	sld [smem:$0x3F9F]  }
0x1a: {  	s8 =	sadd.s32 $0xFFFFE003, lr  }
0x1b: {  	s9 =	sadd.s32 $0xFFFFFEF7, lr;
	s5 =	simm.s32 $0xFFFFFFFF;
	p2 =	slt.u32 s8, $0xFFFFF086  }
0x1c: {  	p1 =	slt.u32 s9, $0xF7A;
	s5 =	simm.s32 @!p2 $0x0  }
0x1d: {  	s5 =	simm.s32 @p1 $0x1;
	p0 =	seq.s32 s7, s2  }
0x1e: {  	s7 =	smul.u32 @!p0 $0xF7A, s2;
	p2 =	seq.s32 @!p0 s5, $0x0  }
0x1f: {  	s9 =	smul.u32 $0xF7A, s1;
	s8 =	simm.s32 @!p0 $0x1BF5;
	p2 =	por !p2, p0  }
0x20: {  	[sflag:s8] =	ssyncset.s32 @!p0 $0xFFFFF086;
	s6 =	sadd.s32 @!p0 s3, s7;
	s7 =	simm.s32 @!p0 $0x108  }
0x21: {  	s3 =	sadd.s32 s3, s9;
	s6 =	sadd.s32 @!p0 $0x88, s6;
	s7 =	simm.s32 @p2 $0x1082  }
0x22: {  	[simem:s7], [sflag:s8] =	dma.local @!p0 [hbm:s6], $0xF7A  }
0x23: {  	s9 =	sor.u32 $0xD0000000, s2;
	s6 =	simm.s32 $0x108;
	_ =	swait.ge @!p0 [sflag:s8], $0x0  }
0x24: {  	s3 =	sadd.s32 $0x88, s3;
	s6 =	simm.s32 @!p1 $0x1082;
	[sflag:s4] =	ssyncset.s32 $0xFFFFF086  }
0x25: {  	[simem:s6], [sflag:s4] =	dma.local [hbm:s3], $0xF7A  }
0x26: {  	[smem:$0x3F9F] =	sst s1;
	(tag) =	ssettag s2;
	_ =	strace s9  }
0x27: {  	s1 =	sld [smem:$0x3FAF]  }
0x28: {  	s2 =	sld [smem:$0x3FB0]  }
0x29: {  	s4 =	sld [smem:$0x3FB2]  }
0x2a: {  	p0 =	seq.s32 s5, $0x0;
	s5 =	sld [smem:$0x3FB3]  }
0x2b: {  	s6 =	sld [smem:$0x3FB4]  }
0x2c: {  	s7 =	sld [smem:$0x3FB5]  }
0x2d: {  	s3 =	simm.s32 $0x108;
	s8 =	sld [smem:$0x3FB6]  }
0x2e: {  	s3 =	simm.s32 @!p0 $0x1082;
	s9 =	sld [smem:$0x3FB7]  }
0x2f: {  	lr =	sadd.s32 s0, s3;
	s0 =	sld [smem:$0x3FAE]  }
0x30: {  	s3 =	sld [smem:$0x3FB1]  }
0x31: {  	[smem:$0x3FBA] =	sst s10  }
0x32: {  	s10 =	sld [smem:$0x3FB8];
	_ =	sdelay $0x3  }
0x33: {  	p0 =	seq.s32 s10, $0x1;
	s10 =	sld [smem:$0x3FBA];
	_ =	sdelay $0x3  }
0x34: {  	[smem:$0x3FBA] =	sst s10  }
0x35: {  	s10 =	sld [smem:$0x3FB9];
	_ =	sdelay $0x3  }
0x36: {  	p1 =	seq.s32 s10, $0x1;
	s10 =	sld [smem:$0x3FBA];
	_ =	sdelay $0x3  }
0x37: {  	[smem:$0x3FBA] =	sst s10  }
0x38: {  	s10 =	sld [smem:$0x3FBB]  }
0x39: {  	_ = 	snop;
	(pc) =	sbr.ind lr, $3  }
0x3a: {  	_ = 	snop  }
0x3b: {  	_ = 	snop  }
0x3c: {  	p2 =	seq.s32 s10, $0x1;
	s10 =	sld [smem:$0x3FBA]  }
0x3d: {  	_ =	shalt  }
0x3e: {  	_ =	shalt  }
0x3f: {  	_ =	shalt  }
0x40: {  	_ =	shalt  }
0x41: {  	_ =	shalt  }
0x42: {  	_ =	shalt  }
0x43: {  	_ =	shalt  }
0x44: {  	_ =	shalt  }
0x45: {  	_ =	shalt  }
0x46: {  	_ =	shalt  }
0x47: {  	_ =	shalt  }
0x48: {  	_ =	shalt  }
0x49: {  	_ =	shalt  }
0x4a: {  	_ =	shalt  }
0x4b: {  	_ =	shalt  }
0x4c: {  	_ =	shalt  }
0x4d: {  	_ =	shalt  }
0x4e: {  	_ =	shalt  }
0x4f: {  	_ =	shalt  }
0x50: {  	_ =	shalt  }
0x51: {  	_ =	shalt  }
0x52: {  	_ =	shalt  }
0x53: {  	_ =	shalt  }
0x54: {  	_ =	shalt  }
0x55: {  	_ =	shalt  }
0x56: {  	_ =	shalt  }
0x57: {  	_ =	shalt  }
0x58: {  	_ =	shalt  }
0x59: {  	_ =	shalt  }
0x5a: {  	_ =	shalt  }
0x5b: {  	_ =	shalt  }
0x5c: {  	_ =	shalt  }
0x5d: {  	_ =	shalt  }
0x5e: {  	_ =	shalt  }
0x5f: {  	_ =	shalt  }
0x60: {  	_ =	shalt  }
0x61: {  	_ =	shalt  }
0x62: {  	_ =	shalt  }
0x63: {  	_ =	shalt  }
0x64: {  	_ =	shalt  }
0x65: {  	_ =	shalt  }
0x66: {  	_ =	shalt  }
0x67: {  	_ =	shalt  }
0x68: {  	_ =	shalt  }
0x69: {  	_ =	shalt  }
0x6a: {  	_ =	shalt  }
0x6b: {  	_ =	shalt  }
0x6c: {  	_ =	shalt  }
0x6d: {  	_ =	shalt  }
0x6e: {  	_ =	shalt  }
0x6f: {  	_ =	shalt  }
0x70: {  	_ =	shalt  }
0x71: {  	_ =	shalt  }
0x72: {  	_ =	shalt  }
0x73: {  	_ =	shalt  }
0x74: {  	_ =	shalt  }
0x75: {  	_ =	shalt  }
0x76: {  	_ =	shalt  }
0x77: {  	_ =	shalt  }
0x78: {  	_ =	shalt  }
0x79: {  	_ =	shalt  }
0x7a: {  	_ =	shalt  }
0x7b: {  	_ =	shalt  }
0x7c: {  	_ =	shalt  }
0x7d: {  	_ =	shalt  }
0x7e: {  	_ =	shalt  }
0x7f: {  	_ =	shalt  }
0x80: {  	_ =	shalt  }
0x81: {  	_ =	shalt  }
0x82: {  	_ =	shalt  }
0x83: {  	_ =	shalt  }
0x84: {  	_ =	shalt  }
0x85: {  	_ =	shalt  }
0x86: {  	_ =	shalt  }
0x87: {  	_ =	shalt  }
.Lfunc_end0:
.L_simem_size_0:
called_computation.2_lowered:
.L_overlay_start_0:
0x88: {  	s2 =	sld [smem:$0x3FD9]  }
0x89: {  	s3 =	sld [smem:$0x3FFE];
	_ =	sdelay $0x1  }
0x8a: {  	s1 =	srdreg.scid  }
0x8b: {  	s0 =	sand.u32 $0x1, s1  }
0x8c: {  	s17 =	sshll.u32 s0, $0xA;
	s2 =	sadd.s32 s3, s2  }
0x8d: {  	s2 =	sadd.s32 s2, s17  }
0x8e: {  	[smem:$0x3FC6] =	sst s2  }
0x8f: {  	_ = 	snop  }
0x90: {  	s2 =	sld [smem:$0x3FD0];
	(tm) =	ssettm $0x1  }
0x91: {  	s18 =	sld [smem:$0x3FFB];
	_ =	sdelay $0x3  }
0x92: {  	_ =	strace s18  }
0x93: {  	s3 =	sld [smem:$0x3FFC];
	_ =	sdelay $0x3  }
0x94: {  	_ =	strace s3  }
0x95: {  	s3 =	sld [smem:$0x3FFD];
	_ =	sdelay $0x3  }
0x96: {  	_ =	strace s3  }
0x97: {  	_ =	strace $0x8FFFFFFF  }
0x98: {  	s19 =	sld [smem:$0x3FDB];
	_ =	sdelay $0x1  }
0x99: {  	s4 =	simm.s32 $_scs_section_size  }
0x9a: {  	s5 =	simm.s32 $_size__tile_overlayer_lowered;
	s6 =	simm.s32 $_tile_overlayer_lowered  }
0x9b: {  	s22 =	simm.s32 $0x1BFF;
	s21 =	sshll.u32 s6, $0x1;
	s3 =	sadd.s32 s4, s19  }
0x9c: {  	s7 =	simm.s32 $0x0;
	s20 =	sshll.u32 s5, $0x1;
	s5 =	sadd.s32 s21, s3  }
0x9d: {  	[timem:s7], [sflag:s22] =	dma.local [hbm:s5], s20  }
0x9e: {  	_ =	swait.ge [sflag:s22], s20  }
0x9f: {  	s4 =	ssub.s32 $0x0, s20;
	[sflag:s22] =	ssyncset.done $0x0  }
0xa0: {  	[sflag:s22] =	ssyncadd.s32 s4;
	_ =	sdelay $0x1  }
0xa1: {  	s23 =	simm.s32 $0x1B8B  }
0xa2: {  	_ =	swait.ge [sflag:s23], $0x1  }
0xa3: {  	[sflag:s23] =	ssyncset.done $0x0  }
0xa4: {  	s25 =	simm.s32 $0x1B8E;
	s24 =	sld [smem:$0x3FFE];
	[sflag:s23] =	ssyncadd.s32 $0xFFFFFFFF  }
0xa5: {  	s26 =	simm.s32 $execute0_lowered;
	[smem:$0x3FD2] =	sst s25  }
0xa6: {  	s5 =	sshll.u32 s26, $0x1;
	_ =	strace $0x8000004C;
	[dreg:$0x1] =	wrdreg $0xFFFFFFFF  }
0xa7: {  	s28 =	simm.s32 $_size_execute0_lowered;
	s3 =	sadd.s32 s3, s5;
	[dreg:$0x0] =	wrdreg $0x0  }
0xa8: {  	s5 =	sshll.u32 s28, $0x1;
	[dreg:$0x2] =	wrdreg s3  }
0xa9: {  	[dreg:$0x3] =	wrdreg s5  }
0xaa: {  	[dreg:$0x4] =	wrdreg $0xC0  }
0xab: {  	_ =	task [dreg:s7], $0x5FFFF  }
0xac: {  	[dreg:$0x1] =	wrdreg $0xFFFFFFFF  }
0xad: {  	[dreg:$0x0] =	wrdreg $0x60  }
0xae: {  	[dreg:$0x2] =	wrdreg s2  }
0xaf: {  	[dreg:$0x3] =	wrdreg s24  }
0xb0: {  	[dreg:$0x4] =	wrdreg $0x9  }
0xb1: {  	_ =	task.clear_ibuf [dreg:s7], $0x5FFFF;
	_ =	strace $0x9000004C  }
0xb2: {  	s29 =	simm.s32 $0x9;
	_ =	strace $0x8000004E  }
0xb3: {  	_ =	swait.ge [sflag:s29], $0x1  }
0xb4: {  	[sflag:s29] =	ssyncadd.s32 $0xFFFFFFFF  }
0xb5: {  	_ =	strace $0x9000004E  }
0xb6: {  	_ =	sfence  }
0xb7: {  	s30 =	sld [smem:$0x0];
	_ =	sdelay $0x2  }
0xb8: {  	s31 =	sshll.u32 s1, $0xD;
	s1 =	sshrl.u32 s1, $0x2  }
0xb9: {  	s3 =	sand.u32 $0x4000, s31;
	s1 =	sadd.s32 s1, s30  }
0xba: {  	s0 =	sor.u32 s3, s0;
	s1 =	sshll.u32 s1, $0x11  }
0xbb: {  	s0 =	sor.u32 s1, s0  }
0xbc: {  	s0 =	sadd.s32 $0x8F2B, s0  }
0xbd: {  	[sflag:s0] =	ssyncadd.remote.s32 $0x1  }
0xbe: {  	_ =	sfence.sel $0xFFFF  }
0xbf: {  	[dreg:$0x0] =	wrdreg $0xFFFFFFFF;
	(pc) =	sbr.abs _section_cstart, $3  }
0xc0: {  	[dreg:$0x1] =	wrdreg $0xFFFFFFFF  }
0xc1: {  	_ =	task.clear_ibuf [dreg:s7], $0x2FFFF;
	_ =	strace $0x9FFFFFFF  }
0xc2: {  	(tm) =	ssettm $0x7FFFFFFF  }
0xc3: {  	_ =	shalt  }
tec
execute0_lowered:
.L_overlay_start_1:
0x0: {  	(tag) =	ssettag $0x1  }
0x1: {  	s1 =	rddreg [dreg:$0x0]  }
0x2: {  	s0 =	rddreg [dreg:$0x1];
	s3 =	simm.s32 $0x0;
	s2 =	srdreg.scid  }
0x3: {  	s5 =	stileid.u32;
	s19 =	simm.s32 $0x1;
	s20 =	simm.s32 $0x3  }
0x4: {  	s21 =	simm.s32 $0x2;
	s22 =	simm.s32 $0x4;
	s23 =	simm.s32 $0x5  }
0x5: {  	s24 =	simm.s32 $0x6;
	[smem:$0x7FF] =	sst s3;
	s2 =	sand.u32 $0x1, s2  }
0x6: {  	s4 =	sadd.s32 $0xC00, s0;
	s6 =	sshll.u32 s5, $0x15;
	s7 =	sshll.u32 s2, $0x14  }
0x7: {  	s5 =	sadd.s32 $0x100C00, s0;
	s30 =	ssub.s32 $0x2, s2;
	s6 =	sor.u32 s7, s6  }
0x8: {  	_ =	strace $0x8000004D;
	s2 =	sshrl.u32 s30, $0x1;
	s7 =	sand.u32 $0x700000, s6  }
0x9: {  	s12 =	sshrl.u32 s6, $0x3;
	s0 =	ssub.s32 s30, s2;
	s2 =	simm.s32 $0x0  }
.Ltmp0:
0xa: {  	s31 =	sshrl.u32 s7, $0x3;
	s15 =	sor.u32 $0x800, s12;
	(pc) =	sbr.rel .LBB2_1-.Ltmp0, $4  }
0xb: {  	s8 =	sadd.s32 s1, s12;
	s12 =	sadd.s32 s5, s12;
	s0 =	smax.u32 s0, $0x1  }
0xc: {  	s9 =	sadd.s32 s4, s31;
	s10 =	sadd.s32 s1, s15;
	s13 =	sadd.s32 $0x1000, s8  }
0xd: {  	s15 =	sadd.s32 s5, s15;
	s16 =	sadd.s32 $0x1800, s8;
	[dreg:$0x3] =	wrdreg s0  }
0xe: {  	s11 =	sadd.s32 $0x800, s9;
	s14 =	sadd.s32 $0x1000, s9;
	s17 =	sadd.s32 $0x1800, s9  }
.LBB2_46:
0xf: {  	_ =	swait.ge [sflag:s23], $0x4000  }
0x10: {  	[sflag:s23] =	ssyncset.done $0x0  }
0x11: {  	[sflag:s23] =	ssyncadd.s32 $0xFFFFC000  }
0x12: {  	_ =	swait.ge [sflag:s24], $0x4000  }
0x13: {  	s2 =	rddreg [dreg:$0x4]  }
0x14: {  	s0 =	rddreg [dreg:$0x3];
	s2 =	sadd.s32 $0x1, s2  }
0x15: {  	p0 =	sne.s32 s2, s0  }
.Ltmp1:
0x16: {  	_ = 	snop;
	(pc) =	sbr.rel @!p0 .LBB2_47-.Ltmp1, $3  }
0x17: {  	_ =	sdelay $0x1  }
0x18: {  	[sflag:s24] =	ssyncset.done $0x0  }
0x19: {  	[sflag:s24] =	ssyncadd.s32 $0xFFFFC000  }
.LBB2_1:
0x1a: {  	[dreg:$0x4] =	wrdreg s2;
	s0 =	simm.s32 $0x10  }
0x1b: {  	s26 =	sadd.s32 $0x0, s8;
	s2 =	simm.s32 $0x100;
	s18 =	simm.s32 $0x0  }
.LBB2_2:
0x1c: {  	[tilespmem:s18], [sflag:$0x1] =	stream.linear.gather [hbm4b:s26+s3], $0x80, $0x38;
	[tilespmem:$0x18000] =	vst v63  }
0x1d: {  	s25 =	smov.u32 s0;
	s18 =	smov.u32 s2;
	p0 =	sne.s32 s0, $0x7F0  }
.Ltmp2:
0x1e: {  	s0 =	sadd.s32 $0x10, s0;
	(pc) =	sbr.rel @p0 .LBB2_2-.Ltmp2, $2  }
0x1f: {  	_ =	sdelay $0x2  }
0x20: {  	s2 =	sadd.s32 $0x100, s2;
	s26 =	sadd.s32 s25, s8  }
0x21: {  	[tilespmem:s18], [sflag:$0x1] =	stream.linear.gather [hbm4b:s26+s3], $0x80, $0x38;
	[tilespmem:$0x18000] =	vst v63  }
0x22: {  	s0 =	simm.s32 $0x8000  }
0x23: {  	s26 =	simm.s32 $0x10;
	s18 =	sadd.s32 $0x0, s9;
	s2 =	simm.s32 $0x8100  }
.LBB2_4:
0x24: {  	[tilespmem:s0], [sflag:$0x3] =	stream.linear.gather [hbm4b:s18+s3], $0x80, $0x38;
	[tilespmem:$0x18000] =	vst v63  }
0x25: {  	s18 =	smov.u32 s26;
	s0 =	smov.u32 s2;
	p0 =	sne.s32 s26, $0x7F0  }
.Ltmp3:
0x26: {  	s26 =	sadd.s32 $0x10, s26;
	(pc) =	sbr.rel @p0 .LBB2_4-.Ltmp3, $2  }
0x27: {  	_ =	sdelay $0x2  }
0x28: {  	s2 =	sadd.s32 $0x100, s2;
	s18 =	sadd.s32 s18, s9  }
0x29: {  	[tilespmem:s0], [sflag:$0x3] =	stream.linear.gather [hbm4b:s18+s3], $0x80, $0x38;
	[tilespmem:$0x18000] =	vst v63  }
0x2a: {  	s0 =	simm.s32 $0x80  }
0x2b: {  	s26 =	simm.s32 $0x10;
	s18 =	sadd.s32 $0x0, s10;
	s2 =	simm.s32 $0x180  }
.LBB2_6:
0x2c: {  	[tilespmem:s0], [sflag:$0x2] =	stream.linear.gather [hbm4b:s18+s3], $0x80, $0x38;
	[tilespmem:$0x18000] =	vst v63  }
0x2d: {  	s18 =	smov.u32 s26;
	s0 =	smov.u32 s2;
	p0 =	sne.s32 s26, $0x7F0  }
.Ltmp4:
0x2e: {  	s26 =	sadd.s32 $0x10, s26;
	(pc) =	sbr.rel @p0 .LBB2_6-.Ltmp4, $2  }
0x2f: {  	_ =	sdelay $0x2  }
0x30: {  	s2 =	sadd.s32 $0x100, s2;
	s18 =	sadd.s32 s18, s10  }
0x31: {  	[tilespmem:s0], [sflag:$0x2] =	stream.linear.gather [hbm4b:s18+s3], $0x80, $0x38;
	[tilespmem:$0x18000] =	vst v63  }
0x32: {  	s0 =	simm.s32 $0x8080  }
0x33: {  	s26 =	simm.s32 $0x10;
	s18 =	sadd.s32 $0x0, s11;
	s2 =	simm.s32 $0x8180  }
.LBB2_8:
0x34: {  	[tilespmem:s0], [sflag:$0x4] =	stream.linear.gather [hbm4b:s18+s3], $0x80, $0x38;
	[tilespmem:$0x18000] =	vst v63  }
0x35: {  	s18 =	smov.u32 s26;
	s0 =	smov.u32 s2;
	p0 =	sne.s32 s26, $0x7F0  }
.Ltmp5:
0x36: {  	s26 =	sadd.s32 $0x10, s26;
	(pc) =	sbr.rel @p0 .LBB2_8-.Ltmp5, $2  }
0x37: {  	_ =	sdelay $0x2  }
0x38: {  	s2 =	sadd.s32 $0x100, s2;
	s18 =	sadd.s32 s18, s11  }
0x39: {  	[tilespmem:s0], [sflag:$0x4] =	stream.linear.gather [hbm4b:s18+s3], $0x80, $0x38;
	[tilespmem:$0x18000] =	vst v63  }
0x3a: {  	_ =	swait.ge [sflag:s19], $0x4000  }
0x3b: {  	[sflag:s19] =	ssyncset.done $0x0  }
0x3c: {  	[sflag:s19] =	ssyncadd.s32 $0xFFFFC000  }
0x3d: {  	_ =	swait.ge [sflag:s20], $0x4000  }
0x3e: {  	[sflag:s20] =	ssyncset.done $0x0  }
0x3f: {  	s26 =	simm.s32 $0x0;
	[sflag:s20] =	ssyncadd.s32 $0xFFFFC000  }
0x40: {  	v0 =	vld [tilespmem:s26+$0x170]  }
0x41: {  	v1 =	vld [tilespmem:s26+$0x8170]  }
0x42: {  	v2 =	vld [tilespmem:s26+$0x0]  }
0x43: {  	v3 =	vld [tilespmem:s26+$0x8000]  }
0x44: {  	v4 =	vld [tilespmem:s26+$0x10]  }
0x45: {  	v5 =	vld [tilespmem:s26+$0x8010]  }
0x46: {  	v6 =	vld [tilespmem:s26+$0x20]  }
0x47: {  	v7 =	vld [tilespmem:s26+$0x30]  }
0x48: {  	v0 =	vadd.f32 v1, v0;
	v1 =	vld [tilespmem:s26+$0x8020]  }
0x49: {  	v2 =	vadd.f32 v3, v2;
	v3 =	vld [tilespmem:s26+$0x40]  }
0x4a: {  	[tilespmem:s26+$0x10170] =	vst v0;
	v0 =	vld [tilespmem:s26+$0x8030]  }
0x4b: {  	[tilespmem:s26+$0x10000] =	vst v2;
	v2 =	vadd.f32 v5, v4;
	v4 =	vld [tilespmem:s26+$0x8040]  }
0x4c: {  	v5 =	vld [tilespmem:s26+$0x8050]  }
0x4d: {  	[tilespmem:s26+$0x10010] =	vst v2;
	v2 =	vld [tilespmem:s26+$0x50];
	v1 =	vadd.f32 v1, v6  }
0x4e: {  	v6 =	vld [tilespmem:s26+$0x8060]  }
0x4f: {  	[tilespmem:s26+$0x10020] =	vst v1;
	v0 =	vadd.f32 v0, v7;
	v1 =	vld [tilespmem:s26+$0x60]  }
0x50: {  	v7 =	vld [tilespmem:s26+$0x8130]  }
0x51: {  	[tilespmem:s26+$0x10030] =	vst v0;
	v0 =	vadd.f32 v4, v3;
	v3 =	vld [tilespmem:s26+$0x70]  }
0x52: {  	v4 =	vld [tilespmem:s26+$0x8070]  }
0x53: {  	[tilespmem:s26+$0x10040] =	vst v0;
	v0 =	vadd.f32 v5, v2;
	v2 =	vld [tilespmem:s26+$0x100]  }
0x54: {  	v5 =	vld [tilespmem:s26+$0x8100]  }
0x55: {  	[tilespmem:s26+$0x10050] =	vst v0;
	v0 =	vadd.f32 v6, v1;
	v1 =	vld [tilespmem:s26+$0x110]  }
0x56: {  	v6 =	vld [tilespmem:s26+$0x8110]  }
0x57: {  	[tilespmem:s26+$0x10060] =	vst v0;
	v0 =	vadd.f32 v4, v3;
	v3 =	vld [tilespmem:s26+$0x120]  }
0x58: {  	v4 =	vld [tilespmem:s26+$0x8120]  }
0x59: {  	[tilespmem:s26+$0x10070] =	vst v0;
	v0 =	vadd.f32 v5, v2;
	v5 =	vld [tilespmem:s26+$0x130]  }
0x5a: {  	v8 =	vld [tilespmem:s26+$0x8140]  }
0x5b: {  	[tilespmem:s26+$0x10100] =	vst v0;
	v0 =	vadd.f32 v6, v1;
	v6 =	vld [tilespmem:s26+$0x140]  }
0x5c: {  	v2 =	vld [tilespmem:s26+$0x150]  }
0x5d: {  	[tilespmem:s26+$0x10110] =	vst v0;
	v0 =	vadd.f32 v4, v3;
	v3 =	vld [tilespmem:s26+$0x8150]  }
0x5e: {  	v4 =	vld [tilespmem:s26+$0x8160];
	v5 =	vadd.f32 v7, v5  }
0x5f: {  	s0 =	simm.s32 $0x200;
	[tilespmem:s26+$0x10120] =	vst v0;
	v0 =	vld [tilespmem:s26+$0x160]  }
0x60: {  	s28 =	simm.s32 $0x1000;
	v1 =	vld [tilespmem:s0+$0x170];
	[tilespmem:s26+$0x10130] =	vst v5;
	v5 =	vadd.f32 v8, v6  }
.LBB2_10:
0x61: {  	p0 =	sne.s32 s28, $0x1F800;
	v6 =	vld [tilespmem:s0+$0x8170]  }
0x62: {  	v7 =	vld [tilespmem:s0+$0x0];
	[tilespmem:s26+$0x10140] =	vst v5;
	v2 =	vadd.f32 v3, v2  }
0x63: {  	v3 =	vld [tilespmem:s0+$0x8000]  }
0x64: {  	v5 =	vld [tilespmem:s0+$0x10];
	[tilespmem:s26+$0x10150] =	vst v2;
	v0 =	vadd.f32 v4, v0  }
0x65: {  	v2 =	vld [tilespmem:s0+$0x8010]  }
0x66: {  	v4 =	vld [tilespmem:s0+$0x20];
	v1 =	vadd.f32 v6, v1;
	[tilespmem:s26+$0x10160] =	vst v0;
	s26 =	smov.u32 s0  }
0x67: {  	v0 =	vld [tilespmem:s26+$0x8020]  }
0x68: {  	v3 =	vadd.f32 v3, v7;
	v6 =	vld [tilespmem:s26+$0x30];
	[tilespmem:s26+$0x10170] =	vst v1  }
0x69: {  	v1 =	vld [tilespmem:s26+$0x8030]  }
0x6a: {  	[tilespmem:s26+$0x10000] =	vst v3;
	v2 =	vadd.f32 v2, v5;
	v3 =	vld [tilespmem:s26+$0x40]  }
0x6b: {  	v5 =	vld [tilespmem:s26+$0x8040]  }
0x6c: {  	[tilespmem:s26+$0x10010] =	vst v2;
	v0 =	vadd.f32 v0, v4;
	v2 =	vld [tilespmem:s26+$0x50]  }
0x6d: {  	v4 =	vld [tilespmem:s26+$0x8050]  }
0x6e: {  	[tilespmem:s26+$0x10020] =	vst v0;
	v0 =	vadd.f32 v1, v6;
	v1 =	vld [tilespmem:s26+$0x60]  }
0x6f: {  	v6 =	vld [tilespmem:s26+$0x8060]  }
0x70: {  	[tilespmem:s26+$0x10030] =	vst v0;
	v0 =	vadd.f32 v5, v3;
	v3 =	vld [tilespmem:s26+$0x70]  }
0x71: {  	v5 =	vld [tilespmem:s26+$0x8070]  }
0x72: {  	[tilespmem:s26+$0x10040] =	vst v0;
	v0 =	vadd.f32 v4, v2;
	v2 =	vld [tilespmem:s26+$0x100]  }
0x73: {  	v4 =	vld [tilespmem:s26+$0x8100]  }
0x74: {  	[tilespmem:s26+$0x10050] =	vst v0;
	v0 =	vadd.f32 v6, v1;
	v1 =	vld [tilespmem:s26+$0x110]  }
0x75: {  	v6 =	vld [tilespmem:s26+$0x8110]  }
0x76: {  	[tilespmem:s26+$0x10060] =	vst v0;
	v0 =	vadd.f32 v5, v3;
	v3 =	vld [tilespmem:s26+$0x120]  }
0x77: {  	v5 =	vld [tilespmem:s26+$0x8120]  }
0x78: {  	[tilespmem:s26+$0x10070] =	vst v0;
	v0 =	vadd.f32 v4, v2;
	v4 =	vld [tilespmem:s26+$0x130]  }
0x79: {  	v7 =	vld [tilespmem:s26+$0x8130]  }
0x7a: {  	[tilespmem:s26+$0x10100] =	vst v0;
	v0 =	vadd.f32 v6, v1;
	v6 =	vld [tilespmem:s26+$0x140]  }
0x7b: {  	v8 =	vld [tilespmem:s26+$0x8140]  }
.Ltmp6:
0x7c: {  	[tilespmem:s26+$0x10110] =	vst v0;
	v0 =	vadd.f32 v5, v3;
	v2 =	vld [tilespmem:s26+$0x150];
	(pc) =	sbr.rel @p0 .LBB2_10-.Ltmp6, $4  }
0x7d: {  	v3 =	vld [tilespmem:s26+$0x8150]  }
0x7e: {  	[tilespmem:s26+$0x10120] =	vst v0;
	v5 =	vadd.f32 v7, v4;
	v0 =	vld [tilespmem:s26+$0x160]  }
0x7f: {  	s0 =	sshra.s32 s28, $0x2;
	v4 =	vld [tilespmem:s26+$0x8160]  }
0x80: {  	s28 =	sadd.s32 $0x800, s28;
	v1 =	vld [tilespmem:s0+$0x170];
	[tilespmem:s26+$0x10130] =	vst v5;
	v5 =	vadd.f32 v8, v6  }
0x81: {  	v6 =	vld [tilespmem:s0+$0x8170]  }
0x82: {  	v7 =	vld [tilespmem:s0+$0x0];
	[tilespmem:s26+$0x10140] =	vst v5;
	v2 =	vadd.f32 v3, v2  }
0x83: {  	v28 =	vld [tilespmem:s0+$0x8000]  }
0x84: {  	v5 =	vld [tilespmem:s0+$0x10];
	[tilespmem:s26+$0x10150] =	vst v2;
	v0 =	vadd.f32 v4, v0  }
0x85: {  	v2 =	vld [tilespmem:s0+$0x8010]  }
0x86: {  	v29 =	vld [tilespmem:s0+$0x20];
	[tilespmem:s26+$0x10160] =	vst v0  }
0x87: {  	v31 =	vld [tilespmem:s0+$0x8020]  }
0x88: {  	v32 =	vld [tilespmem:s0+$0x30]  }
0x89: {  	v33 =	vld [tilespmem:s0+$0x8030]  }
0x8a: {  	v34 =	vld [tilespmem:s0+$0x40]  }
0x8b: {  	v35 =	vld [tilespmem:s0+$0x8040]  }
0x8c: {  	v36 =	vld [tilespmem:s0+$0x50]  }
0x8d: {  	v37 =	vld [tilespmem:s0+$0x8050]  }
0x8e: {  	v38 =	vld [tilespmem:s0+$0x60]  }
0x8f: {  	v39 =	vld [tilespmem:s0+$0x8060]  }
0x90: {  	v41 =	vld [tilespmem:s0+$0x70]  }
0x91: {  	v42 =	vld [tilespmem:s0+$0x8070]  }
0x92: {  	v44 =	vld [tilespmem:s0+$0x100]  }
0x93: {  	v45 =	vld [tilespmem:s0+$0x8100]  }
0x94: {  	v47 =	vld [tilespmem:s0+$0x110]  }
0x95: {  	v30 =	vadd.f32 v6, v1;
	v48 =	vld [tilespmem:s0+$0x8110]  }
0x96: {  	v50 =	vld [tilespmem:s0+$0x120];
	v3 =	vadd.f32 v28, v7  }
0x97: {  	v51 =	vld [tilespmem:s0+$0x8120];
	[tilespmem:s0+$0x10170] =	vst v30;
	v2 =	vadd.f32 v2, v5  }
0x98: {  	v53 =	vld [tilespmem:s0+$0x130];
	[tilespmem:s0+$0x10000] =	vst v3;
	v1 =	vadd.f32 v31, v29  }
0x99: {  	v54 =	vld [tilespmem:s0+$0x8130];
	[tilespmem:s0+$0x10010] =	vst v2;
	v0 =	vadd.f32 v33, v32  }
0x9a: {  	v56 =	vld [tilespmem:s0+$0x140];
	v40 =	vadd.f32 v35, v34;
	[tilespmem:s0+$0x10020] =	vst v1  }
0x9b: {  	v57 =	vld [tilespmem:s0+$0x8140];
	v43 =	vadd.f32 v37, v36;
	[tilespmem:s0+$0x10030] =	vst v0  }
0x9c: {  	v59 =	vld [tilespmem:s0+$0x150];
	v46 =	vadd.f32 v39, v38;
	[tilespmem:s0+$0x10040] =	vst v40  }
0x9d: {  	v60 =	vld [tilespmem:s0+$0x8150];
	v49 =	vadd.f32 v42, v41;
	[tilespmem:s0+$0x10050] =	vst v43  }
0x9e: {  	v61 =	vld [tilespmem:s0+$0x160];
	v52 =	vadd.f32 v45, v44;
	[tilespmem:s0+$0x10060] =	vst v46  }
0x9f: {  	v62 =	vld [tilespmem:s0+$0x8160];
	v55 =	vadd.f32 v48, v47;
	[tilespmem:s0+$0x10070] =	vst v49  }
0xa0: {  	v58 =	vadd.f32 v51, v50;
	[tilespmem:s0+$0x10100] =	vst v52  }
0xa1: {  	v2 =	vadd.f32 v54, v53;
	[tilespmem:s0+$0x10110] =	vst v55  }
0xa2: {  	v63 =	vadd.f32 v60, v59;
	[tilespmem:s0+$0x10120] =	vst v58  }
0xa3: {  	v1 =	vadd.f32 v57, v56;
	[tilespmem:s0+$0x10130] =	vst v2  }
0xa4: {  	v0 =	vadd.f32 v62, v61;
	[tilespmem:s0+$0x10150] =	vst v63  }
0xa5: {  	s18 =	sadd.s32 $0x0, s12;
	[tilespmem:s0+$0x10140] =	vst v1  }
0xa6: {  	s2 =	simm.s32 $0x10100;
	s26 =	simm.s32 $0x10000;
	[tilespmem:s0+$0x10160] =	vst v0;
	s0 =	simm.s32 $0x10  }
.LBB2_12:
0xa7: {  	[hbm4b:s18+s3] =	stream.linear.scatter [tilespmem:s26], [sflag:$0x5], $0x80, $0x38;
	[tilespmem:$0x18000] =	vst v63  }
0xa8: {  	s18 =	smov.u32 s0;
	s26 =	smov.u32 s2;
	p0 =	sne.s32 s0, $0x7F0  }
.Ltmp7:
0xa9: {  	s0 =	sadd.s32 $0x10, s0;
	(pc) =	sbr.rel @p0 .LBB2_12-.Ltmp7, $2  }
0xaa: {  	_ =	sdelay $0x2  }
0xab: {  	s2 =	sadd.s32 $0x100, s2;
	s18 =	sadd.s32 s18, s12  }
0xac: {  	[hbm4b:s18+s3] =	stream.linear.scatter [tilespmem:s26], [sflag:$0x5], $0x80, $0x38;
	[tilespmem:$0x18000] =	vst v63  }
0xad: {  	s0 =	simm.s32 $0x0  }
0xae: {  	s26 =	simm.s32 $0x10;
	s18 =	sadd.s32 $0x0, s13;
	s2 =	simm.s32 $0x100  }
.LBB2_14:
0xaf: {  	[tilespmem:s0], [sflag:$0x1] =	stream.linear.gather [hbm4b:s18+s3], $0x80, $0x38;
	[tilespmem:$0x18000] =	vst v63  }
0xb0: {  	s18 =	smov.u32 s26;
	s0 =	smov.u32 s2;
	p0 =	sne.s32 s26, $0x7F0  }
.Ltmp8:
0xb1: {  	s26 =	sadd.s32 $0x10, s26;
	(pc) =	sbr.rel @p0 .LBB2_14-.Ltmp8, $2  }
0xb2: {  	_ =	sdelay $0x2  }
0xb3: {  	s2 =	sadd.s32 $0x100, s2;
	s18 =	sadd.s32 s18, s13  }
0xb4: {  	[tilespmem:s0], [sflag:$0x1] =	stream.linear.gather [hbm4b:s18+s3], $0x80, $0x38;
	[tilespmem:$0x18000] =	vst v63  }
0xb5: {  	s0 =	simm.s32 $0x8000  }
0xb6: {  	s26 =	simm.s32 $0x10;
	s18 =	sadd.s32 $0x0, s14;
	s2 =	simm.s32 $0x8100  }
.LBB2_16:
0xb7: {  	[tilespmem:s0], [sflag:$0x3] =	stream.linear.gather [hbm4b:s18+s3], $0x80, $0x38;
	[tilespmem:$0x18000] =	vst v63  }
0xb8: {  	s18 =	smov.u32 s26;
	s0 =	smov.u32 s2;
	p0 =	sne.s32 s26, $0x7F0  }
.Ltmp9:
0xb9: {  	s26 =	sadd.s32 $0x10, s26;
	(pc) =	sbr.rel @p0 .LBB2_16-.Ltmp9, $2  }
0xba: {  	_ =	sdelay $0x2  }
0xbb: {  	s2 =	sadd.s32 $0x100, s2;
	s18 =	sadd.s32 s18, s14  }
0xbc: {  	[tilespmem:s0], [sflag:$0x3] =	stream.linear.gather [hbm4b:s18+s3], $0x80, $0x38;
	[tilespmem:$0x18000] =	vst v63  }
0xbd: {  	_ =	swait.ge [sflag:s21], $0x4000  }
0xbe: {  	[sflag:s21] =	ssyncset.done $0x0  }
0xbf: {  	[sflag:s21] =	ssyncadd.s32 $0xFFFFC000  }
0xc0: {  	_ =	swait.ge [sflag:s22], $0x4000  }
0xc1: {  	[sflag:s22] =	ssyncset.done $0x0  }
0xc2: {  	s26 =	simm.s32 $0x0;
	[sflag:s22] =	ssyncadd.s32 $0xFFFFC000  }
0xc3: {  	v0 =	vld [tilespmem:s26+$0x1F0]  }
0xc4: {  	v1 =	vld [tilespmem:s26+$0x81F0]  }
0xc5: {  	v2 =	vld [tilespmem:s26+$0x80]  }
0xc6: {  	v3 =	vld [tilespmem:s26+$0x8080]  }
0xc7: {  	v4 =	vld [tilespmem:s26+$0x90]  }
0xc8: {  	v5 =	vld [tilespmem:s26+$0x8090]  }
0xc9: {  	v6 =	vld [tilespmem:s26+$0xA0]  }
0xca: {  	v7 =	vld [tilespmem:s26+$0xB0]  }
0xcb: {  	v0 =	vadd.f32 v1, v0;
	v1 =	vld [tilespmem:s26+$0x80A0]  }
0xcc: {  	v2 =	vadd.f32 v3, v2;
	v3 =	vld [tilespmem:s26+$0xC0]  }
0xcd: {  	[tilespmem:s26+$0x101F0] =	vst v0;
	v0 =	vld [tilespmem:s26+$0x80B0]  }
0xce: {  	[tilespmem:s26+$0x10080] =	vst v2;
	v2 =	vadd.f32 v5, v4;
	v4 =	vld [tilespmem:s26+$0x80C0]  }
0xcf: {  	v5 =	vld [tilespmem:s26+$0x80D0]  }
0xd0: {  	[tilespmem:s26+$0x10090] =	vst v2;
	v2 =	vld [tilespmem:s26+$0xD0];
	v1 =	vadd.f32 v1, v6  }
0xd1: {  	v6 =	vld [tilespmem:s26+$0x80E0]  }
0xd2: {  	[tilespmem:s26+$0x100A0] =	vst v1;
	v0 =	vadd.f32 v0, v7;
	v1 =	vld [tilespmem:s26+$0xE0]  }
0xd3: {  	v7 =	vld [tilespmem:s26+$0x81B0]  }
0xd4: {  	[tilespmem:s26+$0x100B0] =	vst v0;
	v0 =	vadd.f32 v4, v3;
	v3 =	vld [tilespmem:s26+$0xF0]  }
0xd5: {  	v4 =	vld [tilespmem:s26+$0x80F0]  }
0xd6: {  	[tilespmem:s26+$0x100C0] =	vst v0;
	v0 =	vadd.f32 v5, v2;
	v2 =	vld [tilespmem:s26+$0x180]  }
0xd7: {  	v5 =	vld [tilespmem:s26+$0x8180]  }
0xd8: {  	[tilespmem:s26+$0x100D0] =	vst v0;
	v0 =	vadd.f32 v6, v1;
	v1 =	vld [tilespmem:s26+$0x190]  }
0xd9: {  	v6 =	vld [tilespmem:s26+$0x8190]  }
0xda: {  	[tilespmem:s26+$0x100E0] =	vst v0;
	v0 =	vadd.f32 v4, v3;
	v3 =	vld [tilespmem:s26+$0x1A0]  }
0xdb: {  	v4 =	vld [tilespmem:s26+$0x81A0]  }
0xdc: {  	[tilespmem:s26+$0x100F0] =	vst v0;
	v0 =	vadd.f32 v5, v2;
	v5 =	vld [tilespmem:s26+$0x1B0]  }
0xdd: {  	v8 =	vld [tilespmem:s26+$0x81C0]  }
0xde: {  	[tilespmem:s26+$0x10180] =	vst v0;
	v0 =	vadd.f32 v6, v1;
	v6 =	vld [tilespmem:s26+$0x1C0]  }
0xdf: {  	v2 =	vld [tilespmem:s26+$0x1D0]  }
0xe0: {  	[tilespmem:s26+$0x10190] =	vst v0;
	v0 =	vadd.f32 v4, v3;
	v3 =	vld [tilespmem:s26+$0x81D0]  }
0xe1: {  	v4 =	vld [tilespmem:s26+$0x81E0];
	v5 =	vadd.f32 v7, v5  }
0xe2: {  	s0 =	simm.s32 $0x200;
	[tilespmem:s26+$0x101A0] =	vst v0;
	v0 =	vld [tilespmem:s26+$0x1E0]  }
0xe3: {  	s28 =	simm.s32 $0x1000;
	v1 =	vld [tilespmem:s0+$0x1F0];
	[tilespmem:s26+$0x101B0] =	vst v5;
	v5 =	vadd.f32 v8, v6  }
.LBB2_18:
0xe4: {  	p0 =	sne.s32 s28, $0x1F800;
	v6 =	vld [tilespmem:s0+$0x81F0]  }
0xe5: {  	v7 =	vld [tilespmem:s0+$0x80];
	[tilespmem:s26+$0x101C0] =	vst v5;
	v2 =	vadd.f32 v3, v2  }
0xe6: {  	v3 =	vld [tilespmem:s0+$0x8080]  }
0xe7: {  	v5 =	vld [tilespmem:s0+$0x90];
	[tilespmem:s26+$0x101D0] =	vst v2;
	v0 =	vadd.f32 v4, v0  }
0xe8: {  	v2 =	vld [tilespmem:s0+$0x8090]  }
0xe9: {  	v4 =	vld [tilespmem:s0+$0xA0];
	v1 =	vadd.f32 v6, v1;
	[tilespmem:s26+$0x101E0] =	vst v0;
	s26 =	smov.u32 s0  }
0xea: {  	v0 =	vld [tilespmem:s26+$0x80A0]  }
0xeb: {  	v3 =	vadd.f32 v3, v7;
	v6 =	vld [tilespmem:s26+$0xB0];
	[tilespmem:s26+$0x101F0] =	vst v1  }
0xec: {  	v1 =	vld [tilespmem:s26+$0x80B0]  }
0xed: {  	[tilespmem:s26+$0x10080] =	vst v3;
	v2 =	vadd.f32 v2, v5;
	v3 =	vld [tilespmem:s26+$0xC0]  }
0xee: {  	v5 =	vld [tilespmem:s26+$0x80C0]  }
0xef: {  	[tilespmem:s26+$0x10090] =	vst v2;
	v0 =	vadd.f32 v0, v4;
	v2 =	vld [tilespmem:s26+$0xD0]  }
0xf0: {  	v4 =	vld [tilespmem:s26+$0x80D0]  }
0xf1: {  	[tilespmem:s26+$0x100A0] =	vst v0;
	v0 =	vadd.f32 v1, v6;
	v1 =	vld [tilespmem:s26+$0xE0]  }
0xf2: {  	v6 =	vld [tilespmem:s26+$0x80E0]  }
0xf3: {  	[tilespmem:s26+$0x100B0] =	vst v0;
	v0 =	vadd.f32 v5, v3;
	v3 =	vld [tilespmem:s26+$0xF0]  }
0xf4: {  	v5 =	vld [tilespmem:s26+$0x80F0]  }
0xf5: {  	[tilespmem:s26+$0x100C0] =	vst v0;
	v0 =	vadd.f32 v4, v2;
	v2 =	vld [tilespmem:s26+$0x180]  }
0xf6: {  	v4 =	vld [tilespmem:s26+$0x8180]  }
0xf7: {  	[tilespmem:s26+$0x100D0] =	vst v0;
	v0 =	vadd.f32 v6, v1;
	v1 =	vld [tilespmem:s26+$0x190]  }
0xf8: {  	v6 =	vld [tilespmem:s26+$0x8190]  }
0xf9: {  	[tilespmem:s26+$0x100E0] =	vst v0;
	v0 =	vadd.f32 v5, v3;
	v3 =	vld [tilespmem:s26+$0x1A0]  }
0xfa: {  	v5 =	vld [tilespmem:s26+$0x81A0]  }
0xfb: {  	[tilespmem:s26+$0x100F0] =	vst v0;
	v0 =	vadd.f32 v4, v2;
	v4 =	vld [tilespmem:s26+$0x1B0]  }
0xfc: {  	v7 =	vld [tilespmem:s26+$0x81B0]  }
0xfd: {  	[tilespmem:s26+$0x10180] =	vst v0;
	v0 =	vadd.f32 v6, v1;
	v6 =	vld [tilespmem:s26+$0x1C0]  }
0xfe: {  	v8 =	vld [tilespmem:s26+$0x81C0]  }
.Ltmp10:
0xff: {  	[tilespmem:s26+$0x10190] =	vst v0;
	v0 =	vadd.f32 v5, v3;
	v2 =	vld [tilespmem:s26+$0x1D0];
	(pc) =	sbr.rel @p0 .LBB2_18-.Ltmp10, $4  }
0x100: {  	v3 =	vld [tilespmem:s26+$0x81D0]  }
0x101: {  	[tilespmem:s26+$0x101A0] =	vst v0;
	v5 =	vadd.f32 v7, v4;
	v0 =	vld [tilespmem:s26+$0x1E0]  }
0x102: {  	s0 =	sshra.s32 s28, $0x2;
	v4 =	vld [tilespmem:s26+$0x81E0]  }
0x103: {  	s28 =	sadd.s32 $0x800, s28;
	v1 =	vld [tilespmem:s0+$0x1F0];
	[tilespmem:s26+$0x101B0] =	vst v5;
	v5 =	vadd.f32 v8, v6  }
0x104: {  	v6 =	vld [tilespmem:s0+$0x81F0]  }
0x105: {  	v7 =	vld [tilespmem:s0+$0x80];
	[tilespmem:s26+$0x101C0] =	vst v5;
	v2 =	vadd.f32 v3, v2  }
0x106: {  	v28 =	vld [tilespmem:s0+$0x8080]  }
0x107: {  	v5 =	vld [tilespmem:s0+$0x90];
	[tilespmem:s26+$0x101D0] =	vst v2;
	v0 =	vadd.f32 v4, v0  }
0x108: {  	v2 =	vld [tilespmem:s0+$0x8090]  }
0x109: {  	v29 =	vld [tilespmem:s0+$0xA0];
	[tilespmem:s26+$0x101E0] =	vst v0  }
0x10a: {  	v31 =	vld [tilespmem:s0+$0x80A0]  }
0x10b: {  	v32 =	vld [tilespmem:s0+$0xB0]  }
0x10c: {  	v33 =	vld [tilespmem:s0+$0x80B0]  }
0x10d: {  	v34 =	vld [tilespmem:s0+$0xC0]  }
0x10e: {  	v35 =	vld [tilespmem:s0+$0x80C0]  }
0x10f: {  	v36 =	vld [tilespmem:s0+$0xD0]  }
0x110: {  	v37 =	vld [tilespmem:s0+$0x80D0]  }
0x111: {  	v38 =	vld [tilespmem:s0+$0xE0]  }
0x112: {  	v39 =	vld [tilespmem:s0+$0x80E0]  }
0x113: {  	v41 =	vld [tilespmem:s0+$0xF0]  }
0x114: {  	v42 =	vld [tilespmem:s0+$0x80F0]  }
0x115: {  	v44 =	vld [tilespmem:s0+$0x180]  }
0x116: {  	v45 =	vld [tilespmem:s0+$0x8180]  }
0x117: {  	v47 =	vld [tilespmem:s0+$0x190]  }
0x118: {  	v30 =	vadd.f32 v6, v1;
	v48 =	vld [tilespmem:s0+$0x8190]  }
0x119: {  	v50 =	vld [tilespmem:s0+$0x1A0];
	v3 =	vadd.f32 v28, v7  }
0x11a: {  	v51 =	vld [tilespmem:s0+$0x81A0];
	[tilespmem:s0+$0x101F0] =	vst v30;
	v2 =	vadd.f32 v2, v5  }
0x11b: {  	v53 =	vld [tilespmem:s0+$0x1B0];
	[tilespmem:s0+$0x10080] =	vst v3;
	v1 =	vadd.f32 v31, v29  }
0x11c: {  	v54 =	vld [tilespmem:s0+$0x81B0];
	[tilespmem:s0+$0x10090] =	vst v2;
	v0 =	vadd.f32 v33, v32  }
0x11d: {  	v56 =	vld [tilespmem:s0+$0x1C0];
	v40 =	vadd.f32 v35, v34;
	[tilespmem:s0+$0x100A0] =	vst v1  }
0x11e: {  	v57 =	vld [tilespmem:s0+$0x81C0];
	v43 =	vadd.f32 v37, v36;
	[tilespmem:s0+$0x100B0] =	vst v0  }
0x11f: {  	v59 =	vld [tilespmem:s0+$0x1D0];
	v46 =	vadd.f32 v39, v38;
	[tilespmem:s0+$0x100C0] =	vst v40  }
0x120: {  	v60 =	vld [tilespmem:s0+$0x81D0];
	v49 =	vadd.f32 v42, v41;
	[tilespmem:s0+$0x100D0] =	vst v43  }
0x121: {  	v61 =	vld [tilespmem:s0+$0x1E0];
	v52 =	vadd.f32 v45, v44;
	[tilespmem:s0+$0x100E0] =	vst v46  }
0x122: {  	v62 =	vld [tilespmem:s0+$0x81E0];
	v55 =	vadd.f32 v48, v47;
	[tilespmem:s0+$0x100F0] =	vst v49  }
0x123: {  	v58 =	vadd.f32 v51, v50;
	[tilespmem:s0+$0x10180] =	vst v52  }
0x124: {  	v2 =	vadd.f32 v54, v53;
	[tilespmem:s0+$0x10190] =	vst v55  }
0x125: {  	v63 =	vadd.f32 v60, v59;
	[tilespmem:s0+$0x101A0] =	vst v58  }
0x126: {  	v1 =	vadd.f32 v57, v56;
	[tilespmem:s0+$0x101B0] =	vst v2  }
0x127: {  	v0 =	vadd.f32 v62, v61;
	[tilespmem:s0+$0x101D0] =	vst v63  }
0x128: {  	s18 =	sadd.s32 $0x0, s15;
	[tilespmem:s0+$0x101C0] =	vst v1  }
0x129: {  	s2 =	simm.s32 $0x10180;
	s26 =	simm.s32 $0x10080;
	[tilespmem:s0+$0x101E0] =	vst v0;
	s0 =	simm.s32 $0x10  }
.LBB2_20:
0x12a: {  	[hbm4b:s18+s3] =	stream.linear.scatter [tilespmem:s26], [sflag:$0x6], $0x80, $0x38;
	[tilespmem:$0x18000] =	vst v63  }
0x12b: {  	s18 =	smov.u32 s0;
	s26 =	smov.u32 s2;
	p0 =	sne.s32 s0, $0x7F0  }
.Ltmp11:
0x12c: {  	s0 =	sadd.s32 $0x10, s0;
	(pc) =	sbr.rel @p0 .LBB2_20-.Ltmp11, $2  }
0x12d: {  	_ =	sdelay $0x2  }
0x12e: {  	s2 =	sadd.s32 $0x100, s2;
	s18 =	sadd.s32 s18, s15  }
0x12f: {  	[hbm4b:s18+s3] =	stream.linear.scatter [tilespmem:s26], [sflag:$0x6], $0x80, $0x38;
	[tilespmem:$0x18000] =	vst v63  }
0x130: {  	s0 =	simm.s32 $0x80  }
0x131: {  	s26 =	simm.s32 $0x10;
	s18 =	sadd.s32 $0x0, s16;
	s2 =	simm.s32 $0x180  }
.LBB2_22:
0x132: {  	[tilespmem:s0], [sflag:$0x2] =	stream.linear.gather [hbm4b:s18+s3], $0x80, $0x38;
	[tilespmem:$0x18000] =	vst v63  }
0x133: {  	s18 =	smov.u32 s26;
	s0 =	smov.u32 s2;
	p0 =	sne.s32 s26, $0x7F0  }
.Ltmp12:
0x134: {  	s26 =	sadd.s32 $0x10, s26;
	(pc) =	sbr.rel @p0 .LBB2_22-.Ltmp12, $2  }
0x135: {  	_ =	sdelay $0x2  }
0x136: {  	s2 =	sadd.s32 $0x100, s2;
	s18 =	sadd.s32 s18, s16  }
0x137: {  	[tilespmem:s0], [sflag:$0x2] =	stream.linear.gather [hbm4b:s18+s3], $0x80, $0x38;
	[tilespmem:$0x18000] =	vst v63  }
0x138: {  	s0 =	simm.s32 $0x0;
	s2 =	simm.s32 $0x8080  }
.LBB2_24:
0x139: {  	p0 =	sne.s32 s0, $0x7F0  }
.Ltmp13:
0x13a: {  	_ = 	snop;
	(pc) =	sbr.rel @p0 .LBB2_24-.Ltmp13, $4  }
0x13b: {  	_ = 	snop  }
0x13c: {  	s18 =	sadd.s32 s0, s17  }
0x13d: {  	[tilespmem:s2], [sflag:$0x4] =	stream.linear.gather [hbm4b:s18+s3], $0x80, $0x38;
	[tilespmem:$0x18000] =	vst v63  }
0x13e: {  	s0 =	sadd.s32 $0x10, s0;
	s2 =	sadd.s32 $0x100, s2  }
0x13f: {  	s26 =	simm.s32 $0x1  }
.LBB2_26:
0x140: {  	_ =	swait.ge [sflag:s19], $0x4000  }
0x141: {  	[sflag:s19] =	ssyncset.done $0x0  }
0x142: {  	[sflag:s19] =	ssyncadd.s32 $0xFFFFC000  }
0x143: {  	_ =	swait.ge [sflag:s20], $0x4000  }
0x144: {  	[sflag:s20] =	ssyncset.done $0x0  }
0x145: {  	[sflag:s20] =	ssyncadd.s32 $0xFFFFC000  }
0x146: {  	_ =	swait.ge [sflag:s23], $0x4000  }
0x147: {  	[sflag:s23] =	ssyncset.done $0x0  }
0x148: {  	s28 =	simm.s32 $0x0;
	[sflag:s23] =	ssyncadd.s32 $0xFFFFC000  }
0x149: {  	v0 =	vld [tilespmem:s28+$0x170]  }
0x14a: {  	v1 =	vld [tilespmem:s28+$0x8170]  }
0x14b: {  	v2 =	vld [tilespmem:s28+$0x0]  }
0x14c: {  	v3 =	vld [tilespmem:s28+$0x8000]  }
0x14d: {  	v4 =	vld [tilespmem:s28+$0x10]  }
0x14e: {  	v5 =	vld [tilespmem:s28+$0x8010]  }
0x14f: {  	v6 =	vld [tilespmem:s28+$0x20]  }
0x150: {  	v7 =	vld [tilespmem:s28+$0x30]  }
0x151: {  	v0 =	vadd.f32 v1, v0;
	v1 =	vld [tilespmem:s28+$0x8020]  }
0x152: {  	v2 =	vadd.f32 v3, v2;
	v3 =	vld [tilespmem:s28+$0x40]  }
0x153: {  	[tilespmem:s28+$0x10170] =	vst v0;
	v0 =	vld [tilespmem:s28+$0x8030]  }
0x154: {  	[tilespmem:s28+$0x10000] =	vst v2;
	v2 =	vadd.f32 v5, v4;
	v4 =	vld [tilespmem:s28+$0x8040]  }
0x155: {  	v5 =	vld [tilespmem:s28+$0x8050]  }
0x156: {  	[tilespmem:s28+$0x10010] =	vst v2;
	v2 =	vld [tilespmem:s28+$0x50];
	v1 =	vadd.f32 v1, v6  }
0x157: {  	v6 =	vld [tilespmem:s28+$0x8060]  }
0x158: {  	[tilespmem:s28+$0x10020] =	vst v1;
	v0 =	vadd.f32 v0, v7;
	v1 =	vld [tilespmem:s28+$0x60]  }
0x159: {  	v7 =	vld [tilespmem:s28+$0x8130]  }
0x15a: {  	[tilespmem:s28+$0x10030] =	vst v0;
	v0 =	vadd.f32 v4, v3;
	v3 =	vld [tilespmem:s28+$0x70]  }
0x15b: {  	v4 =	vld [tilespmem:s28+$0x8070]  }
0x15c: {  	[tilespmem:s28+$0x10040] =	vst v0;
	v0 =	vadd.f32 v5, v2;
	v2 =	vld [tilespmem:s28+$0x100]  }
0x15d: {  	v5 =	vld [tilespmem:s28+$0x8100]  }
0x15e: {  	[tilespmem:s28+$0x10050] =	vst v0;
	v0 =	vadd.f32 v6, v1;
	v1 =	vld [tilespmem:s28+$0x110]  }
0x15f: {  	v6 =	vld [tilespmem:s28+$0x8110]  }
0x160: {  	[tilespmem:s28+$0x10060] =	vst v0;
	v0 =	vadd.f32 v4, v3;
	v3 =	vld [tilespmem:s28+$0x120]  }
0x161: {  	v4 =	vld [tilespmem:s28+$0x8120]  }
0x162: {  	[tilespmem:s28+$0x10070] =	vst v0;
	v0 =	vadd.f32 v5, v2;
	v5 =	vld [tilespmem:s28+$0x130]  }
0x163: {  	v8 =	vld [tilespmem:s28+$0x8140]  }
0x164: {  	[tilespmem:s28+$0x10100] =	vst v0;
	v0 =	vadd.f32 v6, v1;
	v6 =	vld [tilespmem:s28+$0x140]  }
0x165: {  	v2 =	vld [tilespmem:s28+$0x150]  }
0x166: {  	[tilespmem:s28+$0x10110] =	vst v0;
	v0 =	vadd.f32 v4, v3;
	v3 =	vld [tilespmem:s28+$0x8150]  }
0x167: {  	v4 =	vld [tilespmem:s28+$0x8160];
	v5 =	vadd.f32 v7, v5  }
0x168: {  	s30 =	simm.s32 $0x200;
	[tilespmem:s28+$0x10120] =	vst v0;
	v0 =	vld [tilespmem:s28+$0x160]  }
0x169: {  	s29 =	simm.s32 $0x1000;
	v1 =	vld [tilespmem:s30+$0x170];
	[tilespmem:s28+$0x10130] =	vst v5;
	v5 =	vadd.f32 v8, v6  }
.LBB2_27:
0x16a: {  	p0 =	sne.s32 s29, $0x1F800;
	v6 =	vld [tilespmem:s30+$0x8170]  }
0x16b: {  	v7 =	vld [tilespmem:s30+$0x0];
	[tilespmem:s28+$0x10140] =	vst v5;
	v2 =	vadd.f32 v3, v2  }
0x16c: {  	v3 =	vld [tilespmem:s30+$0x8000]  }
0x16d: {  	v5 =	vld [tilespmem:s30+$0x10];
	[tilespmem:s28+$0x10150] =	vst v2;
	v0 =	vadd.f32 v4, v0  }
0x16e: {  	v2 =	vld [tilespmem:s30+$0x8010]  }
0x16f: {  	v4 =	vld [tilespmem:s30+$0x20];
	v1 =	vadd.f32 v6, v1;
	[tilespmem:s28+$0x10160] =	vst v0;
	s28 =	smov.u32 s30  }
0x170: {  	v0 =	vld [tilespmem:s28+$0x8020]  }
0x171: {  	v3 =	vadd.f32 v3, v7;
	v6 =	vld [tilespmem:s28+$0x30];
	[tilespmem:s28+$0x10170] =	vst v1  }
0x172: {  	v1 =	vld [tilespmem:s28+$0x8030]  }
0x173: {  	[tilespmem:s28+$0x10000] =	vst v3;
	v2 =	vadd.f32 v2, v5;
	v3 =	vld [tilespmem:s28+$0x40]  }
0x174: {  	v5 =	vld [tilespmem:s28+$0x8040]  }
0x175: {  	[tilespmem:s28+$0x10010] =	vst v2;
	v0 =	vadd.f32 v0, v4;
	v2 =	vld [tilespmem:s28+$0x50]  }
0x176: {  	v4 =	vld [tilespmem:s28+$0x8050]  }
0x177: {  	[tilespmem:s28+$0x10020] =	vst v0;
	v0 =	vadd.f32 v1, v6;
	v1 =	vld [tilespmem:s28+$0x60]  }
0x178: {  	v6 =	vld [tilespmem:s28+$0x8060]  }
0x179: {  	[tilespmem:s28+$0x10030] =	vst v0;
	v0 =	vadd.f32 v5, v3;
	v3 =	vld [tilespmem:s28+$0x70]  }
0x17a: {  	v5 =	vld [tilespmem:s28+$0x8070]  }
0x17b: {  	[tilespmem:s28+$0x10040] =	vst v0;
	v0 =	vadd.f32 v4, v2;
	v2 =	vld [tilespmem:s28+$0x100]  }
0x17c: {  	v4 =	vld [tilespmem:s28+$0x8100]  }
0x17d: {  	[tilespmem:s28+$0x10050] =	vst v0;
	v0 =	vadd.f32 v6, v1;
	v1 =	vld [tilespmem:s28+$0x110]  }
0x17e: {  	v6 =	vld [tilespmem:s28+$0x8110]  }
0x17f: {  	[tilespmem:s28+$0x10060] =	vst v0;
	v0 =	vadd.f32 v5, v3;
	v3 =	vld [tilespmem:s28+$0x120]  }
0x180: {  	v5 =	vld [tilespmem:s28+$0x8120]  }
0x181: {  	[tilespmem:s28+$0x10070] =	vst v0;
	v0 =	vadd.f32 v4, v2;
	v4 =	vld [tilespmem:s28+$0x130]  }
0x182: {  	v7 =	vld [tilespmem:s28+$0x8130]  }
0x183: {  	[tilespmem:s28+$0x10100] =	vst v0;
	v0 =	vadd.f32 v6, v1;
	v6 =	vld [tilespmem:s28+$0x140]  }
0x184: {  	v8 =	vld [tilespmem:s28+$0x8140]  }
.Ltmp14:
0x185: {  	[tilespmem:s28+$0x10110] =	vst v0;
	v0 =	vadd.f32 v5, v3;
	v2 =	vld [tilespmem:s28+$0x150];
	(pc) =	sbr.rel @p0 .LBB2_27-.Ltmp14, $4  }
0x186: {  	v3 =	vld [tilespmem:s28+$0x8150]  }
0x187: {  	[tilespmem:s28+$0x10120] =	vst v0;
	v5 =	vadd.f32 v7, v4;
	v0 =	vld [tilespmem:s28+$0x160]  }
0x188: {  	s30 =	sshra.s32 s29, $0x2;
	v4 =	vld [tilespmem:s28+$0x8160]  }
0x189: {  	s29 =	sadd.s32 $0x800, s29;
	v1 =	vld [tilespmem:s30+$0x170];
	[tilespmem:s28+$0x10130] =	vst v5;
	v5 =	vadd.f32 v8, v6  }
0x18a: {  	v6 =	vld [tilespmem:s30+$0x8170]  }
0x18b: {  	v7 =	vld [tilespmem:s30+$0x0];
	[tilespmem:s28+$0x10140] =	vst v5;
	v2 =	vadd.f32 v3, v2  }
0x18c: {  	v28 =	vld [tilespmem:s30+$0x8000]  }
0x18d: {  	v5 =	vld [tilespmem:s30+$0x10];
	[tilespmem:s28+$0x10150] =	vst v2;
	v0 =	vadd.f32 v4, v0  }
0x18e: {  	v2 =	vld [tilespmem:s30+$0x8010]  }
0x18f: {  	v29 =	vld [tilespmem:s30+$0x20];
	[tilespmem:s28+$0x10160] =	vst v0  }
0x190: {  	v31 =	vld [tilespmem:s30+$0x8020]  }
0x191: {  	v32 =	vld [tilespmem:s30+$0x30]  }
0x192: {  	v33 =	vld [tilespmem:s30+$0x8030]  }
0x193: {  	v34 =	vld [tilespmem:s30+$0x40]  }
0x194: {  	v35 =	vld [tilespmem:s30+$0x8040]  }
0x195: {  	v36 =	vld [tilespmem:s30+$0x50]  }
0x196: {  	v37 =	vld [tilespmem:s30+$0x8050]  }
0x197: {  	v38 =	vld [tilespmem:s30+$0x60]  }
0x198: {  	v39 =	vld [tilespmem:s30+$0x8060]  }
0x199: {  	v41 =	vld [tilespmem:s30+$0x70]  }
0x19a: {  	v42 =	vld [tilespmem:s30+$0x8070]  }
0x19b: {  	v44 =	vld [tilespmem:s30+$0x100]  }
0x19c: {  	v45 =	vld [tilespmem:s30+$0x8100]  }
0x19d: {  	v47 =	vld [tilespmem:s30+$0x110]  }
0x19e: {  	v30 =	vadd.f32 v6, v1;
	v48 =	vld [tilespmem:s30+$0x8110]  }
0x19f: {  	v50 =	vld [tilespmem:s30+$0x120];
	v3 =	vadd.f32 v28, v7  }
0x1a0: {  	v51 =	vld [tilespmem:s30+$0x8120];
	[tilespmem:s30+$0x10170] =	vst v30;
	v2 =	vadd.f32 v2, v5  }
0x1a1: {  	v53 =	vld [tilespmem:s30+$0x130];
	[tilespmem:s30+$0x10000] =	vst v3;
	v1 =	vadd.f32 v31, v29  }
0x1a2: {  	v54 =	vld [tilespmem:s30+$0x8130];
	[tilespmem:s30+$0x10010] =	vst v2;
	v0 =	vadd.f32 v33, v32  }
0x1a3: {  	v56 =	vld [tilespmem:s30+$0x140];
	v40 =	vadd.f32 v35, v34;
	[tilespmem:s30+$0x10020] =	vst v1  }
0x1a4: {  	v57 =	vld [tilespmem:s30+$0x8140];
	v43 =	vadd.f32 v37, v36;
	[tilespmem:s30+$0x10030] =	vst v0  }
0x1a5: {  	v59 =	vld [tilespmem:s30+$0x150];
	v46 =	vadd.f32 v39, v38;
	[tilespmem:s30+$0x10040] =	vst v40  }
0x1a6: {  	v60 =	vld [tilespmem:s30+$0x8150];
	v49 =	vadd.f32 v42, v41;
	[tilespmem:s30+$0x10050] =	vst v43  }
0x1a7: {  	v61 =	vld [tilespmem:s30+$0x160];
	v52 =	vadd.f32 v45, v44;
	[tilespmem:s30+$0x10060] =	vst v46  }
0x1a8: {  	v62 =	vld [tilespmem:s30+$0x8160];
	v55 =	vadd.f32 v48, v47;
	[tilespmem:s30+$0x10070] =	vst v49  }
0x1a9: {  	v58 =	vadd.f32 v51, v50;
	[tilespmem:s30+$0x10100] =	vst v52  }
0x1aa: {  	v2 =	vadd.f32 v54, v53;
	[tilespmem:s30+$0x10110] =	vst v55  }
0x1ab: {  	s28 =	sshll.u32 s26, $0xF;
	v63 =	vadd.f32 v60, v59;
	[tilespmem:s30+$0x10120] =	vst v58  }
0x1ac: {  	s0 =	sor.u32 s6, s28;
	v1 =	vadd.f32 v57, v56;
	[tilespmem:s30+$0x10130] =	vst v2  }
0x1ad: {  	s29 =	sshrl.u32 s0, $0x3;
	v0 =	vadd.f32 v62, v61;
	[tilespmem:s30+$0x10150] =	vst v63  }
0x1ae: {  	s31 =	simm.s32 $0x10000;
	s0 =	sadd.s32 s5, s29;
	[tilespmem:s30+$0x10140] =	vst v1  }
0x1af: {  	s2 =	simm.s32 $0x10100;
	s18 =	sadd.s32 $0x0, s0;
	[tilespmem:s30+$0x10160] =	vst v0;
	s30 =	simm.s32 $0x10  }
.LBB2_29:
0x1b0: {  	[hbm4b:s18+s3] =	stream.linear.scatter [tilespmem:s31], [sflag:$0x5], $0x80, $0x38;
	[tilespmem:$0x18000] =	vst v63  }
0x1b1: {  	s18 =	smov.u32 s30;
	s31 =	smov.u32 s2;
	p0 =	sne.s32 s30, $0x7F0  }
.Ltmp15:
0x1b2: {  	s30 =	sadd.s32 $0x10, s30;
	(pc) =	sbr.rel @p0 .LBB2_29-.Ltmp15, $2  }
0x1b3: {  	_ =	sdelay $0x2  }
0x1b4: {  	s2 =	sadd.s32 $0x100, s2;
	s18 =	sadd.s32 s18, s0  }
0x1b5: {  	p0 =	seq.s32 s26, $0x1F  }
.Ltmp16:
0x1b6: {  	_ = 	snop;
	(pc) =	sbr.rel @p0 .LBB2_36-.Ltmp16, $2  }
0x1b7: {  	_ =	sdelay $0x2  }
0x1b8: {  	[hbm4b:s18+s3] =	stream.linear.scatter [tilespmem:s31], [sflag:$0x5], $0x80, $0x38;
	[tilespmem:$0x18000] =	vst v63  }
0x1b9: {  	s0 =	sadd.s32 $0x8000, s28  }
0x1ba: {  	s2 =	sadd.s32 s6, s0  }
0x1bb: {  	s2 =	sshrl.u32 s2, $0x3  }
0x1bc: {  	s31 =	simm.s32 $0x0;
	s30 =	sadd.s32 s1, s2  }
0x1bd: {  	s18 =	simm.s32 $0x100;
	s2 =	simm.s32 $0x10;
	s25 =	sadd.s32 $0x0, s30  }
.LBB2_32:
0x1be: {  	[tilespmem:s31], [sflag:$0x1] =	stream.linear.gather [hbm4b:s25+s3], $0x80, $0x38;
	[tilespmem:$0x18000] =	vst v63  }
0x1bf: {  	s25 =	smov.u32 s2;
	s31 =	smov.u32 s18;
	p1 =	sne.s32 s2, $0x7F0  }
.Ltmp17:
0x1c0: {  	s2 =	sadd.s32 $0x10, s2;
	(pc) =	sbr.rel @p1 .LBB2_32-.Ltmp17, $2  }
0x1c1: {  	_ =	sdelay $0x2  }
0x1c2: {  	s18 =	sadd.s32 $0x100, s18;
	s25 =	sadd.s32 s25, s30  }
0x1c3: {  	[tilespmem:s31], [sflag:$0x1] =	stream.linear.gather [hbm4b:s25+s3], $0x80, $0x38;
	[tilespmem:$0x18000] =	vst v63  }
0x1c4: {  	s0 =	sadd.s32 s7, s0  }
0x1c5: {  	s0 =	sshrl.u32 s0, $0x3  }
0x1c6: {  	s30 =	simm.s32 $0x8000;
	s0 =	sadd.s32 s4, s0  }
0x1c7: {  	s2 =	simm.s32 $0x10;
	s18 =	simm.s32 $0x8100;
	s25 =	sadd.s32 $0x0, s0  }
.LBB2_34:
0x1c8: {  	[tilespmem:s30], [sflag:$0x3] =	stream.linear.gather [hbm4b:s25+s3], $0x80, $0x38;
	[tilespmem:$0x18000] =	vst v63  }
0x1c9: {  	s25 =	smov.u32 s2;
	s30 =	smov.u32 s18;
	p1 =	sne.s32 s2, $0x7F0  }
.Ltmp18:
0x1ca: {  	s2 =	sadd.s32 $0x10, s2;
	(pc) =	sbr.rel @p1 .LBB2_34-.Ltmp18, $2  }
0x1cb: {  	_ =	sdelay $0x2  }
0x1cc: {  	s18 =	sadd.s32 $0x100, s18;
	s25 =	sadd.s32 s25, s0  }
0x1cd: {  	[tilespmem:s30], [sflag:$0x3] =	stream.linear.gather [hbm4b:s25+s3], $0x80, $0x38;
	[tilespmem:$0x18000] =	vst v63  }
.LBB2_36:
0x1ce: {  	_ =	swait.ge [sflag:s21], $0x4000  }
0x1cf: {  	[sflag:s21] =	ssyncset.done $0x0  }
0x1d0: {  	[sflag:s21] =	ssyncadd.s32 $0xFFFFC000  }
0x1d1: {  	_ =	swait.ge [sflag:s22], $0x4000  }
0x1d2: {  	[sflag:s22] =	ssyncset.done $0x0  }
0x1d3: {  	[sflag:s22] =	ssyncadd.s32 $0xFFFFC000  }
0x1d4: {  	_ =	swait.ge [sflag:s24], $0x4000  }
0x1d5: {  	[sflag:s24] =	ssyncset.done $0x0  }
0x1d6: {  	s30 =	simm.s32 $0x0;
	[sflag:s24] =	ssyncadd.s32 $0xFFFFC000  }
0x1d7: {  	v0 =	vld [tilespmem:s30+$0x1F0]  }
0x1d8: {  	v1 =	vld [tilespmem:s30+$0x81F0]  }
0x1d9: {  	v2 =	vld [tilespmem:s30+$0x80]  }
0x1da: {  	v3 =	vld [tilespmem:s30+$0x8080]  }
0x1db: {  	v4 =	vld [tilespmem:s30+$0x90]  }
0x1dc: {  	v5 =	vld [tilespmem:s30+$0x8090]  }
0x1dd: {  	v6 =	vld [tilespmem:s30+$0xA0]  }
0x1de: {  	v7 =	vld [tilespmem:s30+$0xB0]  }
0x1df: {  	v0 =	vadd.f32 v1, v0;
	v1 =	vld [tilespmem:s30+$0x80A0]  }
0x1e0: {  	v2 =	vadd.f32 v3, v2;
	v3 =	vld [tilespmem:s30+$0xC0]  }
0x1e1: {  	[tilespmem:s30+$0x101F0] =	vst v0;
	v0 =	vld [tilespmem:s30+$0x80B0]  }
0x1e2: {  	[tilespmem:s30+$0x10080] =	vst v2;
	v2 =	vadd.f32 v5, v4;
	v4 =	vld [tilespmem:s30+$0x80C0]  }
0x1e3: {  	v5 =	vld [tilespmem:s30+$0x80D0]  }
0x1e4: {  	[tilespmem:s30+$0x10090] =	vst v2;
	v2 =	vld [tilespmem:s30+$0xD0];
	v1 =	vadd.f32 v1, v6  }
0x1e5: {  	v6 =	vld [tilespmem:s30+$0x80E0]  }
0x1e6: {  	[tilespmem:s30+$0x100A0] =	vst v1;
	v0 =	vadd.f32 v0, v7;
	v1 =	vld [tilespmem:s30+$0xE0]  }
0x1e7: {  	v7 =	vld [tilespmem:s30+$0x81B0]  }
0x1e8: {  	[tilespmem:s30+$0x100B0] =	vst v0;
	v0 =	vadd.f32 v4, v3;
	v3 =	vld [tilespmem:s30+$0xF0]  }
0x1e9: {  	v4 =	vld [tilespmem:s30+$0x80F0]  }
0x1ea: {  	[tilespmem:s30+$0x100C0] =	vst v0;
	v0 =	vadd.f32 v5, v2;
	v2 =	vld [tilespmem:s30+$0x180]  }
0x1eb: {  	v5 =	vld [tilespmem:s30+$0x8180]  }
0x1ec: {  	[tilespmem:s30+$0x100D0] =	vst v0;
	v0 =	vadd.f32 v6, v1;
	v1 =	vld [tilespmem:s30+$0x190]  }
0x1ed: {  	v6 =	vld [tilespmem:s30+$0x8190]  }
0x1ee: {  	[tilespmem:s30+$0x100E0] =	vst v0;
	v0 =	vadd.f32 v4, v3;
	v3 =	vld [tilespmem:s30+$0x1A0]  }
0x1ef: {  	v4 =	vld [tilespmem:s30+$0x81A0]  }
0x1f0: {  	[tilespmem:s30+$0x100F0] =	vst v0;
	v0 =	vadd.f32 v5, v2;
	v5 =	vld [tilespmem:s30+$0x1B0]  }
0x1f1: {  	v8 =	vld [tilespmem:s30+$0x81C0]  }
0x1f2: {  	[tilespmem:s30+$0x10180] =	vst v0;
	v0 =	vadd.f32 v6, v1;
	v6 =	vld [tilespmem:s30+$0x1C0]  }
0x1f3: {  	v2 =	vld [tilespmem:s30+$0x1D0]  }
0x1f4: {  	[tilespmem:s30+$0x10190] =	vst v0;
	v0 =	vadd.f32 v4, v3;
	v3 =	vld [tilespmem:s30+$0x81D0]  }
0x1f5: {  	v4 =	vld [tilespmem:s30+$0x81E0];
	v5 =	vadd.f32 v7, v5  }
0x1f6: {  	s31 =	simm.s32 $0x200;
	[tilespmem:s30+$0x101A0] =	vst v0;
	v0 =	vld [tilespmem:s30+$0x1E0]  }
0x1f7: {  	s0 =	simm.s32 $0x1000;
	v1 =	vld [tilespmem:s31+$0x1F0];
	[tilespmem:s30+$0x101B0] =	vst v5;
	v5 =	vadd.f32 v8, v6  }
.LBB2_37:
0x1f8: {  	p1 =	sne.s32 s0, $0x1F800;
	v6 =	vld [tilespmem:s31+$0x81F0]  }
0x1f9: {  	v7 =	vld [tilespmem:s31+$0x80];
	[tilespmem:s30+$0x101C0] =	vst v5;
	v2 =	vadd.f32 v3, v2  }
0x1fa: {  	v3 =	vld [tilespmem:s31+$0x8080]  }
0x1fb: {  	v5 =	vld [tilespmem:s31+$0x90];
	[tilespmem:s30+$0x101D0] =	vst v2;
	v0 =	vadd.f32 v4, v0  }
0x1fc: {  	v2 =	vld [tilespmem:s31+$0x8090]  }
0x1fd: {  	v4 =	vld [tilespmem:s31+$0xA0];
	v1 =	vadd.f32 v6, v1;
	[tilespmem:s30+$0x101E0] =	vst v0;
	s30 =	smov.u32 s31  }
0x1fe: {  	v0 =	vld [tilespmem:s30+$0x80A0]  }
0x1ff: {  	v3 =	vadd.f32 v3, v7;
	v6 =	vld [tilespmem:s30+$0xB0];
	[tilespmem:s30+$0x101F0] =	vst v1  }
0x200: {  	v1 =	vld [tilespmem:s30+$0x80B0]  }
0x201: {  	[tilespmem:s30+$0x10080] =	vst v3;
	v2 =	vadd.f32 v2, v5;
	v3 =	vld [tilespmem:s30+$0xC0]  }
0x202: {  	v5 =	vld [tilespmem:s30+$0x80C0]  }
0x203: {  	[tilespmem:s30+$0x10090] =	vst v2;
	v0 =	vadd.f32 v0, v4;
	v2 =	vld [tilespmem:s30+$0xD0]  }
0x204: {  	v4 =	vld [tilespmem:s30+$0x80D0]  }
0x205: {  	[tilespmem:s30+$0x100A0] =	vst v0;
	v0 =	vadd.f32 v1, v6;
	v1 =	vld [tilespmem:s30+$0xE0]  }
0x206: {  	v6 =	vld [tilespmem:s30+$0x80E0]  }
0x207: {  	[tilespmem:s30+$0x100B0] =	vst v0;
	v0 =	vadd.f32 v5, v3;
	v3 =	vld [tilespmem:s30+$0xF0]  }
0x208: {  	v5 =	vld [tilespmem:s30+$0x80F0]  }
0x209: {  	[tilespmem:s30+$0x100C0] =	vst v0;
	v0 =	vadd.f32 v4, v2;
	v2 =	vld [tilespmem:s30+$0x180]  }
0x20a: {  	v4 =	vld [tilespmem:s30+$0x8180]  }
0x20b: {  	[tilespmem:s30+$0x100D0] =	vst v0;
	v0 =	vadd.f32 v6, v1;
	v1 =	vld [tilespmem:s30+$0x190]  }
0x20c: {  	v6 =	vld [tilespmem:s30+$0x8190]  }
0x20d: {  	[tilespmem:s30+$0x100E0] =	vst v0;
	v0 =	vadd.f32 v5, v3;
	v3 =	vld [tilespmem:s30+$0x1A0]  }
0x20e: {  	v5 =	vld [tilespmem:s30+$0x81A0]  }
0x20f: {  	[tilespmem:s30+$0x100F0] =	vst v0;
	v0 =	vadd.f32 v4, v2;
	v4 =	vld [tilespmem:s30+$0x1B0]  }
0x210: {  	v7 =	vld [tilespmem:s30+$0x81B0]  }
0x211: {  	[tilespmem:s30+$0x10180] =	vst v0;
	v0 =	vadd.f32 v6, v1;
	v6 =	vld [tilespmem:s30+$0x1C0]  }
0x212: {  	v8 =	vld [tilespmem:s30+$0x81C0]  }
.Ltmp19:
0x213: {  	[tilespmem:s30+$0x10190] =	vst v0;
	v0 =	vadd.f32 v5, v3;
	v2 =	vld [tilespmem:s30+$0x1D0];
	(pc) =	sbr.rel @p1 .LBB2_37-.Ltmp19, $4  }
0x214: {  	v3 =	vld [tilespmem:s30+$0x81D0]  }
0x215: {  	[tilespmem:s30+$0x101A0] =	vst v0;
	v5 =	vadd.f32 v7, v4;
	v0 =	vld [tilespmem:s30+$0x1E0]  }
0x216: {  	s31 =	sshra.s32 s0, $0x2;
	v4 =	vld [tilespmem:s30+$0x81E0]  }
0x217: {  	s0 =	sadd.s32 $0x800, s0;
	v1 =	vld [tilespmem:s31+$0x1F0];
	[tilespmem:s30+$0x101B0] =	vst v5;
	v5 =	vadd.f32 v8, v6  }
0x218: {  	v6 =	vld [tilespmem:s31+$0x81F0]  }
0x219: {  	v7 =	vld [tilespmem:s31+$0x80];
	[tilespmem:s30+$0x101C0] =	vst v5;
	v2 =	vadd.f32 v3, v2  }
0x21a: {  	v28 =	vld [tilespmem:s31+$0x8080]  }
0x21b: {  	v5 =	vld [tilespmem:s31+$0x90];
	[tilespmem:s30+$0x101D0] =	vst v2;
	v0 =	vadd.f32 v4, v0  }
0x21c: {  	v2 =	vld [tilespmem:s31+$0x8090]  }
0x21d: {  	v29 =	vld [tilespmem:s31+$0xA0];
	[tilespmem:s30+$0x101E0] =	vst v0  }
0x21e: {  	v31 =	vld [tilespmem:s31+$0x80A0]  }
0x21f: {  	v32 =	vld [tilespmem:s31+$0xB0]  }
0x220: {  	v33 =	vld [tilespmem:s31+$0x80B0]  }
0x221: {  	v34 =	vld [tilespmem:s31+$0xC0]  }
0x222: {  	v35 =	vld [tilespmem:s31+$0x80C0]  }
0x223: {  	v36 =	vld [tilespmem:s31+$0xD0]  }
0x224: {  	v37 =	vld [tilespmem:s31+$0x80D0]  }
0x225: {  	v38 =	vld [tilespmem:s31+$0xE0]  }
0x226: {  	v39 =	vld [tilespmem:s31+$0x80E0]  }
0x227: {  	v41 =	vld [tilespmem:s31+$0xF0]  }
0x228: {  	v42 =	vld [tilespmem:s31+$0x80F0]  }
0x229: {  	v44 =	vld [tilespmem:s31+$0x180]  }
0x22a: {  	v45 =	vld [tilespmem:s31+$0x8180]  }
0x22b: {  	v47 =	vld [tilespmem:s31+$0x190]  }
0x22c: {  	v30 =	vadd.f32 v6, v1;
	v48 =	vld [tilespmem:s31+$0x8190]  }
0x22d: {  	v50 =	vld [tilespmem:s31+$0x1A0];
	v3 =	vadd.f32 v28, v7  }
0x22e: {  	v51 =	vld [tilespmem:s31+$0x81A0];
	[tilespmem:s31+$0x101F0] =	vst v30;
	v2 =	vadd.f32 v2, v5  }
0x22f: {  	v53 =	vld [tilespmem:s31+$0x1B0];
	[tilespmem:s31+$0x10080] =	vst v3;
	v1 =	vadd.f32 v31, v29  }
0x230: {  	v54 =	vld [tilespmem:s31+$0x81B0];
	[tilespmem:s31+$0x10090] =	vst v2;
	v0 =	vadd.f32 v33, v32  }
0x231: {  	v56 =	vld [tilespmem:s31+$0x1C0];
	v40 =	vadd.f32 v35, v34;
	[tilespmem:s31+$0x100A0] =	vst v1  }
0x232: {  	v57 =	vld [tilespmem:s31+$0x81C0];
	v43 =	vadd.f32 v37, v36;
	[tilespmem:s31+$0x100B0] =	vst v0  }
0x233: {  	v59 =	vld [tilespmem:s31+$0x1D0];
	v46 =	vadd.f32 v39, v38;
	[tilespmem:s31+$0x100C0] =	vst v40  }
0x234: {  	v60 =	vld [tilespmem:s31+$0x81D0];
	v49 =	vadd.f32 v42, v41;
	[tilespmem:s31+$0x100D0] =	vst v43  }
0x235: {  	v61 =	vld [tilespmem:s31+$0x1E0];
	v52 =	vadd.f32 v45, v44;
	[tilespmem:s31+$0x100E0] =	vst v46  }
0x236: {  	v62 =	vld [tilespmem:s31+$0x81E0];
	v55 =	vadd.f32 v48, v47;
	[tilespmem:s31+$0x100F0] =	vst v49  }
0x237: {  	v58 =	vadd.f32 v51, v50;
	[tilespmem:s31+$0x10180] =	vst v52  }
0x238: {  	v2 =	vadd.f32 v54, v53;
	[tilespmem:s31+$0x10190] =	vst v55  }
0x239: {  	v63 =	vadd.f32 v60, v59;
	[tilespmem:s31+$0x101A0] =	vst v58  }
0x23a: {  	v1 =	vadd.f32 v57, v56;
	[tilespmem:s31+$0x101B0] =	vst v2  }
0x23b: {  	s0 =	sadd.s32 s29, s5;
	v0 =	vadd.f32 v62, v61;
	[tilespmem:s31+$0x101D0] =	vst v63  }
0x23c: {  	s29 =	simm.s32 $0x10080;
	s0 =	sadd.s32 $0x800, s0;
	[tilespmem:s31+$0x101C0] =	vst v1  }
0x23d: {  	s2 =	simm.s32 $0x10;
	s18 =	simm.s32 $0x10180;
	s25 =	sadd.s32 $0x0, s0;
	[tilespmem:s31+$0x101E0] =	vst v0  }
.LBB2_39:
0x23e: {  	[hbm4b:s25+s3] =	stream.linear.scatter [tilespmem:s29], [sflag:$0x6], $0x80, $0x38;
	[tilespmem:$0x18000] =	vst v63  }
0x23f: {  	s25 =	smov.u32 s2;
	s29 =	smov.u32 s18;
	p1 =	sne.s32 s2, $0x7F0  }
.Ltmp20:
0x240: {  	s2 =	sadd.s32 $0x10, s2;
	(pc) =	sbr.rel @p1 .LBB2_39-.Ltmp20, $2  }
0x241: {  	_ =	sdelay $0x2  }
0x242: {  	s18 =	sadd.s32 $0x100, s18;
	s25 =	sadd.s32 s25, s0  }
.Ltmp21:
0x243: {  	(pc) =	sbr.rel @p0 .LBB2_46-.Ltmp21, $2  }
0x244: {  	_ =	sdelay $0x2  }
0x245: {  	[hbm4b:s25+s3] =	stream.linear.scatter [tilespmem:s29], [sflag:$0x6], $0x80, $0x38;
	[tilespmem:$0x18000] =	vst v63  }
0x246: {  	s0 =	sadd.s32 $0xC000, s28  }
0x247: {  	s2 =	sadd.s32 s6, s0  }
0x248: {  	s2 =	sshrl.u32 s2, $0x3  }
0x249: {  	s29 =	simm.s32 $0x80;
	s28 =	sadd.s32 s1, s2  }
0x24a: {  	s18 =	simm.s32 $0x180;
	s2 =	simm.s32 $0x10;
	s25 =	sadd.s32 $0x0, s28  }
.LBB2_42:
0x24b: {  	[tilespmem:s29], [sflag:$0x2] =	stream.linear.gather [hbm4b:s25+s3], $0x80, $0x38;
	[tilespmem:$0x18000] =	vst v63  }
0x24c: {  	s25 =	smov.u32 s2;
	s29 =	smov.u32 s18;
	p0 =	sne.s32 s2, $0x7F0  }
.Ltmp22:
0x24d: {  	s2 =	sadd.s32 $0x10, s2;
	(pc) =	sbr.rel @p0 .LBB2_42-.Ltmp22, $2  }
0x24e: {  	_ =	sdelay $0x2  }
0x24f: {  	s18 =	sadd.s32 $0x100, s18;
	s25 =	sadd.s32 s25, s28  }
0x250: {  	[tilespmem:s29], [sflag:$0x2] =	stream.linear.gather [hbm4b:s25+s3], $0x80, $0x38;
	[tilespmem:$0x18000] =	vst v63  }
0x251: {  	s0 =	sadd.s32 s7, s0  }
0x252: {  	s0 =	sshrl.u32 s0, $0x3  }
0x253: {  	s28 =	simm.s32 $0x8080;
	s0 =	sadd.s32 s4, s0  }
0x254: {  	s2 =	simm.s32 $0x10;
	s18 =	simm.s32 $0x8180;
	s25 =	sadd.s32 $0x0, s0  }
.LBB2_44:
0x255: {  	[tilespmem:s28], [sflag:$0x4] =	stream.linear.gather [hbm4b:s25+s3], $0x80, $0x38;
	[tilespmem:$0x18000] =	vst v63  }
0x256: {  	s25 =	smov.u32 s2;
	s28 =	smov.u32 s18;
	p0 =	sne.s32 s2, $0x7F0  }
.Ltmp23:
0x257: {  	s2 =	sadd.s32 $0x10, s2;
	(pc) =	sbr.rel @p0 .LBB2_44-.Ltmp23, $2  }
0x258: {  	_ =	sdelay $0x2  }
0x259: {  	s18 =	sadd.s32 $0x100, s18;
	s25 =	sadd.s32 s25, s0  }
.Ltmp24:
0x25a: {  	(pc) =	sbr.rel .LBB2_26-.Ltmp24, $3  }
0x25b: {  	_ =	sdelay $0x1  }
0x25c: {  	[tilespmem:s28], [sflag:$0x4] =	stream.linear.gather [hbm4b:s25+s3], $0x80, $0x38;
	[tilespmem:$0x18000] =	vst v63  }
0x25d: {  	s26 =	sadd.s32 $0x1, s26  }
.LBB2_47:
0x25e: {  	_ =	sfence.sel $0x180000  }
0x25f: {  	[bflag:$0x0] =	sbarrier.arrive $0xFFFF  }
0x260: {  	_ =	strace $0x9000004D  }
0x261: {  	s0 =	stileid.u32;
	[bflag:$0x2] =	sbarrier.arrive $0xFFFF  }
0x262: {  	p0 =	sne.s32 s0, $0x0;
	s0 =	rddreg [dreg:$0x2]  }
0x263: {  	s0 =	sadd.s32 @!p0 $0x100000, s0  }
0x264: {  	[sflag:s0] =	ssyncadd.tile.s32 @!p0 $0x1;
	_ =	shalt  }
.Lfunc_end2:
_tile_overlayer_lowered:
.L_overlay_start_2:
0x265: {  	(tag) =	ssettag $0x2  }
0x266: {  	s0 =	rddreg [dreg:$0x0];
	s2 =	stileid.u32  }
0x267: {  	s1 =	rddreg [dreg:$0x1];
	p0 =	sne.s32 s2, $0x0  }
0x268: {  	s3 =	rddreg [dreg:$0x2];
	[bflag:$0x3] =	sbarrier.arrive $0xFFFF;
	s2 =	simm.s32 @!p0 $0x1C07  }
0x269: {  	[timem:s3], [sflag:s2] =	dma.local @!p0 [hbm:s0], s1  }
0x26a: {  	s0 =	simm.s32 @!p0 $0x7  }
0x26b: {  	_ =	swait.ge @!p0 [sflag:s0], s1  }
0x26c: {  	s1 =	ssub.s32 @!p0 $0x0, s1;
	[sflag:s0] =	ssyncset.done @!p0 $0x0  }
0x26d: {  	[sflag:s0] =	ssyncadd.s32 @!p0 s1  }
0x26e: {  	[bflag:$0x3] =	sbarrier.arrive $0xFFFF  }
0x26f: {  	_ =	shalt  }

// kernel: sparse-core-data-format-call.1.cloned.1.call-start
scs
called_computation.1_lowered:
.L_overlay_start_0:
0x0: {  	s2 =	sld [smem:$0x3FD9]  }
0x1: {  	s3 =	sld [smem:$0x3FFE];
	_ =	sdelay $0x1  }
0x2: {  	s1 =	srdreg.scid  }
0x3: {  	s0 =	sand.u32 $0x1, s1  }
0x4: {  	s19 =	sshll.u32 s0, $0xA;
	s2 =	sadd.s32 s3, s2  }
0x5: {  	s2 =	sadd.s32 s2, s19  }
0x6: {  	[smem:$0x3FC6] =	sst s2  }
0x7: {  	_ = 	snop  }
0x8: {  	s20 =	sld [smem:$0x3FC9]  }
0x9: {  	s4 =	sld [smem:$0x3FD0];
	(tm) =	ssettm $0x1  }
0xa: {  	s21 =	sld [smem:$0x3FFB];
	_ =	sdelay $0x3  }
0xb: {  	_ =	strace s21  }
0xc: {  	s2 =	sld [smem:$0x3FFC];
	_ =	sdelay $0x3  }
0xd: {  	_ =	strace s2  }
0xe: {  	s2 =	sld [smem:$0x3FFD];
	_ =	sdelay $0x3  }
0xf: {  	_ =	strace s2  }
0x10: {  	_ =	strace $0x8FFFFFFF  }
0x11: {  	s22 =	sld [smem:$0x3FDB];
	_ =	sdelay $0x1  }
0x12: {  	s5 =	simm.s32 $_scs_section_size  }
0x13: {  	s6 =	simm.s32 $_size__tile_overlayer_lowered;
	s7 =	simm.s32 $_tile_overlayer_lowered  }
0x14: {  	s8 =	simm.s32 $0x1BFF;
	s23 =	sshll.u32 s7, $0x1;
	s5 =	sadd.s32 s5, s22  }
0x15: {  	s24 =	simm.s32 $0x0;
	s6 =	sshll.u32 s6, $0x1;
	s7 =	sadd.s32 s23, s5  }
0x16: {  	[timem:s24], [sflag:s8] =	dma.local [hbm:s7], s6  }
0x17: {  	_ =	swait.ge [sflag:s8], s6  }
0x18: {  	s6 =	ssub.s32 $0x0, s6;
	[sflag:s8] =	ssyncset.done $0x0  }
0x19: {  	[sflag:s8] =	ssyncadd.s32 s6;
	_ =	sdelay $0x1  }
0x1a: {  	s25 =	simm.s32 $0x1B8B  }
0x1b: {  	_ =	swait.ge [sflag:s25], $0x1  }
0x1c: {  	[sflag:s25] =	ssyncset.done $0x0  }
0x1d: {  	[sflag:s25] =	ssyncadd.s32 $0xFFFFFFFF  }
0x1e: {  	s6 =	sld [smem:$0x0]  }
0x1f: {  	s7 =	sand.u32 $0xFFFFFFFE, s1  }
0x20: {  	p0 =	sne.s32 s1, s7  }
0x21: {  	s7 =	sshll.u32 @p0 s7, $0xE  }
0x22: {  	s7 =	sadd.s32 @p0 $0x11B8D, s7;
	s8 =	sshll.u32 @p0 s6, $0x11  }
0x23: {  	s7 =	sor.u32 @p0 s8, s7  }
0x24: {  	[sflag:s7] =	ssyncadd.remote.s32 @p0 $0x1;
	_ =	sdelay $0x1  }
0x25: {  	s7 =	simm.s32 @p0 $0x1B8D  }
0x26: {  	_ =	swait.eq @p0 [sflag:s7], $0x1  }
0x27: {  	[sflag:s7] =	ssyncadd.s32 @p0 $0xFFFFFFFF  }
0x28: {  	s8 =	sshll.u32 @!p0 s1, $0xE  }
0x29: {  	s8 =	sor.u32 @!p0 $0x4000, s8;
	s7 =	simm.s32 @!p0 $0x1B8D  }
0x2a: {  	s6 =	sshll.u32 @!p0 s6, $0x11;
	s8 =	sadd.s32 @!p0 $0x11B8D, s8;
	_ =	swait.eq @!p0 [sflag:s7], $0x1  }
0x2b: {  	s6 =	sor.u32 @!p0 s6, s8;
	[sflag:s7] =	ssyncadd.s32 @!p0 $0xFFFFFFFF  }
0x2c: {  	s26 =	simm.s32 $0x1B8E;
	[sflag:s6] =	ssyncadd.remote.s32 @!p0 $0x1  }
0x2d: {  	s27 =	simm.s32 $execute0_lowered;
	[smem:$0x3FD2] =	sst s26  }
0x2e: {  	s6 =	sshll.u32 s27, $0x1;
	_ =	strace $0x80000049;
	[dreg:$0x1] =	wrdreg $0xFFFFFFFF  }
0x2f: {  	s28 =	simm.s32 $_size_execute0_lowered;
	s5 =	sadd.s32 s5, s6;
	[dreg:$0x0] =	wrdreg $0x0  }
0x30: {  	s6 =	sshll.u32 s28, $0x1;
	[dreg:$0x2] =	wrdreg s5  }
0x31: {  	[dreg:$0x3] =	wrdreg s6  }
0x32: {  	[dreg:$0x4] =	wrdreg $0xC0  }
0x33: {  	_ =	task [dreg:s24], $0x5FFFF  }
0x34: {  	[dreg:$0x1] =	wrdreg $0xFFFFFFFF  }
0x35: {  	[dreg:$0x0] =	wrdreg $0x60  }
0x36: {  	[dreg:$0x2] =	wrdreg s20  }
0x37: {  	[dreg:$0x3] =	wrdreg s4  }
0x38: {  	[dreg:$0x4] =	wrdreg $0xA  }
0x39: {  	_ =	task.clear_ibuf [dreg:s24], $0x5FFFF;
	_ =	strace $0x90000049  }
0x3a: {  	s29 =	simm.s32 $0xA;
	_ =	strace $0x8000004B  }
0x3b: {  	_ =	swait.ge [sflag:s29], $0x1  }
0x3c: {  	[sflag:s29] =	ssyncadd.s32 $0xFFFFFFFF  }
0x3d: {  	_ =	strace $0x9000004B  }
0x3e: {  	_ =	sfence  }
0x3f: {  	s30 =	sld [smem:$0x0];
	_ =	sdelay $0x2  }
0x40: {  	s31 =	sshll.u32 s1, $0xD;
	s1 =	sshrl.u32 s1, $0x2  }
0x41: {  	s4 =	sand.u32 $0x4000, s31;
	s1 =	sadd.s32 s1, s30  }
0x42: {  	s0 =	sor.u32 s4, s0;
	s1 =	sshll.u32 s1, $0x11  }
0x43: {  	s0 =	sor.u32 s1, s0  }
0x44: {  	s0 =	sadd.s32 $0x8F2B, s0  }
0x45: {  	[sflag:s0] =	ssyncadd.remote.s32 $0x1  }
0x46: {  	_ =	sfence.sel $0xFFFF  }
0x47: {  	[dreg:$0x0] =	wrdreg $0xFFFFFFFF;
	(pc) =	sbr.abs _section_cstart, $3  }
0x48: {  	[dreg:$0x1] =	wrdreg $0xFFFFFFFF  }
0x49: {  	_ =	task.clear_ibuf [dreg:s24], $0x2FFFF;
	_ =	strace $0x9FFFFFFF  }
0x4a: {  	(tm) =	ssettm $0x7FFFFFFF  }
0x4b: {  	_ =	shalt  }
tec
execute0_lowered:
.L_overlay_start_1:
0x0: {  	(tag) =	ssettag $0x1  }
0x1: {  	s0 =	srdreg.scid  }
0x2: {  	s1 =	sshll.u32 s0, $0x4  }
0x3: {  	s2 =	rddreg [dreg:$0x0];
	s0 =	stileid.u32;
	s1 =	sand.u32 $0x10, s1  }
0x4: {  	s4 =	rddreg [dreg:$0x1];
	s1 =	sor.u32 s0, s1  }
0x5: {  	s7 =	simm.s32 $0x1;
	s8 =	simm.s32 $0x2;
	s3 =	sshll.u32 s1, $0x1  }
0x6: {  	s9 =	simm.s32 $0x0;
	s12 =	simm.s32 $0x0;
	s6 =	ssub.s32 $0x1000, s3  }
.Ltmp0:
0x7: {  	s11 =	simm.s32 $0x0;
	s5 =	sand.u32 $0x3E, s6;
	(pc) =	sbr.rel .LBB1_1-.Ltmp0, $4  }
0x8: {  	s1 =	rddreg [dreg:$0x2];
	_ =	strace $0x8000004A;
	p0 =	sne.s32 s5, $0x0  }
0x9: {  	s6 =	sshrl.u32 s6, $0x6;
	s5 =	simm.s32 $0x1;
	s7 =	simm.s32 @!p0 $0x0  }
0xa: {  	s10 =	smov.u32 s3;
	[sflag:s5] =	ssyncpa.u1 $0x0;
	s6 =	sadd.s32 s7, s6  }
0xb: {  	[sflag:s8] =	ssyncpa.u1 $0x0;
	s8 =	simm.s32 $0x0;
	s7 =	sadd.s32 $0x1, s6  }
.LBB1_9:
0xc: {  	s14 =	sadd.s32 $0x40, s10  }
0xd: {  	p1 =	sgt.s32 s14, $0xFFF  }
0xe: {  	s14 =	smov.u32 @p1 s3;
	p1 =	sne.s32 s11, s7  }
.Ltmp1:
0xf: {  	p0 =	slt.u32 s11, $0x2;
	(pc) =	sbr.rel @!p1 .LBB1_10-.Ltmp1, $4  }
0x10: {  	s13 =	simm.s32 @!p0 $0x2  }
0x11: {  	s15 =	sadd.s32 $0x1, s11;
	_ =	swait.ge @!p0 [sflag:s13], $0x4000  }
0x12: {  	s12 =	smov.u32 s10;
	s9 =	sadd.s32 $0x4000, s9;
	[sflag:s13] =	ssyncset.done @!p0 $0x0  }
0x13: {  	s11 =	smov.u32 s15;
	s10 =	smov.u32 s14;
	[sflag:s13] =	ssyncadd.s32 @!p0 $0xFFFFC000  }
.LBB1_1:
0x14: {  	p0 =	sge.u32 s11, s6  }
0x15: {  	s13 =	sxor.u32 @!p0 $0xFFFFFFFF, s11  }
0x16: {  	s31 =	sadd.s32 $0xFFFFFFFF, s11;
	s14 =	sshll.u32 @!p0 s10, $0xA;
	s13 =	sshll.u32 @!p0 s13, $0xE  }
0x17: {  	s15 =	simm.s32 @!p0 $0x0;
	s14 =	sadd.s32 @!p0 s2, s14;
	s13 =	sand.u32 @!p0 $0x4000, s13  }
0x18: {  	[tilespmem:s13], [sflag:$0x1] =	stream.linear.gather @!p0 [hbm4b:s14+s15], $0x4000, $0x38;
	[tilespmem:$0x10000] =	vst v63  }
0x19: {  	p0 =	sge.u32 s31, s6  }
.Ltmp2:
0x1a: {  	_ = 	snop;
	(pc) =	sbr.rel @p0 .LBB1_9-.Ltmp2, $1  }
0x1b: {  	_ =	sdelay $0x3  }
0x1c: {  	s13 =	sshll.u32 s9, $0x2  }
0x1d: {  	_ =	swait.ge [sflag:s5], $0x4000;
	s14 =	sshll.u32 s11, $0xE;
	s16 =	simm.s32 $0x0  }
0x1e: {  	p1 =	por $0x1, $0x1;
	s13 =	sand.u32 $0x10000, s13;
	[sflag:s5] =	ssyncset.done $0x0  }
0x1f: {  	s14 =	sand.u32 $0x4000, s14;
	s15 =	sshrl.u32 s13, $0x2;
	[sflag:s5] =	ssyncadd.s32 $0xFFFFC000  }
0x20: {  	s13 =	sor.u32 $0x8000, s14;
	s14 =	sadd.s32 $0x8040, s15;
	s15 =	sadd.s32 $0x40, s15  }
.LBB1_3:
0x21: {  	s16 =	sshll.u32 s16, $0x2  }
0x22: {  	p0 =	por p1, p1;
	s17 =	sshra.s32 s16, $0x2  }
0x23: {  	s18 =	simm.s32 $0x0;
	s16 =	sadd.s32 s17, s14;
	s17 =	sadd.s32 s17, s15  }
.LBB1_4:
0x24: {  	v0 =	vmov s17;
	_ =	sdelay $0x3  }
0x25: {  	s20 =	simm.s32 $0x0  }
0x26: {  	v6 =	vld.idx.msk [tilespmem:v0+s20+$0x30 ss:$0x1], $0xffff  }
0x27: {  	v7 =	vld.idx.msk [tilespmem:v0+s20+$0xFFFFFFC0 ss:$0x1], $0xffff  }
0x28: {  	v5 =	vld.idx.msk [tilespmem:v0+s20+$0xFFFFFFD0 ss:$0x1], $0xffff  }
0x29: {  	v4 =	vld.idx.msk [tilespmem:v0+s20+$0xFFFFFFE0 ss:$0x1], $0xffff  }
0x2a: {  	v3 =	vld.idx.msk [tilespmem:v0+s20+$0xFFFFFFF0 ss:$0x1], $0xffff  }
0x2b: {  	v1 =	vld.idx.msk [tilespmem:v0+s20+$0x0 ss:$0x1], $0xffff  }
0x2c: {  	v2 =	vld.idx.msk [tilespmem:v0+s20+$0x10 ss:$0x1], $0xffff;
	[tilespmem:s16+$0x30] =	vst v6  }
0x2d: {  	s19 =	simm.s32 $0x80;
	s21 =	simm.s32 $0x400;
	[tilespmem:s16+$0xFFFFFFC0] =	vst v7;
	v6 =	vld.idx.msk [tilespmem:v0+s20+$0x20 ss:$0x1], $0xffff;
	s20 =	smov.u32 s16  }
.LBB1_5:
0x2e: {  	p1 =	sne.s32 s21, $0xE00;
	v7 =	vld.idx.msk [tilespmem:v0+s19+$0x30 ss:$0x1], $0xffff;
	[tilespmem:s20+$0xFFFFFFD0] =	vst v5  }
0x2f: {  	v8 =	vld.idx.msk [tilespmem:v0+s19+$0xFFFFFFC0 ss:$0x1], $0xffff;
	[tilespmem:s20+$0xFFFFFFE0] =	vst v4  }
0x30: {  	v5 =	vld.idx.msk [tilespmem:v0+s19+$0xFFFFFFD0 ss:$0x1], $0xffff;
	[tilespmem:s20+$0xFFFFFFF0] =	vst v3  }
.Ltmp3:
0x31: {  	v4 =	vld.idx.msk [tilespmem:v0+s19+$0xFFFFFFE0 ss:$0x1], $0xffff;
	[tilespmem:s20+$0x0] =	vst v1;
	(pc) =	sbr.rel @p1 .LBB1_5-.Ltmp3, $4  }
0x32: {  	v3 =	vld.idx.msk [tilespmem:v0+s19+$0xFFFFFFF0 ss:$0x1], $0xffff;
	[tilespmem:s20+$0x10] =	vst v2  }
0x33: {  	v1 =	vld.idx.msk [tilespmem:v0+s19+$0x0 ss:$0x1], $0xffff;
	[tilespmem:s20+$0x20] =	vst v6;
	s20 =	sadd.s32 $0x400, s20  }
0x34: {  	v2 =	vld.idx.msk [tilespmem:v0+s19+$0x10 ss:$0x1], $0xffff;
	[tilespmem:s20+$0x30] =	vst v7  }
0x35: {  	[tilespmem:s20+$0xFFFFFFC0] =	vst v8;
	v6 =	vld.idx.msk [tilespmem:v0+s19+$0x20 ss:$0x1], $0xffff;
	s19 =	sshra.s32 s21, $0x2;
	s21 =	sadd.s32 $0x200, s21  }
0x36: {  	_ =	sdelay $0x2  }
0x37: {  	[tilespmem:s20+$0xFFFFFFD0] =	vst v5  }
0x38: {  	v56 =	vld.idx.msk [tilespmem:v0+s19+$0x30 ss:$0x1], $0xffff;
	[tilespmem:s20+$0xFFFFFFE0] =	vst v4  }
0x39: {  	v57 =	vld.idx.msk [tilespmem:v0+s19+$0xFFFFFFC0 ss:$0x1], $0xffff;
	[tilespmem:s20+$0xFFFFFFF0] =	vst v3  }
0x3a: {  	v58 =	vld.idx.msk [tilespmem:v0+s19+$0xFFFFFFD0 ss:$0x1], $0xffff;
	[tilespmem:s20+$0x0] =	vst v1  }
0x3b: {  	v59 =	vld.idx.msk [tilespmem:v0+s19+$0xFFFFFFE0 ss:$0x1], $0xffff;
	[tilespmem:s20+$0x10] =	vst v2  }
0x3c: {  	v60 =	vld.idx.msk [tilespmem:v0+s19+$0xFFFFFFF0 ss:$0x1], $0xffff;
	s31 =	sadd.s32 $0x400, s20;
	[tilespmem:s20+$0x20] =	vst v6  }
0x3d: {  	v61 =	vld.idx.msk [tilespmem:v0+s19+$0x0 ss:$0x1], $0xffff;
	[tilespmem:s31+$0x30] =	vst v56  }
0x3e: {  	v62 =	vld.idx.msk [tilespmem:v0+s19+$0x10 ss:$0x1], $0xffff;
	s18 =	sadd.s32 $0x1, s18;
	[tilespmem:s31+$0xFFFFFFC0] =	vst v57  }
0x3f: {  	v63 =	vld.idx.msk [tilespmem:v0+s19+$0x20 ss:$0x1], $0xffff;
	p1 =	sne.s32 s18, $0x8;
	[tilespmem:s31+$0xFFFFFFD0] =	vst v58  }
.Ltmp4:
0x40: {  	[tilespmem:s31+$0xFFFFFFE0] =	vst v59;
	(pc) =	sbr.rel @p1 .LBB1_4-.Ltmp4, $4  }
0x41: {  	[tilespmem:s31+$0xFFFFFFF0] =	vst v60  }
0x42: {  	[tilespmem:s31+$0x0] =	vst v61  }
0x43: {  	[tilespmem:s31+$0x10] =	vst v62  }
0x44: {  	s16 =	sadd.s32 $0x80, s16;
	s17 =	sadd.s32 $0x400, s17;
	[tilespmem:s31+$0x20] =	vst v63  }
.Ltmp5:
0x45: {  	(pc) =	sbr.rel @p0 .LBB1_3-.Ltmp5, $2  }
0x46: {  	_ =	sdelay $0x2  }
0x47: {  	s16 =	simm.s32 $0x2000;
	p1 =	por $0x0, $0x0  }
.Ltmp6:
0x48: {  	(pc) =	sbr.rel .LBB1_9-.Ltmp6, $4  }
0x49: {  	_ = 	snop  }
0x4a: {  	s12 =	sshll.u32 s12, $0xA  }
0x4b: {  	s12 =	sadd.s32 s4, s12  }
0x4c: {  	[hbm4b:s12+s8] =	stream.linear.scatter [tilespmem:s13], [sflag:$0x2], $0x4000, $0x38;
	[tilespmem:$0x10000] =	vst v63  }
.LBB1_10:
0x4d: {  	_ =	sfence.sel $0x180000  }
0x4e: {  	s2 =	simm.s32 $0x1;
	[bflag:$0x0] =	sbarrier.arrive $0xFFFF  }
0x4f: {  	s31 =	simm.s32 $0x2;
	[sflag:s2] =	ssyncpa.u1 $0x1  }
0x50: {  	[sflag:s31] =	ssyncpa.u1 $0x1  }
0x51: {  	p0 =	sne.s32 s0, $0x0;
	_ =	strace $0x9000004A  }
0x52: {  	s0 =	sadd.s32 @!p0 $0x100000, s1;
	[bflag:$0x2] =	sbarrier.arrive $0xFFFF  }
0x53: {  	[sflag:s0] =	ssyncadd.tile.s32 @!p0 $0x1;
	_ =	shalt  }
.Lfunc_end1:
_tile_overlayer_lowered:
.L_overlay_start_2:
0x54: {  	(tag) =	ssettag $0x2  }
0x55: {  	s0 =	rddreg [dreg:$0x0];
	s2 =	stileid.u32  }
0x56: {  	s1 =	rddreg [dreg:$0x1];
	p0 =	sne.s32 s2, $0x0  }
0x57: {  	s3 =	rddreg [dreg:$0x2];
	[bflag:$0x3] =	sbarrier.arrive $0xFFFF;
	s2 =	simm.s32 @!p0 $0x1C01  }
0x58: {  	[timem:s3], [sflag:s2] =	dma.local @!p0 [hbm:s0], s1  }
0x59: {  	s0 =	simm.s32 @!p0 $0x1  }
0x5a: {  	_ =	swait.ge @!p0 [sflag:s0], s1  }
0x5b: {  	s1 =	ssub.s32 @!p0 $0x0, s1;
	[sflag:s0] =	ssyncset.done @!p0 $0x0  }
0x5c: {  	[sflag:s0] =	ssyncadd.s32 @!p0 s1  }
0x5d: {  	[bflag:$0x3] =	sbarrier.arrive $0xFFFF  }
0x5e: {  	_ =	shalt  }

// kernel: sparse-core-data-format-call.cloned.1.call-start
scs
called_computation_lowered:
.L_overlay_start_0:
0x0: {  	s2 =	sld [smem:$0x3FD9]  }
0x1: {  	s3 =	sld [smem:$0x3FFE];
	_ =	sdelay $0x1  }
0x2: {  	s1 =	srdreg.scid  }
0x3: {  	s0 =	sand.u32 $0x1, s1  }
0x4: {  	s18 =	sshll.u32 s0, $0xA;
	s2 =	sadd.s32 s3, s2  }
0x5: {  	s2 =	sadd.s32 s2, s18  }
0x6: {  	[smem:$0x3FC6] =	sst s2  }
0x7: {  	_ = 	snop  }
0x8: {  	s2 =	sld [smem:$0x3FC8];
	(tm) =	ssettm $0x1  }
0x9: {  	s19 =	sld [smem:$0x3FFB];
	_ =	sdelay $0x3  }
0xa: {  	_ =	strace s19  }
0xb: {  	s3 =	sld [smem:$0x3FFC];
	_ =	sdelay $0x3  }
0xc: {  	_ =	strace s3  }
0xd: {  	s3 =	sld [smem:$0x3FFD];
	_ =	sdelay $0x3  }
0xe: {  	_ =	strace s3  }
0xf: {  	_ =	strace $0x8FFFFFFF  }
0x10: {  	s20 =	sld [smem:$0x3FDB];
	_ =	sdelay $0x1  }
0x11: {  	s4 =	simm.s32 $_scs_section_size  }
0x12: {  	s5 =	simm.s32 $_size__tile_overlayer_lowered;
	s6 =	simm.s32 $_tile_overlayer_lowered  }
0x13: {  	s23 =	simm.s32 $0x1BFF;
	s22 =	sshll.u32 s6, $0x1;
	s3 =	sadd.s32 s4, s20  }
0x14: {  	s7 =	simm.s32 $0x0;
	s21 =	sshll.u32 s5, $0x1;
	s5 =	sadd.s32 s22, s3  }
0x15: {  	[timem:s7], [sflag:s23] =	dma.local [hbm:s5], s21  }
0x16: {  	_ =	swait.ge [sflag:s23], s21  }
0x17: {  	s4 =	ssub.s32 $0x0, s21;
	[sflag:s23] =	ssyncset.done $0x0  }
0x18: {  	[sflag:s23] =	ssyncadd.s32 s4;
	_ =	sdelay $0x1  }
0x19: {  	s24 =	simm.s32 $0x1B8B  }
0x1a: {  	_ =	swait.ge [sflag:s24], $0x1  }
0x1b: {  	[sflag:s24] =	ssyncset.done $0x0  }
0x1c: {  	s26 =	simm.s32 $0x1B8E;
	s25 =	sld [smem:$0x3FFE];
	[sflag:s24] =	ssyncadd.s32 $0xFFFFFFFF  }
0x1d: {  	s27 =	simm.s32 $execute0_lowered;
	[smem:$0x3FD2] =	sst s26  }
0x1e: {  	s5 =	sshll.u32 s27, $0x1;
	_ =	strace $0x80000046;
	[dreg:$0x1] =	wrdreg $0xFFFFFFFF  }
0x1f: {  	s28 =	simm.s32 $_size_execute0_lowered;
	s3 =	sadd.s32 s3, s5;
	[dreg:$0x0] =	wrdreg $0x0  }
0x20: {  	s5 =	sshll.u32 s28, $0x1;
	[dreg:$0x2] =	wrdreg s3  }
0x21: {  	[dreg:$0x3] =	wrdreg s5  }
0x22: {  	[dreg:$0x4] =	wrdreg $0xC0  }
0x23: {  	_ =	task [dreg:s7], $0x5FFFF  }
0x24: {  	[dreg:$0x1] =	wrdreg $0xFFFFFFFF  }
0x25: {  	[dreg:$0x0] =	wrdreg $0x60  }
0x26: {  	[dreg:$0x2] =	wrdreg s2  }
0x27: {  	[dreg:$0x3] =	wrdreg s25  }
0x28: {  	[dreg:$0x4] =	wrdreg $0x9  }
0x29: {  	_ =	task.clear_ibuf [dreg:s7], $0x5FFFF;
	_ =	strace $0x90000046  }
0x2a: {  	s29 =	simm.s32 $0x9;
	_ =	strace $0x80000048  }
0x2b: {  	_ =	swait.ge [sflag:s29], $0x1  }
0x2c: {  	[sflag:s29] =	ssyncadd.s32 $0xFFFFFFFF  }
0x2d: {  	_ =	strace $0x90000048  }
0x2e: {  	_ =	sfence  }
0x2f: {  	s30 =	sld [smem:$0x0];
	_ =	sdelay $0x2  }
0x30: {  	s31 =	sshll.u32 s1, $0xD;
	s1 =	sshrl.u32 s1, $0x2  }
0x31: {  	s3 =	sand.u32 $0x4000, s31;
	s1 =	sadd.s32 s1, s30  }
0x32: {  	s0 =	sor.u32 s3, s0;
	s1 =	sshll.u32 s1, $0x11  }
0x33: {  	s0 =	sor.u32 s1, s0  }
0x34: {  	s0 =	sadd.s32 $0x8F2B, s0  }
0x35: {  	[sflag:s0] =	ssyncadd.remote.s32 $0x1  }
0x36: {  	_ =	sfence.sel $0xFFFF  }
0x37: {  	[dreg:$0x0] =	wrdreg $0xFFFFFFFF;
	(pc) =	sbr.abs _section_cstart, $3  }
0x38: {  	[dreg:$0x1] =	wrdreg $0xFFFFFFFF  }
0x39: {  	_ =	task.clear_ibuf [dreg:s7], $0x2FFFF;
	_ =	strace $0x9FFFFFFF  }
0x3a: {  	(tm) =	ssettm $0x7FFFFFFF  }
0x3b: {  	_ =	shalt  }
tec
execute0_lowered:
.L_overlay_start_1:
0x0: {  	(tag) =	ssettag $0x1  }
0x1: {  	s0 =	srdreg.scid  }
0x2: {  	s1 =	sshll.u32 s0, $0x4  }
0x3: {  	s2 =	rddreg [dreg:$0x0];
	s0 =	stileid.u32;
	s1 =	sand.u32 $0x10, s1  }
0x4: {  	s4 =	rddreg [dreg:$0x1];
	s7 =	simm.s32 $0x1;
	s1 =	sor.u32 s0, s1  }
0x5: {  	s8 =	simm.s32 $0x2;
	s9 =	simm.s32 $0x0;
	s3 =	sshll.u32 s1, $0x1  }
0x6: {  	s12 =	simm.s32 $0x0;
	s11 =	simm.s32 $0x0;
	s6 =	ssub.s32 $0x400, s3  }
.Ltmp0:
0x7: {  	s4 =	sadd.s32 $0xC00, s4;
	s5 =	sand.u32 $0x3E, s6;
	(pc) =	sbr.rel .LBB1_1-.Ltmp0, $4  }
0x8: {  	s1 =	rddreg [dreg:$0x2];
	_ =	strace $0x80000047;
	p0 =	sne.s32 s5, $0x0  }
0x9: {  	s6 =	sshrl.u32 s6, $0x6;
	s5 =	simm.s32 $0x1;
	s7 =	simm.s32 @!p0 $0x0  }
0xa: {  	s10 =	smov.u32 s3;
	[sflag:s5] =	ssyncpa.u1 $0x0;
	s6 =	sadd.s32 s7, s6  }
0xb: {  	[sflag:s8] =	ssyncpa.u1 $0x0;
	s8 =	simm.s32 $0x0;
	s7 =	sadd.s32 $0x1, s6  }
.LBB1_9:
0xc: {  	s14 =	sadd.s32 $0x40, s10  }
0xd: {  	p1 =	sgt.s32 s14, $0x3FF  }
0xe: {  	s14 =	smov.u32 @p1 s3;
	p1 =	sne.s32 s11, s7  }
.Ltmp1:
0xf: {  	p0 =	slt.u32 s11, $0x2;
	(pc) =	sbr.rel @!p1 .LBB1_10-.Ltmp1, $4  }
0x10: {  	s13 =	simm.s32 @!p0 $0x2  }
0x11: {  	s15 =	sadd.s32 $0x1, s11;
	_ =	swait.ge @!p0 [sflag:s13], $0x4000  }
0x12: {  	s12 =	smov.u32 s10;
	s9 =	sadd.s32 $0x4000, s9;
	[sflag:s13] =	ssyncset.done @!p0 $0x0  }
0x13: {  	s11 =	smov.u32 s15;
	s10 =	smov.u32 s14;
	[sflag:s13] =	ssyncadd.s32 @!p0 $0xFFFFC000  }
.LBB1_1:
0x14: {  	p0 =	sge.u32 s11, s6  }
0x15: {  	s13 =	sxor.u32 @!p0 $0xFFFFFFFF, s11  }
0x16: {  	s31 =	sadd.s32 $0xFFFFFFFF, s11;
	s14 =	sshll.u32 @!p0 s10, $0xA;
	s13 =	sshll.u32 @!p0 s13, $0xE  }
0x17: {  	s15 =	simm.s32 @!p0 $0x0;
	s14 =	sadd.s32 @!p0 s2, s14;
	s13 =	sand.u32 @!p0 $0x4000, s13  }
0x18: {  	[tilespmem:s13], [sflag:$0x1] =	stream.linear.gather @!p0 [hbm4b:s14+s15], $0x4000, $0x38;
	[tilespmem:$0x10000] =	vst v63  }
0x19: {  	p0 =	sge.u32 s31, s6  }
.Ltmp2:
0x1a: {  	_ = 	snop;
	(pc) =	sbr.rel @p0 .LBB1_9-.Ltmp2, $1  }
0x1b: {  	_ =	sdelay $0x3  }
0x1c: {  	s13 =	sshll.u32 s9, $0x2  }
0x1d: {  	_ =	swait.ge [sflag:s5], $0x4000;
	s14 =	sshll.u32 s11, $0xE;
	s16 =	simm.s32 $0x0  }
0x1e: {  	p1 =	por $0x1, $0x1;
	s13 =	sand.u32 $0x10000, s13;
	[sflag:s5] =	ssyncset.done $0x0  }
0x1f: {  	s14 =	sand.u32 $0x4000, s14;
	s15 =	sshrl.u32 s13, $0x2;
	[sflag:s5] =	ssyncadd.s32 $0xFFFFC000  }
0x20: {  	s13 =	sor.u32 $0x8000, s14;
	s14 =	sadd.s32 $0x8040, s15;
	s15 =	sadd.s32 $0x40, s15  }
.LBB1_3:
0x21: {  	s16 =	sshll.u32 s16, $0x2  }
0x22: {  	p0 =	por p1, p1;
	s17 =	sshra.s32 s16, $0x2  }
0x23: {  	s18 =	simm.s32 $0x0;
	s16 =	sadd.s32 s17, s14;
	s17 =	sadd.s32 s17, s15  }
.LBB1_4:
0x24: {  	v0 =	vmov s17;
	_ =	sdelay $0x3  }
0x25: {  	s20 =	simm.s32 $0x0  }
0x26: {  	v6 =	vld.idx.msk [tilespmem:v0+s20+$0x30 ss:$0x1], $0xffff  }
0x27: {  	v7 =	vld.idx.msk [tilespmem:v0+s20+$0xFFFFFFC0 ss:$0x1], $0xffff  }
0x28: {  	v5 =	vld.idx.msk [tilespmem:v0+s20+$0xFFFFFFD0 ss:$0x1], $0xffff  }
0x29: {  	v4 =	vld.idx.msk [tilespmem:v0+s20+$0xFFFFFFE0 ss:$0x1], $0xffff  }
0x2a: {  	v3 =	vld.idx.msk [tilespmem:v0+s20+$0xFFFFFFF0 ss:$0x1], $0xffff  }
0x2b: {  	v1 =	vld.idx.msk [tilespmem:v0+s20+$0x0 ss:$0x1], $0xffff  }
0x2c: {  	v2 =	vld.idx.msk [tilespmem:v0+s20+$0x10 ss:$0x1], $0xffff;
	[tilespmem:s16+$0x30] =	vst v6  }
0x2d: {  	s19 =	simm.s32 $0x80;
	s21 =	simm.s32 $0x400;
	[tilespmem:s16+$0xFFFFFFC0] =	vst v7;
	v6 =	vld.idx.msk [tilespmem:v0+s20+$0x20 ss:$0x1], $0xffff;
	s20 =	smov.u32 s16  }
.LBB1_5:
0x2e: {  	p1 =	sne.s32 s21, $0xE00;
	v7 =	vld.idx.msk [tilespmem:v0+s19+$0x30 ss:$0x1], $0xffff;
	[tilespmem:s20+$0xFFFFFFD0] =	vst v5  }
0x2f: {  	v8 =	vld.idx.msk [tilespmem:v0+s19+$0xFFFFFFC0 ss:$0x1], $0xffff;
	[tilespmem:s20+$0xFFFFFFE0] =	vst v4  }
0x30: {  	v5 =	vld.idx.msk [tilespmem:v0+s19+$0xFFFFFFD0 ss:$0x1], $0xffff;
	[tilespmem:s20+$0xFFFFFFF0] =	vst v3  }
.Ltmp3:
0x31: {  	v4 =	vld.idx.msk [tilespmem:v0+s19+$0xFFFFFFE0 ss:$0x1], $0xffff;
	[tilespmem:s20+$0x0] =	vst v1;
	(pc) =	sbr.rel @p1 .LBB1_5-.Ltmp3, $4  }
0x32: {  	v3 =	vld.idx.msk [tilespmem:v0+s19+$0xFFFFFFF0 ss:$0x1], $0xffff;
	[tilespmem:s20+$0x10] =	vst v2  }
0x33: {  	v1 =	vld.idx.msk [tilespmem:v0+s19+$0x0 ss:$0x1], $0xffff;
	[tilespmem:s20+$0x20] =	vst v6;
	s20 =	sadd.s32 $0x400, s20  }
0x34: {  	v2 =	vld.idx.msk [tilespmem:v0+s19+$0x10 ss:$0x1], $0xffff;
	[tilespmem:s20+$0x30] =	vst v7  }
0x35: {  	[tilespmem:s20+$0xFFFFFFC0] =	vst v8;
	v6 =	vld.idx.msk [tilespmem:v0+s19+$0x20 ss:$0x1], $0xffff;
	s19 =	sshra.s32 s21, $0x2;
	s21 =	sadd.s32 $0x200, s21  }
0x36: {  	_ =	sdelay $0x2  }
0x37: {  	[tilespmem:s20+$0xFFFFFFD0] =	vst v5  }
0x38: {  	v56 =	vld.idx.msk [tilespmem:v0+s19+$0x30 ss:$0x1], $0xffff;
	[tilespmem:s20+$0xFFFFFFE0] =	vst v4  }
0x39: {  	v57 =	vld.idx.msk [tilespmem:v0+s19+$0xFFFFFFC0 ss:$0x1], $0xffff;
	[tilespmem:s20+$0xFFFFFFF0] =	vst v3  }
0x3a: {  	v58 =	vld.idx.msk [tilespmem:v0+s19+$0xFFFFFFD0 ss:$0x1], $0xffff;
	[tilespmem:s20+$0x0] =	vst v1  }
0x3b: {  	v59 =	vld.idx.msk [tilespmem:v0+s19+$0xFFFFFFE0 ss:$0x1], $0xffff;
	[tilespmem:s20+$0x10] =	vst v2  }
0x3c: {  	v60 =	vld.idx.msk [tilespmem:v0+s19+$0xFFFFFFF0 ss:$0x1], $0xffff;
	s31 =	sadd.s32 $0x400, s20;
	[tilespmem:s20+$0x20] =	vst v6  }
0x3d: {  	v61 =	vld.idx.msk [tilespmem:v0+s19+$0x0 ss:$0x1], $0xffff;
	[tilespmem:s31+$0x30] =	vst v56  }
0x3e: {  	v62 =	vld.idx.msk [tilespmem:v0+s19+$0x10 ss:$0x1], $0xffff;
	s18 =	sadd.s32 $0x1, s18;
	[tilespmem:s31+$0xFFFFFFC0] =	vst v57  }
0x3f: {  	v63 =	vld.idx.msk [tilespmem:v0+s19+$0x20 ss:$0x1], $0xffff;
	p1 =	sne.s32 s18, $0x8;
	[tilespmem:s31+$0xFFFFFFD0] =	vst v58  }
.Ltmp4:
0x40: {  	[tilespmem:s31+$0xFFFFFFE0] =	vst v59;
	(pc) =	sbr.rel @p1 .LBB1_4-.Ltmp4, $4  }
0x41: {  	[tilespmem:s31+$0xFFFFFFF0] =	vst v60  }
0x42: {  	[tilespmem:s31+$0x0] =	vst v61  }
0x43: {  	[tilespmem:s31+$0x10] =	vst v62  }
0x44: {  	s16 =	sadd.s32 $0x80, s16;
	s17 =	sadd.s32 $0x400, s17;
	[tilespmem:s31+$0x20] =	vst v63  }
.Ltmp5:
0x45: {  	(pc) =	sbr.rel @p0 .LBB1_3-.Ltmp5, $2  }
0x46: {  	_ =	sdelay $0x2  }
0x47: {  	s16 =	simm.s32 $0x2000;
	p1 =	por $0x0, $0x0  }
.Ltmp6:
0x48: {  	(pc) =	sbr.rel .LBB1_9-.Ltmp6, $4  }
0x49: {  	_ = 	snop  }
0x4a: {  	s12 =	sshll.u32 s12, $0xA  }
0x4b: {  	s12 =	sadd.s32 s4, s12  }
0x4c: {  	[hbm4b:s12+s8] =	stream.linear.scatter [tilespmem:s13], [sflag:$0x2], $0x4000, $0x38;
	[tilespmem:$0x10000] =	vst v63  }
.LBB1_10:
0x4d: {  	_ =	sfence.sel $0x180000  }
0x4e: {  	s2 =	simm.s32 $0x1;
	[bflag:$0x0] =	sbarrier.arrive $0xFFFF  }
0x4f: {  	s31 =	simm.s32 $0x2;
	[sflag:s2] =	ssyncpa.u1 $0x1  }
0x50: {  	[sflag:s31] =	ssyncpa.u1 $0x1  }
0x51: {  	p0 =	sne.s32 s0, $0x0;
	_ =	strace $0x90000047  }
0x52: {  	s0 =	sadd.s32 @!p0 $0x100000, s1;
	[bflag:$0x2] =	sbarrier.arrive $0xFFFF  }
0x53: {  	[sflag:s0] =	ssyncadd.tile.s32 @!p0 $0x1;
	_ =	shalt  }
.Lfunc_end1:
_tile_overlayer_lowered:
.L_overlay_start_2:
0x54: {  	(tag) =	ssettag $0x2  }
0x55: {  	s0 =	rddreg [dreg:$0x0];
	s2 =	stileid.u32  }
0x56: {  	s1 =	rddreg [dreg:$0x1];
	p0 =	sne.s32 s2, $0x0  }
0x57: {  	s3 =	rddreg [dreg:$0x2];
	[bflag:$0x3] =	sbarrier.arrive $0xFFFF;
	s2 =	simm.s32 @!p0 $0x1C01  }
0x58: {  	[timem:s3], [sflag:s2] =	dma.local @!p0 [hbm:s0], s1  }
0x59: {  	s0 =	simm.s32 @!p0 $0x1  }
0x5a: {  	_ =	swait.ge @!p0 [sflag:s0], s1  }
0x5b: {  	s1 =	ssub.s32 @!p0 $0x0, s1;
	[sflag:s0] =	ssyncset.done @!p0 $0x0  }
0x5c: {  	[sflag:s0] =	ssyncadd.s32 @!p0 s1  }
0x5d: {  	[bflag:$0x3] =	sbarrier.arrive $0xFFFF  }
0x5e: {  	_ =	shalt  }

</sc_bundles>
